<compile_context>
chip_gen: v7x
topology: tpu7x:2x2x1
jax: 0.10.2.dev20260603
libtpu: 0.0.44.dev20260713+nightly
codegen_flags: <defaults>
</compile_context>

<pallas_src>
import functools

import jax
import jax.numpy as jnp
from jax import lax
from jax.experimental import pallas as pl
from jax.experimental.pallas import tpu as pltpu
from jax.experimental.pallas import tpu_sc as plsc

N_NODES = 10000
D = 128

NC = 2
NS = 16
NW = NC * NS
CHUNK = 128
ROWS_PER_TILE = N_NODES // NW


def _matmul_body(x_ref, w_ref, o_ref):
    o_ref[...] = jnp.dot(x_ref[...], w_ref[...],
                         preferred_element_type=jnp.float32)


def _combine_body(p_ref, b_ref, o_ref):
    o_ref[...] = p_ref[0] + p_ref[1] + b_ref[...]


def _sc_body(n_chunks,
             src_hbm, dst_hbm, w_hbm, sup_hbm, out_hbm,
             src_v, dst_v, w_v, rows_v, acc_sh, sem):
    c = lax.axis_index("c")
    s = lax.axis_index("s")
    wid = s * NC + c

    pltpu.sync_copy(src_hbm.at[wid], src_v)
    pltpu.sync_copy(dst_hbm.at[wid], dst_v)
    pltpu.sync_copy(w_hbm.at[wid], w_v)

    zero = jnp.zeros((16,), jnp.float32)

    @pl.loop(0, 80)
    def _zero_rows(r):
        for a in range(8):
            rows_v[r, pl.ds(a * 16, 16)] = zero

    for k in range(8):
        blk = s * 8 + k

        @pl.when(blk < 125)
        def _():
            r0 = pl.multiple_of(blk * 80, 80)
            pltpu.sync_copy(rows_v.at[pl.ds(0, 80)],
                            acc_sh.at[pl.ds(r0, 80)])
    plsc.subcore_barrier()

    iota = lax.iota(jnp.int32, 16)

    @pl.loop(0, n_chunks)
    def _edge_chunk(j):
        pltpu.async_copy(sup_hbm.at[src_v.at[j]], rows_v, sem).wait()
        for a in range(8):
            wsub = w_v[j, pl.ds(a * 16, 16)]
            ridx = iota + a * 16

            @pl.loop(0, 16)
            def _cols(cc):
                for u in range(8):
                    cidx = jnp.full((16,), cc * 8 + u, jnp.int32)
                    vals = plsc.load_gather(rows_v, [ridx, cidx])
                    plsc.store_scatter(rows_v, [ridx, cidx], vals * wsub)
        pltpu.sync_copy(rows_v, acc_sh.at[dst_v.at[j]], add=True)

    plsc.subcore_barrier()

    for k in range(8):
        blk = s * 8 + k

        @pl.when(blk < 125)
        def _():
            r0 = pl.multiple_of(blk * 80, 80)
            pltpu.sync_copy(acc_sh.at[pl.ds(r0, 80)], rows_v.at[pl.ds(0, 80)])
            pltpu.sync_copy(rows_v.at[pl.ds(0, 80)],
                            out_hbm.at[c, pl.ds(r0, 80)])


def kernel(input, edge_index, edge_weight, W, b):
    n_edges = edge_weight.shape[0]
    per_w = -(-n_edges // (NW * CHUNK)) * CHUNK
    n_chunks = per_w // CHUNK
    ep = per_w * NW
    pad = ep - n_edges

    dst = edge_index[0].astype(jnp.int32)
    src = edge_index[1].astype(jnp.int32)
    w = edge_weight.astype(jnp.float32)
    if pad:
        zi = jnp.zeros((pad,), jnp.int32)
        dst = jnp.concatenate([dst, zi])
        src = jnp.concatenate([src, zi])
        w = jnp.concatenate([w, jnp.zeros((pad,), jnp.float32)])
    src3 = src.reshape(NW, n_chunks, CHUNK)
    dst3 = dst.reshape(NW, n_chunks, CHUNK)
    w3 = w.reshape(NW, n_chunks, CHUNK)

    n = input.shape[0]
    blk = 1000
    support = pl.pallas_call(
        _matmul_body,
        grid=(n // blk,),
        in_specs=[pl.BlockSpec((blk, D), lambda i: (i, 0)),
                  pl.BlockSpec((D, D), lambda i: (0, 0))],
        out_specs=pl.BlockSpec((blk, D), lambda i: (i, 0)),
        out_shape=jax.ShapeDtypeStruct((n, D), jnp.float32),
    )(input, W)

    mesh = plsc.VectorSubcoreMesh(core_axis_name="c", subcore_axis_name="s")
    partial = pl.kernel(
        functools.partial(_sc_body, n_chunks),
        out_type=jax.ShapeDtypeStruct((NC, N_NODES, D), jnp.float32),
        mesh=mesh,
        compiler_params=pltpu.CompilerParams(needs_layout_passes=False),
        scratch_types=[
            pltpu.VMEM((n_chunks, CHUNK), jnp.int32),
            pltpu.VMEM((n_chunks, CHUNK), jnp.int32),
            pltpu.VMEM((n_chunks, CHUNK), jnp.float32),
            pltpu.VMEM((CHUNK, D), jnp.float32),
            pltpu.VMEM_SHARED((N_NODES, D), jnp.float32),
            pltpu.SemaphoreType.DMA,
        ],
    )(src3, dst3, w3, support)

    out = pl.pallas_call(
        _combine_body,
        grid=(n // blk,),
        in_specs=[pl.BlockSpec((NC, blk, D), lambda i: (0, i, 0)),
                  pl.BlockSpec((D,), lambda i: (0,))],
        out_specs=pl.BlockSpec((blk, D), lambda i: (i, 0)),
        out_shape=jax.ShapeDtypeStruct((n, D), jnp.float32),
    )(partial, b)
    return out

# --- scband reference (transcript-rebuilt; emitter-appended) ---
"""Pipeline reference for scband-gcnlayer-51659866636455 (READ-ONLY COPY).

The authoritative reference and input builder live on the scoring server;
editing this copy changes nothing except your own understanding.
"""

import jax, jax.numpy as jnp
import numpy as np

N_NODES = 10000
N_EDGES = 320000
D_IN = 128
D_OUT = 128


def setup_inputs(seed: int = 0) -> dict:
    key = jax.random.key(seed)
    k1, k2, k3, k4, k5 = jax.random.split(key, 5)
    x = jax.random.normal(k1, (N_NODES, D_IN), dtype=jnp.float32)
    edge_index = jax.random.randint(k2, (2, N_EDGES), 0, N_NODES, dtype=jnp.int64)
    edge_weight = jax.random.uniform(k3, (N_EDGES,), dtype=jnp.float32)
    # Xavier-uniform weight, zero bias (mirrors reset_parameters)
    limit = float(np.sqrt(6.0 / (D_IN + D_OUT)))
    W = jax.random.uniform(k4, (D_IN, D_OUT), dtype=jnp.float32, minval=-limit, maxval=limit)
    b = jnp.zeros((D_OUT,), dtype=jnp.float32)
    return {"input": x, "edge_index": edge_index, "edge_weight": edge_weight, "W": W, "b": b}


def reference(input, edge_index, edge_weight, W, b):
    # support = X @ W
    support = jnp.dot(input, W)
    # output = adj_hat @ support, adj given in COO form:
    #   edge_index[0] = row (dst), edge_index[1] = col (src), edge_weight = values
    dst = edge_index[0]
    src = edge_index[1]
    msgs = edge_weight[:, None] * jnp.take(support, src, axis=0)
    output = jax.ops.segment_sum(msgs, dst, num_segments=N_NODES)
    # bias add
    return output + b

if __name__ == "__main__":
    import jax
    _d = setup_inputs()
    print(jax.jit(kernel)(*tuple(_d.values())))

</pallas_src>

<mosaic_0001>
#map = affine_map<(d0, d1) -> (0, 0, 0)>
#map1 = affine_map<(d0, d1) -> (0, 0)>
module attributes {stable_mosaic.version = 14 : i64} {
  func.func @_sc_body(%arg0: i32, %arg1: i32, %arg2: memref<32x79x128xi32, #tpu.memory_space<hbm>>, %arg3: memref<32x79x128xi32, #tpu.memory_space<hbm>>, %arg4: memref<32x79x128xf32, #tpu.memory_space<hbm>>, %arg5: memref<10000x128xf32, #tpu.memory_space<hbm>>, %arg6: memref<2x10000x128xf32, #tpu.memory_space<hbm>>, %arg7: memref<79x128xi32, #tpu.memory_space<vmem>>, %arg8: memref<79x128xi32, #tpu.memory_space<vmem>>, %arg9: memref<79x128xf32, #tpu.memory_space<vmem>>, %arg10: memref<128x128xf32, #tpu.memory_space<vmem>>, %arg11: memref<10000x128xf32, #tpu.memory_space<vmem_shared>>, %arg12: memref<!tpu.dma_semaphore, #tpu.memory_space<semaphore_mem>>) attributes {dimension_semantics = [#tpu.dimension_semantics<core_parallel>, #tpu.dimension_semantics<subcore_parallel>], iteration_bounds = array<i64: 2, 16>, scalar_prefetch = 0 : i64, scratch_operands = 6 : i64, tpu.core_type = #tpu.core_type<sc_vector_subcore>, window_params = [{transform_indices = #map}, {transform_indices = #map}, {transform_indices = #map}, {transform_indices = #map1}, {transform_indices = #map}]} {
    %mul3A = arith.constant 2 : i32
    %mul3A_0 = arith.muli %arg1, %mul3A : i32
    %add3A = arith.addi %mul3A_0, %arg0 : i32
    "tpu.region"() ({
      %run_scoped3A = tpu.sem_alloc : memref<!tpu.dma_semaphore, #tpu.memory_space<semaphore_mem>>
      %dma_start3A = arith.constant 0 : i32
      %dma_start3A_153 = arith.constant 0 : i32
      %dma_start3A_154 = tpu.memref_slice %arg2[%add3A, %dma_start3A, %dma_start3A_153] : memref<32x79x128xi32, #tpu.memory_space<hbm>> -> memref<1x79x128xi32, #tpu.memory_space<hbm>>
      %dma_start3A_155 = tpu.memref_squeeze %dma_start3A_154 : memref<1x79x128xi32, #tpu.memory_space<hbm>> -> memref<79x128xi32, #tpu.memory_space<hbm>>
      %dma_start3A_156 = arith.constant 0 : i32
      %dma_start3A_157 = arith.constant 0 : i32
      %dma_start3A_158 = tpu.memref_slice %arg2[%add3A, %dma_start3A_156, %dma_start3A_157] : memref<32x79x128xi32, #tpu.memory_space<hbm>> -> memref<1x79x128xi32, #tpu.memory_space<hbm>>
      %dma_start3A_159 = tpu.memref_squeeze %dma_start3A_158 : memref<1x79x128xi32, #tpu.memory_space<hbm>> -> memref<79x128xi32, #tpu.memory_space<hbm>>
      tpu.enqueue_dma source(%dma_start3A_159 : memref<79x128xi32, #tpu.memory_space<hbm>>) target(%arg7 : memref<79x128xi32, #tpu.memory_space<vmem>>) target_semaphore(%run_scoped3A : memref<!tpu.dma_semaphore, #tpu.memory_space<semaphore_mem>>)
      %dma_wait3A = arith.constant 0 : i32
      %dma_wait3A_160 = arith.constant 0 : i32
      %dma_wait3A_161 = tpu.memref_slice %arg2[%add3A, %dma_wait3A, %dma_wait3A_160] : memref<32x79x128xi32, #tpu.memory_space<hbm>> -> memref<1x79x128xi32, #tpu.memory_space<hbm>>
      %dma_wait3A_162 = tpu.memref_squeeze %dma_wait3A_161 : memref<1x79x128xi32, #tpu.memory_space<hbm>> -> memref<79x128xi32, #tpu.memory_space<hbm>>
      %dma_wait3A_163 = arith.constant 0 : i32
      %dma_wait3A_164 = arith.constant 0 : i32
      %dma_wait3A_165 = tpu.memref_slice %arg2[%add3A, %dma_wait3A_163, %dma_wait3A_164] : memref<32x79x128xi32, #tpu.memory_space<hbm>> -> memref<1x79x128xi32, #tpu.memory_space<hbm>>
      %dma_wait3A_166 = tpu.memref_squeeze %dma_wait3A_165 : memref<1x79x128xi32, #tpu.memory_space<hbm>> -> memref<79x128xi32, #tpu.memory_space<hbm>>
      tpu.wait_dma2 semaphore(%run_scoped3A : memref<!tpu.dma_semaphore, #tpu.memory_space<semaphore_mem>>) src(%dma_wait3A_166 : memref<79x128xi32, #tpu.memory_space<hbm>>) dst(%arg7 : memref<79x128xi32, #tpu.memory_space<vmem>>)
      tpu.yield
    }) : () -> ()
    "tpu.region"() ({
      %run_scoped3A = tpu.sem_alloc : memref<!tpu.dma_semaphore, #tpu.memory_space<semaphore_mem>>
      %dma_start3A = arith.constant 0 : i32
      %dma_start3A_153 = arith.constant 0 : i32
      %dma_start3A_154 = tpu.memref_slice %arg3[%add3A, %dma_start3A, %dma_start3A_153] : memref<32x79x128xi32, #tpu.memory_space<hbm>> -> memref<1x79x128xi32, #tpu.memory_space<hbm>>
      %dma_start3A_155 = tpu.memref_squeeze %dma_start3A_154 : memref<1x79x128xi32, #tpu.memory_space<hbm>> -> memref<79x128xi32, #tpu.memory_space<hbm>>
      %dma_start3A_156 = arith.constant 0 : i32
      %dma_start3A_157 = arith.constant 0 : i32
      %dma_start3A_158 = tpu.memref_slice %arg3[%add3A, %dma_start3A_156, %dma_start3A_157] : memref<32x79x128xi32, #tpu.memory_space<hbm>> -> memref<1x79x128xi32, #tpu.memory_space<hbm>>
      %dma_start3A_159 = tpu.memref_squeeze %dma_start3A_158 : memref<1x79x128xi32, #tpu.memory_space<hbm>> -> memref<79x128xi32, #tpu.memory_space<hbm>>
      tpu.enqueue_dma source(%dma_start3A_159 : memref<79x128xi32, #tpu.memory_space<hbm>>) target(%arg8 : memref<79x128xi32, #tpu.memory_space<vmem>>) target_semaphore(%run_scoped3A : memref<!tpu.dma_semaphore, #tpu.memory_space<semaphore_mem>>)
      %dma_wait3A = arith.constant 0 : i32
      %dma_wait3A_160 = arith.constant 0 : i32
      %dma_wait3A_161 = tpu.memref_slice %arg3[%add3A, %dma_wait3A, %dma_wait3A_160] : memref<32x79x128xi32, #tpu.memory_space<hbm>> -> memref<1x79x128xi32, #tpu.memory_space<hbm>>
      %dma_wait3A_162 = tpu.memref_squeeze %dma_wait3A_161 : memref<1x79x128xi32, #tpu.memory_space<hbm>> -> memref<79x128xi32, #tpu.memory_space<hbm>>
      %dma_wait3A_163 = arith.constant 0 : i32
      %dma_wait3A_164 = arith.constant 0 : i32
      %dma_wait3A_165 = tpu.memref_slice %arg3[%add3A, %dma_wait3A_163, %dma_wait3A_164] : memref<32x79x128xi32, #tpu.memory_space<hbm>> -> memref<1x79x128xi32, #tpu.memory_space<hbm>>
      %dma_wait3A_166 = tpu.memref_squeeze %dma_wait3A_165 : memref<1x79x128xi32, #tpu.memory_space<hbm>> -> memref<79x128xi32, #tpu.memory_space<hbm>>
      tpu.wait_dma2 semaphore(%run_scoped3A : memref<!tpu.dma_semaphore, #tpu.memory_space<semaphore_mem>>) src(%dma_wait3A_166 : memref<79x128xi32, #tpu.memory_space<hbm>>) dst(%arg8 : memref<79x128xi32, #tpu.memory_space<vmem>>)
      tpu.yield
    }) : () -> ()
    "tpu.region"() ({
      %run_scoped3A = tpu.sem_alloc : memref<!tpu.dma_semaphore, #tpu.memory_space<semaphore_mem>>
      %dma_start3A = arith.constant 0 : i32
      %dma_start3A_153 = arith.constant 0 : i32
      %dma_start3A_154 = tpu.memref_slice %arg4[%add3A, %dma_start3A, %dma_start3A_153] : memref<32x79x128xf32, #tpu.memory_space<hbm>> -> memref<1x79x128xf32, #tpu.memory_space<hbm>>
      %dma_start3A_155 = tpu.memref_squeeze %dma_start3A_154 : memref<1x79x128xf32, #tpu.memory_space<hbm>> -> memref<79x128xf32, #tpu.memory_space<hbm>>
      %dma_start3A_156 = arith.constant 0 : i32
      %dma_start3A_157 = arith.constant 0 : i32
      %dma_start3A_158 = tpu.memref_slice %arg4[%add3A, %dma_start3A_156, %dma_start3A_157] : memref<32x79x128xf32, #tpu.memory_space<hbm>> -> memref<1x79x128xf32, #tpu.memory_space<hbm>>
      %dma_start3A_159 = tpu.memref_squeeze %dma_start3A_158 : memref<1x79x128xf32, #tpu.memory_space<hbm>> -> memref<79x128xf32, #tpu.memory_space<hbm>>
      tpu.enqueue_dma source(%dma_start3A_159 : memref<79x128xf32, #tpu.memory_space<hbm>>) target(%arg9 : memref<79x128xf32, #tpu.memory_space<vmem>>) target_semaphore(%run_scoped3A : memref<!tpu.dma_semaphore, #tpu.memory_space<semaphore_mem>>)
      %dma_wait3A = arith.constant 0 : i32
      %dma_wait3A_160 = arith.constant 0 : i32
      %dma_wait3A_161 = tpu.memref_slice %arg4[%add3A, %dma_wait3A, %dma_wait3A_160] : memref<32x79x128xf32, #tpu.memory_space<hbm>> -> memref<1x79x128xf32, #tpu.memory_space<hbm>>
      %dma_wait3A_162 = tpu.memref_squeeze %dma_wait3A_161 : memref<1x79x128xf32, #tpu.memory_space<hbm>> -> memref<79x128xf32, #tpu.memory_space<hbm>>
      %dma_wait3A_163 = arith.constant 0 : i32
      %dma_wait3A_164 = arith.constant 0 : i32
      %dma_wait3A_165 = tpu.memref_slice %arg4[%add3A, %dma_wait3A_163, %dma_wait3A_164] : memref<32x79x128xf32, #tpu.memory_space<hbm>> -> memref<1x79x128xf32, #tpu.memory_space<hbm>>
      %dma_wait3A_166 = tpu.memref_squeeze %dma_wait3A_165 : memref<1x79x128xf32, #tpu.memory_space<hbm>> -> memref<79x128xf32, #tpu.memory_space<hbm>>
      tpu.wait_dma2 semaphore(%run_scoped3A : memref<!tpu.dma_semaphore, #tpu.memory_space<semaphore_mem>>) src(%dma_wait3A_166 : memref<79x128xf32, #tpu.memory_space<hbm>>) dst(%arg9 : memref<79x128xf32, #tpu.memory_space<vmem>>)
      tpu.yield
    }) : () -> ()
    %broadcast_in_dim3A = arith.constant 0.000000e+00 : f32
    %broadcast_in_dim3A_1 = vector.broadcast %broadcast_in_dim3A : f32 to vector<16xf32>
    %scan3A = arith.constant 0 : i32
    %scan3A_2 = arith.constant 80 : i32
    %scan3A_3 = arith.addi %scan3A, %scan3A_2 : i32
    %scan3A_4 = arith.constant 1 : i32
    scf.for %scan3A_153 = %scan3A to %scan3A_3 step %scan3A_4  : i32 {
      %mul3A_154 = arith.constant 1 : i32
      %mul3A_155 = arith.muli %scan3A_153, %mul3A_154 : i32
      %add3A_156 = arith.constant 0 : i32
      %add3A_157 = arith.addi %add3A_156, %mul3A_155 : i32
      %swap3A = arith.index_cast %add3A_157 : i32 to index
      %swap3A_158 = arith.constant 0 : index
      %swap3A_159 = tpu.vector_load %arg10[%swap3A, %swap3A_158] {strides = array<i32>} : memref<128x128xf32, #tpu.memory_space<vmem>>, vector<16xf32>,
      tpu.vector_store %arg10[%swap3A, %swap3A_158], %broadcast_in_dim3A_1 {strides = array<i32>} : memref<128x128xf32, #tpu.memory_space<vmem>>, vector<16xf32>,
      %swap3A_160 = arith.index_cast %add3A_157 : i32 to index
      %swap3A_161 = arith.constant 16 : index
      %swap3A_162 = tpu.vector_load %arg10[%swap3A_160, %swap3A_161] {strides = array<i32>} : memref<128x128xf32, #tpu.memory_space<vmem>>, vector<16xf32>,
      tpu.vector_store %arg10[%swap3A_160, %swap3A_161], %broadcast_in_dim3A_1 {strides = array<i32>} : memref<128x128xf32, #tpu.memory_space<vmem>>, vector<16xf32>,
      %swap3A_163 = arith.index_cast %add3A_157 : i32 to index
      %swap3A_164 = arith.constant 32 : index
      %swap3A_165 = tpu.vector_load %arg10[%swap3A_163, %swap3A_164] {strides = array<i32>} : memref<128x128xf32, #tpu.memory_space<vmem>>, vector<16xf32>,
      tpu.vector_store %arg10[%swap3A_163, %swap3A_164], %broadcast_in_dim3A_1 {strides = array<i32>} : memref<128x128xf32, #tpu.memory_space<vmem>>, vector<16xf32>,
      %swap3A_166 = arith.index_cast %add3A_157 : i32 to index
      %swap3A_167 = arith.constant 48 : index
      %swap3A_168 = tpu.vector_load %arg10[%swap3A_166, %swap3A_167] {strides = array<i32>} : memref<128x128xf32, #tpu.memory_space<vmem>>, vector<16xf32>,
      tpu.vector_store %arg10[%swap3A_166, %swap3A_167], %broadcast_in_dim3A_1 {strides = array<i32>} : memref<128x128xf32, #tpu.memory_space<vmem>>, vector<16xf32>,
      %swap3A_169 = arith.index_cast %add3A_157 : i32 to index
      %swap3A_170 = arith.constant 64 : index
      %swap3A_171 = tpu.vector_load %arg10[%swap3A_169, %swap3A_170] {strides = array<i32>} : memref<128x128xf32, #tpu.memory_space<vmem>>, vector<16xf32>,
      tpu.vector_store %arg10[%swap3A_169, %swap3A_170], %broadcast_in_dim3A_1 {strides = array<i32>} : memref<128x128xf32, #tpu.memory_space<vmem>>, vector<16xf32>,
      %swap3A_172 = arith.index_cast %add3A_157 : i32 to index
      %swap3A_173 = arith.constant 80 : index
      %swap3A_174 = tpu.vector_load %arg10[%swap3A_172, %swap3A_173] {strides = array<i32>} : memref<128x128xf32, #tpu.memory_space<vmem>>, vector<16xf32>,
      tpu.vector_store %arg10[%swap3A_172, %swap3A_173], %broadcast_in_dim3A_1 {strides = array<i32>} : memref<128x128xf32, #tpu.memory_space<vmem>>, vector<16xf32>,
      %swap3A_175 = arith.index_cast %add3A_157 : i32 to index
      %swap3A_176 = arith.constant 96 : index
      %swap3A_177 = tpu.vector_load %arg10[%swap3A_175, %swap3A_176] {strides = array<i32>} : memref<128x128xf32, #tpu.memory_space<vmem>>, vector<16xf32>,
      tpu.vector_store %arg10[%swap3A_175, %swap3A_176], %broadcast_in_dim3A_1 {strides = array<i32>} : memref<128x128xf32, #tpu.memory_space<vmem>>, vector<16xf32>,
      %swap3A_178 = arith.index_cast %add3A_157 : i32 to index
      %swap3A_179 = arith.constant 112 : index
      %swap3A_180 = tpu.vector_load %arg10[%swap3A_178, %swap3A_179] {strides = array<i32>} : memref<128x128xf32, #tpu.memory_space<vmem>>, vector<16xf32>,
      tpu.vector_store %arg10[%swap3A_178, %swap3A_179], %broadcast_in_dim3A_1 {strides = array<i32>} : memref<128x128xf32, #tpu.memory_space<vmem>>, vector<16xf32>,
    }
    %scan3A_5 = arith.constant 80 : i32
    %mul3A_6 = arith.constant 8 : i32
    %mul3A_7 = arith.muli %arg1, %mul3A_6 : i32
    %add3A_8 = arith.constant 0 : i32
    %add3A_9 = arith.addi %mul3A_7, %add3A_8 : i32
    %lt3A = arith.constant 125 : i32
    %lt3A_10 = arith.cmpi slt, %add3A_9, %lt3A : i32
    %convert_element_type3A = arith.extui %lt3A_10 : i1 to i32
    %cond3A = arith.constant 0 : i32
    %cond3A_11 = arith.cmpi ne, %convert_element_type3A, %cond3A : i32
    scf.if %cond3A_11 {
      %mul3A_153 = arith.constant 80 : i32
      %mul3A_154 = arith.muli %add3A_9, %mul3A_153 : i32
      %multiple_of3A = tpu.assume_multiple %mul3A_154, 80 : i32
      "tpu.region"() ({
        %run_scoped3A = tpu.sem_alloc : memref<!tpu.dma_semaphore, #tpu.memory_space<semaphore_mem>>
        %dma_start3A = arith.constant 0 : i32
        %dma_start3A_155 = arith.constant 0 : i32
        %dma_start3A_156 = tpu.memref_slice %arg10[%dma_start3A, %dma_start3A_155] : memref<128x128xf32, #tpu.memory_space<vmem>> -> memref<80x128xf32, #tpu.memory_space<vmem>>
        %dma_start3A_157 = arith.constant 0 : i32
        %dma_start3A_158 = tpu.memref_slice %arg11[%multiple_of3A, %dma_start3A_157] : memref<10000x128xf32, #tpu.memory_space<vmem_shared>> -> memref<80x128xf32, #tpu.memory_space<vmem_shared>>
        %dma_start3A_159 = arith.constant 0 : i32
        %dma_start3A_160 = tpu.memref_slice %arg11[%multiple_of3A, %dma_start3A_159] : memref<10000x128xf32, #tpu.memory_space<vmem_shared>> -> memref<80x128xf32, #tpu.memory_space<vmem_shared>>
        %dma_start3A_161 = arith.constant 0 : i32
        %dma_start3A_162 = arith.constant 0 : i32
        %dma_start3A_163 = tpu.memref_slice %arg10[%dma_start3A_161, %dma_start3A_162] : memref<128x128xf32, #tpu.memory_space<vmem>> -> memref<80x128xf32, #tpu.memory_space<vmem>>
        tpu.enqueue_dma source(%dma_start3A_163 : memref<80x128xf32, #tpu.memory_space<vmem>>) target(%dma_start3A_160 : memref<80x128xf32, #tpu.memory_space<vmem_shared>>) target_semaphore(%run_scoped3A : memref<!tpu.dma_semaphore, #tpu.memory_space<semaphore_mem>>)
        %dma_wait3A = arith.constant 0 : i32
        %dma_wait3A_164 = arith.constant 0 : i32
        %dma_wait3A_165 = tpu.memref_slice %arg10[%dma_wait3A, %dma_wait3A_164] : memref<128x128xf32, #tpu.memory_space<vmem>> -> memref<80x128xf32, #tpu.memory_space<vmem>>
        %dma_wait3A_166 = arith.constant 0 : i32
        %dma_wait3A_167 = tpu.memref_slice %arg11[%multiple_of3A, %dma_wait3A_166] : memref<10000x128xf32, #tpu.memory_space<vmem_shared>> -> memref<80x128xf32, #tpu.memory_space<vmem_shared>>
        %dma_wait3A_168 = arith.constant 0 : i32
        %dma_wait3A_169 = tpu.memref_slice %arg11[%multiple_of3A, %dma_wait3A_168] : memref<10000x128xf32, #tpu.memory_space<vmem_shared>> -> memref<80x128xf32, #tpu.memory_space<vmem_shared>>
        %dma_wait3A_170 = arith.constant 0 : i32
        %dma_wait3A_171 = arith.constant 0 : i32
        %dma_wait3A_172 = tpu.memref_slice %arg10[%dma_wait3A_170, %dma_wait3A_171] : memref<128x128xf32, #tpu.memory_space<vmem>> -> memref<80x128xf32, #tpu.memory_space<vmem>>
        tpu.wait_dma2 semaphore(%run_scoped3A : memref<!tpu.dma_semaphore, #tpu.memory_space<semaphore_mem>>) src(%dma_wait3A_172 : memref<80x128xf32, #tpu.memory_space<vmem>>) dst(%dma_wait3A_169 : memref<80x128xf32, #tpu.memory_space<vmem_shared>>)
        tpu.yield
      }) : () -> ()
    } else {
    }
    %mul3A_12 = arith.constant 8 : i32
    %mul3A_13 = arith.muli %arg1, %mul3A_12 : i32
    %add3A_14 = arith.constant 1 : i32
    %add3A_15 = arith.addi %mul3A_13, %add3A_14 : i32
    %lt3A_16 = arith.constant 125 : i32
    %lt3A_17 = arith.cmpi slt, %add3A_15, %lt3A_16 : i32
    %convert_element_type3A_18 = arith.extui %lt3A_17 : i1 to i32
    %cond3A_19 = arith.constant 0 : i32
    %cond3A_20 = arith.cmpi ne, %convert_element_type3A_18, %cond3A_19 : i32
    scf.if %cond3A_20 {
      %mul3A_153 = arith.constant 80 : i32
      %mul3A_154 = arith.muli %add3A_15, %mul3A_153 : i32
      %multiple_of3A = tpu.assume_multiple %mul3A_154, 80 : i32
      "tpu.region"() ({
        %run_scoped3A = tpu.sem_alloc : memref<!tpu.dma_semaphore, #tpu.memory_space<semaphore_mem>>
        %dma_start3A = arith.constant 0 : i32
        %dma_start3A_155 = arith.constant 0 : i32
        %dma_start3A_156 = tpu.memref_slice %arg10[%dma_start3A, %dma_start3A_155] : memref<128x128xf32, #tpu.memory_space<vmem>> -> memref<80x128xf32, #tpu.memory_space<vmem>>
        %dma_start3A_157 = arith.constant 0 : i32
        %dma_start3A_158 = tpu.memref_slice %arg11[%multiple_of3A, %dma_start3A_157] : memref<10000x128xf32, #tpu.memory_space<vmem_shared>> -> memref<80x128xf32, #tpu.memory_space<vmem_shared>>
        %dma_start3A_159 = arith.constant 0 : i32
        %dma_start3A_160 = tpu.memref_slice %arg11[%multiple_of3A, %dma_start3A_159] : memref<10000x128xf32, #tpu.memory_space<vmem_shared>> -> memref<80x128xf32, #tpu.memory_space<vmem_shared>>
        %dma_start3A_161 = arith.constant 0 : i32
        %dma_start3A_162 = arith.constant 0 : i32
        %dma_start3A_163 = tpu.memref_slice %arg10[%dma_start3A_161, %dma_start3A_162] : memref<128x128xf32, #tpu.memory_space<vmem>> -> memref<80x128xf32, #tpu.memory_space<vmem>>
        tpu.enqueue_dma source(%dma_start3A_163 : memref<80x128xf32, #tpu.memory_space<vmem>>) target(%dma_start3A_160 : memref<80x128xf32, #tpu.memory_space<vmem_shared>>) target_semaphore(%run_scoped3A : memref<!tpu.dma_semaphore, #tpu.memory_space<semaphore_mem>>)
        %dma_wait3A = arith.constant 0 : i32
        %dma_wait3A_164 = arith.constant 0 : i32
        %dma_wait3A_165 = tpu.memref_slice %arg10[%dma_wait3A, %dma_wait3A_164] : memref<128x128xf32, #tpu.memory_space<vmem>> -> memref<80x128xf32, #tpu.memory_space<vmem>>
        %dma_wait3A_166 = arith.constant 0 : i32
        %dma_wait3A_167 = tpu.memref_slice %arg11[%multiple_of3A, %dma_wait3A_166] : memref<10000x128xf32, #tpu.memory_space<vmem_shared>> -> memref<80x128xf32, #tpu.memory_space<vmem_shared>>
        %dma_wait3A_168 = arith.constant 0 : i32
        %dma_wait3A_169 = tpu.memref_slice %arg11[%multiple_of3A, %dma_wait3A_168] : memref<10000x128xf32, #tpu.memory_space<vmem_shared>> -> memref<80x128xf32, #tpu.memory_space<vmem_shared>>
        %dma_wait3A_170 = arith.constant 0 : i32
        %dma_wait3A_171 = arith.constant 0 : i32
        %dma_wait3A_172 = tpu.memref_slice %arg10[%dma_wait3A_170, %dma_wait3A_171] : memref<128x128xf32, #tpu.memory_space<vmem>> -> memref<80x128xf32, #tpu.memory_space<vmem>>
        tpu.wait_dma2 semaphore(%run_scoped3A : memref<!tpu.dma_semaphore, #tpu.memory_space<semaphore_mem>>) src(%dma_wait3A_172 : memref<80x128xf32, #tpu.memory_space<vmem>>) dst(%dma_wait3A_169 : memref<80x128xf32, #tpu.memory_space<vmem_shared>>)
        tpu.yield
      }) : () -> ()
    } else {
    }
    %mul3A_21 = arith.constant 8 : i32
    %mul3A_22 = arith.muli %arg1, %mul3A_21 : i32
    %add3A_23 = arith.constant 2 : i32
    %add3A_24 = arith.addi %mul3A_22, %add3A_23 : i32
    %lt3A_25 = arith.constant 125 : i32
    %lt3A_26 = arith.cmpi slt, %add3A_24, %lt3A_25 : i32
    %convert_element_type3A_27 = arith.extui %lt3A_26 : i1 to i32
    %cond3A_28 = arith.constant 0 : i32
    %cond3A_29 = arith.cmpi ne, %convert_element_type3A_27, %cond3A_28 : i32
    scf.if %cond3A_29 {
      %mul3A_153 = arith.constant 80 : i32
      %mul3A_154 = arith.muli %add3A_24, %mul3A_153 : i32
      %multiple_of3A = tpu.assume_multiple %mul3A_154, 80 : i32
      "tpu.region"() ({
        %run_scoped3A = tpu.sem_alloc : memref<!tpu.dma_semaphore, #tpu.memory_space<semaphore_mem>>
        %dma_start3A = arith.constant 0 : i32
        %dma_start3A_155 = arith.constant 0 : i32
        %dma_start3A_156 = tpu.memref_slice %arg10[%dma_start3A, %dma_start3A_155] : memref<128x128xf32, #tpu.memory_space<vmem>> -> memref<80x128xf32, #tpu.memory_space<vmem>>
        %dma_start3A_157 = arith.constant 0 : i32
        %dma_start3A_158 = tpu.memref_slice %arg11[%multiple_of3A, %dma_start3A_157] : memref<10000x128xf32, #tpu.memory_space<vmem_shared>> -> memref<80x128xf32, #tpu.memory_space<vmem_shared>>
        %dma_start3A_159 = arith.constant 0 : i32
        %dma_start3A_160 = tpu.memref_slice %arg11[%multiple_of3A, %dma_start3A_159] : memref<10000x128xf32, #tpu.memory_space<vmem_shared>> -> memref<80x128xf32, #tpu.memory_space<vmem_shared>>
        %dma_start3A_161 = arith.constant 0 : i32
        %dma_start3A_162 = arith.constant 0 : i32
        %dma_start3A_163 = tpu.memref_slice %arg10[%dma_start3A_161, %dma_start3A_162] : memref<128x128xf32, #tpu.memory_space<vmem>> -> memref<80x128xf32, #tpu.memory_space<vmem>>
        tpu.enqueue_dma source(%dma_start3A_163 : memref<80x128xf32, #tpu.memory_space<vmem>>) target(%dma_start3A_160 : memref<80x128xf32, #tpu.memory_space<vmem_shared>>) target_semaphore(%run_scoped3A : memref<!tpu.dma_semaphore, #tpu.memory_space<semaphore_mem>>)
        %dma_wait3A = arith.constant 0 : i32
        %dma_wait3A_164 = arith.constant 0 : i32
        %dma_wait3A_165 = tpu.memref_slice %arg10[%dma_wait3A, %dma_wait3A_164] : memref<128x128xf32, #tpu.memory_space<vmem>> -> memref<80x128xf32, #tpu.memory_space<vmem>>
        %dma_wait3A_166 = arith.constant 0 : i32
        %dma_wait3A_167 = tpu.memref_slice %arg11[%multiple_of3A, %dma_wait3A_166] : memref<10000x128xf32, #tpu.memory_space<vmem_shared>> -> memref<80x128xf32, #tpu.memory_space<vmem_shared>>
        %dma_wait3A_168 = arith.constant 0 : i32
        %dma_wait3A_169 = tpu.memref_slice %arg11[%multiple_of3A, %dma_wait3A_168] : memref<10000x128xf32, #tpu.memory_space<vmem_shared>> -> memref<80x128xf32, #tpu.memory_space<vmem_shared>>
        %dma_wait3A_170 = arith.constant 0 : i32
        %dma_wait3A_171 = arith.constant 0 : i32
        %dma_wait3A_172 = tpu.memref_slice %arg10[%dma_wait3A_170, %dma_wait3A_171] : memref<128x128xf32, #tpu.memory_space<vmem>> -> memref<80x128xf32, #tpu.memory_space<vmem>>
        tpu.wait_dma2 semaphore(%run_scoped3A : memref<!tpu.dma_semaphore, #tpu.memory_space<semaphore_mem>>) src(%dma_wait3A_172 : memref<80x128xf32, #tpu.memory_space<vmem>>) dst(%dma_wait3A_169 : memref<80x128xf32, #tpu.memory_space<vmem_shared>>)
        tpu.yield
      }) : () -> ()
    } else {
    }
    %mul3A_30 = arith.constant 8 : i32
    %mul3A_31 = arith.muli %arg1, %mul3A_30 : i32
    %add3A_32 = arith.constant 3 : i32
    %add3A_33 = arith.addi %mul3A_31, %add3A_32 : i32
    %lt3A_34 = arith.constant 125 : i32
    %lt3A_35 = arith.cmpi slt, %add3A_33, %lt3A_34 : i32
    %convert_element_type3A_36 = arith.extui %lt3A_35 : i1 to i32
    %cond3A_37 = arith.constant 0 : i32
    %cond3A_38 = arith.cmpi ne, %convert_element_type3A_36, %cond3A_37 : i32
    scf.if %cond3A_38 {
      %mul3A_153 = arith.constant 80 : i32
      %mul3A_154 = arith.muli %add3A_33, %mul3A_153 : i32
      %multiple_of3A = tpu.assume_multiple %mul3A_154, 80 : i32
      "tpu.region"() ({
        %run_scoped3A = tpu.sem_alloc : memref<!tpu.dma_semaphore, #tpu.memory_space<semaphore_mem>>
        %dma_start3A = arith.constant 0 : i32
        %dma_start3A_155 = arith.constant 0 : i32
        %dma_start3A_156 = tpu.memref_slice %arg10[%dma_start3A, %dma_start3A_155] : memref<128x128xf32, #tpu.memory_space<vmem>> -> memref<80x128xf32, #tpu.memory_space<vmem>>
        %dma_start3A_157 = arith.constant 0 : i32
        %dma_start3A_158 = tpu.memref_slice %arg11[%multiple_of3A, %dma_start3A_157] : memref<10000x128xf32, #tpu.memory_space<vmem_shared>> -> memref<80x128xf32, #tpu.memory_space<vmem_shared>>
        %dma_start3A_159 = arith.constant 0 : i32
        %dma_start3A_160 = tpu.memref_slice %arg11[%multiple_of3A, %dma_start3A_159] : memref<10000x128xf32, #tpu.memory_space<vmem_shared>> -> memref<80x128xf32, #tpu.memory_space<vmem_shared>>
        %dma_start3A_161 = arith.constant 0 : i32
        %dma_start3A_162 = arith.constant 0 : i32
        %dma_start3A_163 = tpu.memref_slice %arg10[%dma_start3A_161, %dma_start3A_162] : memref<128x128xf32, #tpu.memory_space<vmem>> -> memref<80x128xf32, #tpu.memory_space<vmem>>
        tpu.enqueue_dma source(%dma_start3A_163 : memref<80x128xf32, #tpu.memory_space<vmem>>) target(%dma_start3A_160 : memref<80x128xf32, #tpu.memory_space<vmem_shared>>) target_semaphore(%run_scoped3A : memref<!tpu.dma_semaphore, #tpu.memory_space<semaphore_mem>>)
        %dma_wait3A = arith.constant 0 : i32
        %dma_wait3A_164 = arith.constant 0 : i32
        %dma_wait3A_165 = tpu.memref_slice %arg10[%dma_wait3A, %dma_wait3A_164] : memref<128x128xf32, #tpu.memory_space<vmem>> -> memref<80x128xf32, #tpu.memory_space<vmem>>
        %dma_wait3A_166 = arith.constant 0 : i32
        %dma_wait3A_167 = tpu.memref_slice %arg11[%multiple_of3A, %dma_wait3A_166] : memref<10000x128xf32, #tpu.memory_space<vmem_shared>> -> memref<80x128xf32, #tpu.memory_space<vmem_shared>>
        %dma_wait3A_168 = arith.constant 0 : i32
        %dma_wait3A_169 = tpu.memref_slice %arg11[%multiple_of3A, %dma_wait3A_168] : memref<10000x128xf32, #tpu.memory_space<vmem_shared>> -> memref<80x128xf32, #tpu.memory_space<vmem_shared>>
        %dma_wait3A_170 = arith.constant 0 : i32
        %dma_wait3A_171 = arith.constant 0 : i32
        %dma_wait3A_172 = tpu.memref_slice %arg10[%dma_wait3A_170, %dma_wait3A_171] : memref<128x128xf32, #tpu.memory_space<vmem>> -> memref<80x128xf32, #tpu.memory_space<vmem>>
        tpu.wait_dma2 semaphore(%run_scoped3A : memref<!tpu.dma_semaphore, #tpu.memory_space<semaphore_mem>>) src(%dma_wait3A_172 : memref<80x128xf32, #tpu.memory_space<vmem>>) dst(%dma_wait3A_169 : memref<80x128xf32, #tpu.memory_space<vmem_shared>>)
        tpu.yield
      }) : () -> ()
    } else {
    }
    %mul3A_39 = arith.constant 8 : i32
    %mul3A_40 = arith.muli %arg1, %mul3A_39 : i32
    %add3A_41 = arith.constant 4 : i32
    %add3A_42 = arith.addi %mul3A_40, %add3A_41 : i32
    %lt3A_43 = arith.constant 125 : i32
    %lt3A_44 = arith.cmpi slt, %add3A_42, %lt3A_43 : i32
    %convert_element_type3A_45 = arith.extui %lt3A_44 : i1 to i32
    %cond3A_46 = arith.constant 0 : i32
    %cond3A_47 = arith.cmpi ne, %convert_element_type3A_45, %cond3A_46 : i32
    scf.if %cond3A_47 {
      %mul3A_153 = arith.constant 80 : i32
      %mul3A_154 = arith.muli %add3A_42, %mul3A_153 : i32
      %multiple_of3A = tpu.assume_multiple %mul3A_154, 80 : i32
      "tpu.region"() ({
        %run_scoped3A = tpu.sem_alloc : memref<!tpu.dma_semaphore, #tpu.memory_space<semaphore_mem>>
        %dma_start3A = arith.constant 0 : i32
        %dma_start3A_155 = arith.constant 0 : i32
        %dma_start3A_156 = tpu.memref_slice %arg10[%dma_start3A, %dma_start3A_155] : memref<128x128xf32, #tpu.memory_space<vmem>> -> memref<80x128xf32, #tpu.memory_space<vmem>>
        %dma_start3A_157 = arith.constant 0 : i32
        %dma_start3A_158 = tpu.memref_slice %arg11[%multiple_of3A, %dma_start3A_157] : memref<10000x128xf32, #tpu.memory_space<vmem_shared>> -> memref<80x128xf32, #tpu.memory_space<vmem_shared>>
        %dma_start3A_159 = arith.constant 0 : i32
        %dma_start3A_160 = tpu.memref_slice %arg11[%multiple_of3A, %dma_start3A_159] : memref<10000x128xf32, #tpu.memory_space<vmem_shared>> -> memref<80x128xf32, #tpu.memory_space<vmem_shared>>
        %dma_start3A_161 = arith.constant 0 : i32
        %dma_start3A_162 = arith.constant 0 : i32
        %dma_start3A_163 = tpu.memref_slice %arg10[%dma_start3A_161, %dma_start3A_162] : memref<128x128xf32, #tpu.memory_space<vmem>> -> memref<80x128xf32, #tpu.memory_space<vmem>>
        tpu.enqueue_dma source(%dma_start3A_163 : memref<80x128xf32, #tpu.memory_space<vmem>>) target(%dma_start3A_160 : memref<80x128xf32, #tpu.memory_space<vmem_shared>>) target_semaphore(%run_scoped3A : memref<!tpu.dma_semaphore, #tpu.memory_space<semaphore_mem>>)
        %dma_wait3A = arith.constant 0 : i32
        %dma_wait3A_164 = arith.constant 0 : i32
        %dma_wait3A_165 = tpu.memref_slice %arg10[%dma_wait3A, %dma_wait3A_164] : memref<128x128xf32, #tpu.memory_space<vmem>> -> memref<80x128xf32, #tpu.memory_space<vmem>>
        %dma_wait3A_166 = arith.constant 0 : i32
        %dma_wait3A_167 = tpu.memref_slice %arg11[%multiple_of3A, %dma_wait3A_166] : memref<10000x128xf32, #tpu.memory_space<vmem_shared>> -> memref<80x128xf32, #tpu.memory_space<vmem_shared>>
        %dma_wait3A_168 = arith.constant 0 : i32
        %dma_wait3A_169 = tpu.memref_slice %arg11[%multiple_of3A, %dma_wait3A_168] : memref<10000x128xf32, #tpu.memory_space<vmem_shared>> -> memref<80x128xf32, #tpu.memory_space<vmem_shared>>
        %dma_wait3A_170 = arith.constant 0 : i32
        %dma_wait3A_171 = arith.constant 0 : i32
        %dma_wait3A_172 = tpu.memref_slice %arg10[%dma_wait3A_170, %dma_wait3A_171] : memref<128x128xf32, #tpu.memory_space<vmem>> -> memref<80x128xf32, #tpu.memory_space<vmem>>
        tpu.wait_dma2 semaphore(%run_scoped3A : memref<!tpu.dma_semaphore, #tpu.memory_space<semaphore_mem>>) src(%dma_wait3A_172 : memref<80x128xf32, #tpu.memory_space<vmem>>) dst(%dma_wait3A_169 : memref<80x128xf32, #tpu.memory_space<vmem_shared>>)
        tpu.yield
      }) : () -> ()
    } else {
    }
    %mul3A_48 = arith.constant 8 : i32
    %mul3A_49 = arith.muli %arg1, %mul3A_48 : i32
    %add3A_50 = arith.constant 5 : i32
    %add3A_51 = arith.addi %mul3A_49, %add3A_50 : i32
    %lt3A_52 = arith.constant 125 : i32
    %lt3A_53 = arith.cmpi slt, %add3A_51, %lt3A_52 : i32
    %convert_element_type3A_54 = arith.extui %lt3A_53 : i1 to i32
    %cond3A_55 = arith.constant 0 : i32
    %cond3A_56 = arith.cmpi ne, %convert_element_type3A_54, %cond3A_55 : i32
    scf.if %cond3A_56 {
      %mul3A_153 = arith.constant 80 : i32
      %mul3A_154 = arith.muli %add3A_51, %mul3A_153 : i32
      %multiple_of3A = tpu.assume_multiple %mul3A_154, 80 : i32
      "tpu.region"() ({
        %run_scoped3A = tpu.sem_alloc : memref<!tpu.dma_semaphore, #tpu.memory_space<semaphore_mem>>
        %dma_start3A = arith.constant 0 : i32
        %dma_start3A_155 = arith.constant 0 : i32
        %dma_start3A_156 = tpu.memref_slice %arg10[%dma_start3A, %dma_start3A_155] : memref<128x128xf32, #tpu.memory_space<vmem>> -> memref<80x128xf32, #tpu.memory_space<vmem>>
        %dma_start3A_157 = arith.constant 0 : i32
        %dma_start3A_158 = tpu.memref_slice %arg11[%multiple_of3A, %dma_start3A_157] : memref<10000x128xf32, #tpu.memory_space<vmem_shared>> -> memref<80x128xf32, #tpu.memory_space<vmem_shared>>
        %dma_start3A_159 = arith.constant 0 : i32
        %dma_start3A_160 = tpu.memref_slice %arg11[%multiple_of3A, %dma_start3A_159] : memref<10000x128xf32, #tpu.memory_space<vmem_shared>> -> memref<80x128xf32, #tpu.memory_space<vmem_shared>>
        %dma_start3A_161 = arith.constant 0 : i32
        %dma_start3A_162 = arith.constant 0 : i32
        %dma_start3A_163 = tpu.memref_slice %arg10[%dma_start3A_161, %dma_start3A_162] : memref<128x128xf32, #tpu.memory_space<vmem>> -> memref<80x128xf32, #tpu.memory_space<vmem>>
        tpu.enqueue_dma source(%dma_start3A_163 : memref<80x128xf32, #tpu.memory_space<vmem>>) target(%dma_start3A_160 : memref<80x128xf32, #tpu.memory_space<vmem_shared>>) target_semaphore(%run_scoped3A : memref<!tpu.dma_semaphore, #tpu.memory_space<semaphore_mem>>)
        %dma_wait3A = arith.constant 0 : i32
        %dma_wait3A_164 = arith.constant 0 : i32
        %dma_wait3A_165 = tpu.memref_slice %arg10[%dma_wait3A, %dma_wait3A_164] : memref<128x128xf32, #tpu.memory_space<vmem>> -> memref<80x128xf32, #tpu.memory_space<vmem>>
        %dma_wait3A_166 = arith.constant 0 : i32
        %dma_wait3A_167 = tpu.memref_slice %arg11[%multiple_of3A, %dma_wait3A_166] : memref<10000x128xf32, #tpu.memory_space<vmem_shared>> -> memref<80x128xf32, #tpu.memory_space<vmem_shared>>
        %dma_wait3A_168 = arith.constant 0 : i32
        %dma_wait3A_169 = tpu.memref_slice %arg11[%multiple_of3A, %dma_wait3A_168] : memref<10000x128xf32, #tpu.memory_space<vmem_shared>> -> memref<80x128xf32, #tpu.memory_space<vmem_shared>>
        %dma_wait3A_170 = arith.constant 0 : i32
        %dma_wait3A_171 = arith.constant 0 : i32
        %dma_wait3A_172 = tpu.memref_slice %arg10[%dma_wait3A_170, %dma_wait3A_171] : memref<128x128xf32, #tpu.memory_space<vmem>> -> memref<80x128xf32, #tpu.memory_space<vmem>>
        tpu.wait_dma2 semaphore(%run_scoped3A : memref<!tpu.dma_semaphore, #tpu.memory_space<semaphore_mem>>) src(%dma_wait3A_172 : memref<80x128xf32, #tpu.memory_space<vmem>>) dst(%dma_wait3A_169 : memref<80x128xf32, #tpu.memory_space<vmem_shared>>)
        tpu.yield
      }) : () -> ()
    } else {
    }
    %mul3A_57 = arith.constant 8 : i32
    %mul3A_58 = arith.muli %arg1, %mul3A_57 : i32
    %add3A_59 = arith.constant 6 : i32
    %add3A_60 = arith.addi %mul3A_58, %add3A_59 : i32
    %lt3A_61 = arith.constant 125 : i32
    %lt3A_62 = arith.cmpi slt, %add3A_60, %lt3A_61 : i32
    %convert_element_type3A_63 = arith.extui %lt3A_62 : i1 to i32
    %cond3A_64 = arith.constant 0 : i32
    %cond3A_65 = arith.cmpi ne, %convert_element_type3A_63, %cond3A_64 : i32
    scf.if %cond3A_65 {
      %mul3A_153 = arith.constant 80 : i32
      %mul3A_154 = arith.muli %add3A_60, %mul3A_153 : i32
      %multiple_of3A = tpu.assume_multiple %mul3A_154, 80 : i32
      "tpu.region"() ({
        %run_scoped3A = tpu.sem_alloc : memref<!tpu.dma_semaphore, #tpu.memory_space<semaphore_mem>>
        %dma_start3A = arith.constant 0 : i32
        %dma_start3A_155 = arith.constant 0 : i32
        %dma_start3A_156 = tpu.memref_slice %arg10[%dma_start3A, %dma_start3A_155] : memref<128x128xf32, #tpu.memory_space<vmem>> -> memref<80x128xf32, #tpu.memory_space<vmem>>
        %dma_start3A_157 = arith.constant 0 : i32
        %dma_start3A_158 = tpu.memref_slice %arg11[%multiple_of3A, %dma_start3A_157] : memref<10000x128xf32, #tpu.memory_space<vmem_shared>> -> memref<80x128xf32, #tpu.memory_space<vmem_shared>>
        %dma_start3A_159 = arith.constant 0 : i32
        %dma_start3A_160 = tpu.memref_slice %arg11[%multiple_of3A, %dma_start3A_159] : memref<10000x128xf32, #tpu.memory_space<vmem_shared>> -> memref<80x128xf32, #tpu.memory_space<vmem_shared>>
        %dma_start3A_161 = arith.constant 0 : i32
        %dma_start3A_162 = arith.constant 0 : i32
        %dma_start3A_163 = tpu.memref_slice %arg10[%dma_start3A_161, %dma_start3A_162] : memref<128x128xf32, #tpu.memory_space<vmem>> -> memref<80x128xf32, #tpu.memory_space<vmem>>
        tpu.enqueue_dma source(%dma_start3A_163 : memref<80x128xf32, #tpu.memory_space<vmem>>) target(%dma_start3A_160 : memref<80x128xf32, #tpu.memory_space<vmem_shared>>) target_semaphore(%run_scoped3A : memref<!tpu.dma_semaphore, #tpu.memory_space<semaphore_mem>>)
        %dma_wait3A = arith.constant 0 : i32
        %dma_wait3A_164 = arith.constant 0 : i32
        %dma_wait3A_165 = tpu.memref_slice %arg10[%dma_wait3A, %dma_wait3A_164] : memref<128x128xf32, #tpu.memory_space<vmem>> -> memref<80x128xf32, #tpu.memory_space<vmem>>
        %dma_wait3A_166 = arith.constant 0 : i32
        %dma_wait3A_167 = tpu.memref_slice %arg11[%multiple_of3A, %dma_wait3A_166] : memref<10000x128xf32, #tpu.memory_space<vmem_shared>> -> memref<80x128xf32, #tpu.memory_space<vmem_shared>>
        %dma_wait3A_168 = arith.constant 0 : i32
        %dma_wait3A_169 = tpu.memref_slice %arg11[%multiple_of3A, %dma_wait3A_168] : memref<10000x128xf32, #tpu.memory_space<vmem_shared>> -> memref<80x128xf32, #tpu.memory_space<vmem_shared>>
        %dma_wait3A_170 = arith.constant 0 : i32
        %dma_wait3A_171 = arith.constant 0 : i32
        %dma_wait3A_172 = tpu.memref_slice %arg10[%dma_wait3A_170, %dma_wait3A_171] : memref<128x128xf32, #tpu.memory_space<vmem>> -> memref<80x128xf32, #tpu.memory_space<vmem>>
        tpu.wait_dma2 semaphore(%run_scoped3A : memref<!tpu.dma_semaphore, #tpu.memory_space<semaphore_mem>>) src(%dma_wait3A_172 : memref<80x128xf32, #tpu.memory_space<vmem>>) dst(%dma_wait3A_169 : memref<80x128xf32, #tpu.memory_space<vmem_shared>>)
        tpu.yield
      }) : () -> ()
    } else {
    }
    %mul3A_66 = arith.constant 8 : i32
    %mul3A_67 = arith.muli %arg1, %mul3A_66 : i32
    %add3A_68 = arith.constant 7 : i32
    %add3A_69 = arith.addi %mul3A_67, %add3A_68 : i32
    %lt3A_70 = arith.constant 125 : i32
    %lt3A_71 = arith.cmpi slt, %add3A_69, %lt3A_70 : i32
    %convert_element_type3A_72 = arith.extui %lt3A_71 : i1 to i32
    %cond3A_73 = arith.constant 0 : i32
    %cond3A_74 = arith.cmpi ne, %convert_element_type3A_72, %cond3A_73 : i32
    scf.if %cond3A_74 {
      %mul3A_153 = arith.constant 80 : i32
      %mul3A_154 = arith.muli %add3A_69, %mul3A_153 : i32
      %multiple_of3A = tpu.assume_multiple %mul3A_154, 80 : i32
      "tpu.region"() ({
        %run_scoped3A = tpu.sem_alloc : memref<!tpu.dma_semaphore, #tpu.memory_space<semaphore_mem>>
        %dma_start3A = arith.constant 0 : i32
        %dma_start3A_155 = arith.constant 0 : i32
        %dma_start3A_156 = tpu.memref_slice %arg10[%dma_start3A, %dma_start3A_155] : memref<128x128xf32, #tpu.memory_space<vmem>> -> memref<80x128xf32, #tpu.memory_space<vmem>>
        %dma_start3A_157 = arith.constant 0 : i32
        %dma_start3A_158 = tpu.memref_slice %arg11[%multiple_of3A, %dma_start3A_157] : memref<10000x128xf32, #tpu.memory_space<vmem_shared>> -> memref<80x128xf32, #tpu.memory_space<vmem_shared>>
        %dma_start3A_159 = arith.constant 0 : i32
        %dma_start3A_160 = tpu.memref_slice %arg11[%multiple_of3A, %dma_start3A_159] : memref<10000x128xf32, #tpu.memory_space<vmem_shared>> -> memref<80x128xf32, #tpu.memory_space<vmem_shared>>
        %dma_start3A_161 = arith.constant 0 : i32
        %dma_start3A_162 = arith.constant 0 : i32
        %dma_start3A_163 = tpu.memref_slice %arg10[%dma_start3A_161, %dma_start3A_162] : memref<128x128xf32, #tpu.memory_space<vmem>> -> memref<80x128xf32, #tpu.memory_space<vmem>>
        tpu.enqueue_dma source(%dma_start3A_163 : memref<80x128xf32, #tpu.memory_space<vmem>>) target(%dma_start3A_160 : memref<80x128xf32, #tpu.memory_space<vmem_shared>>) target_semaphore(%run_scoped3A : memref<!tpu.dma_semaphore, #tpu.memory_space<semaphore_mem>>)
        %dma_wait3A = arith.constant 0 : i32
        %dma_wait3A_164 = arith.constant 0 : i32
        %dma_wait3A_165 = tpu.memref_slice %arg10[%dma_wait3A, %dma_wait3A_164] : memref<128x128xf32, #tpu.memory_space<vmem>> -> memref<80x128xf32, #tpu.memory_space<vmem>>
        %dma_wait3A_166 = arith.constant 0 : i32
        %dma_wait3A_167 = tpu.memref_slice %arg11[%multiple_of3A, %dma_wait3A_166] : memref<10000x128xf32, #tpu.memory_space<vmem_shared>> -> memref<80x128xf32, #tpu.memory_space<vmem_shared>>
        %dma_wait3A_168 = arith.constant 0 : i32
        %dma_wait3A_169 = tpu.memref_slice %arg11[%multiple_of3A, %dma_wait3A_168] : memref<10000x128xf32, #tpu.memory_space<vmem_shared>> -> memref<80x128xf32, #tpu.memory_space<vmem_shared>>
        %dma_wait3A_170 = arith.constant 0 : i32
        %dma_wait3A_171 = arith.constant 0 : i32
        %dma_wait3A_172 = tpu.memref_slice %arg10[%dma_wait3A_170, %dma_wait3A_171] : memref<128x128xf32, #tpu.memory_space<vmem>> -> memref<80x128xf32, #tpu.memory_space<vmem>>
        tpu.wait_dma2 semaphore(%run_scoped3A : memref<!tpu.dma_semaphore, #tpu.memory_space<semaphore_mem>>) src(%dma_wait3A_172 : memref<80x128xf32, #tpu.memory_space<vmem>>) dst(%dma_wait3A_169 : memref<80x128xf32, #tpu.memory_space<vmem_shared>>)
        tpu.yield
      }) : () -> ()
    } else {
    }
    %barrier3A = arith.constant 0 : index
    tpu.barrier barrier_id(%barrier3A)
    %iota3A = tpu.iota {dimensions = array<i32: 0>} : vector<16xi32>
    %scan3A_75 = arith.constant 0 : i32
    %scan3A_76 = arith.constant 79 : i32
    %scan3A_77 = arith.addi %scan3A_75, %scan3A_76 : i32
    %scan3A_78 = arith.constant 1 : i32
    scf.for %scan3A_153 = %scan3A_75 to %scan3A_77 step %scan3A_78  : i32 {
      %mul3A_154 = arith.constant 1 : i32
      %mul3A_155 = arith.muli %scan3A_153, %mul3A_154 : i32
      %add3A_156 = arith.constant 0 : i32
      %add3A_157 = arith.addi %add3A_156, %mul3A_155 : i32
      %dma_start3A = arith.constant 0 : i32
      %dma_start3A_158 = tpu.memref_slice %arg7[%add3A_157, %dma_start3A] : memref<79x128xi32, #tpu.memory_space<vmem>> -> memref<1x128xi32, #tpu.memory_space<vmem>>
      %dma_start3A_159 = tpu.memref_squeeze %dma_start3A_158 : memref<1x128xi32, #tpu.memory_space<vmem>> -> memref<128xi32, #tpu.memory_space<vmem>>
      %dma_start3A_160 = arith.constant 0 : i32
      %dma_start3A_161 = arith.constant 0 : i32
      %dma_start3A_162 = tpu.memref_slice %arg5[%dma_start3A_160, %dma_start3A_161] : memref<10000x128xf32, #tpu.memory_space<hbm>> -> memref<10000x128xf32, #tpu.memory_space<hbm>>
      tpu.enqueue_indirect_dma source(%dma_start3A_162 : memref<10000x128xf32, #tpu.memory_space<hbm>>) target(%arg10 : memref<128x128xf32, #tpu.memory_space<vmem>>) offsets(%dma_start3A_159 : memref<128xi32, #tpu.memory_space<vmem>>) semaphore(%arg12 : memref<!tpu.dma_semaphore, #tpu.memory_space<semaphore_mem>>)
      %dma_wait3A = arith.constant 0 : i32
      %dma_wait3A_163 = tpu.memref_slice %arg7[%add3A_157, %dma_wait3A] : memref<79x128xi32, #tpu.memory_space<vmem>> -> memref<1x128xi32, #tpu.memory_space<vmem>>
      %dma_wait3A_164 = tpu.memref_squeeze %dma_wait3A_163 : memref<1x128xi32, #tpu.memory_space<vmem>> -> memref<128xi32, #tpu.memory_space<vmem>>
      %dma_wait3A_165 = arith.constant 0 : i32
      %dma_wait3A_166 = arith.constant 0 : i32
      %dma_wait3A_167 = tpu.memref_slice %arg5[%dma_wait3A_165, %dma_wait3A_166] : memref<10000x128xf32, #tpu.memory_space<hbm>> -> memref<10000x128xf32, #tpu.memory_space<hbm>>
      tpu.wait_indirect_dma semaphore(%arg12 : memref<!tpu.dma_semaphore, #tpu.memory_space<semaphore_mem>>) src(%dma_wait3A_167 : memref<10000x128xf32, #tpu.memory_space<hbm>>) dst(%arg10 : memref<128x128xf32, #tpu.memory_space<vmem>>)
      %get3A = arith.index_cast %add3A_157 : i32 to index
      %get3A_168 = arith.constant 0 : index
      %get3A_169 = tpu.vector_load %arg9[%get3A, %get3A_168] {strides = array<i32>} : memref<79x128xf32, #tpu.memory_space<vmem>>, vector<16xf32>,
      %add3A_170 = arith.constant 0 : i32
      %add3A_171 = vector.broadcast %add3A_170 : i32 to vector<16xi32>
      %add3A_172 = arith.addi %iota3A, %add3A_171 : vector<16xi32>
      %scan3A_173 = arith.constant 0 : i32
      %scan3A_174 = arith.constant 16 : i32
      %scan3A_175 = arith.addi %scan3A_173, %scan3A_174 : i32
      %scan3A_176 = arith.constant 1 : i32
      scf.for %scan3A_255 = %scan3A_173 to %scan3A_175 step %scan3A_176  : i32 {
        %mul3A_256 = arith.constant 1 : i32
        %mul3A_257 = arith.muli %scan3A_255, %mul3A_256 : i32
        %add3A_258 = arith.constant 0 : i32
        %add3A_259 = arith.addi %add3A_258, %mul3A_257 : i32
        %mul3A_260 = arith.constant 8 : i32
        %mul3A_261 = arith.muli %add3A_259, %mul3A_260 : i32
        %add3A_262 = arith.constant 0 : i32
        %add3A_263 = arith.addi %mul3A_261, %add3A_262 : i32
        %broadcast_in_dim3A_264 = vector.broadcast %add3A_263 : i32 to vector<16xi32>
        %gather3A = tpu.vector_load_idx %arg10[%add3A_172, %broadcast_in_dim3A_264] : memref<128x128xf32, #tpu.memory_space<vmem>>[vector<16xi32>, vector<16xi32>], vector<16xf32>,
        %mul3A_265 = arith.mulf %gather3A, %get3A_169 : vector<16xf32>
        tpu.vector_store_idx %arg10[%add3A_172, %broadcast_in_dim3A_264], %mul3A_265 : memref<128x128xf32, #tpu.memory_space<vmem>>[vector<16xi32>, vector<16xi32>], vector<16xf32>,
        %mul3A_266 = arith.constant 8 : i32
        %mul3A_267 = arith.muli %add3A_259, %mul3A_266 : i32
        %add3A_268 = arith.constant 1 : i32
        %add3A_269 = arith.addi %mul3A_267, %add3A_268 : i32
        %broadcast_in_dim3A_270 = vector.broadcast %add3A_269 : i32 to vector<16xi32>
        %gather3A_271 = tpu.vector_load_idx %arg10[%add3A_172, %broadcast_in_dim3A_270] : memref<128x128xf32, #tpu.memory_space<vmem>>[vector<16xi32>, vector<16xi32>], vector<16xf32>,
        %mul3A_272 = arith.mulf %gather3A_271, %get3A_169 : vector<16xf32>
        tpu.vector_store_idx %arg10[%add3A_172, %broadcast_in_dim3A_270], %mul3A_272 : memref<128x128xf32, #tpu.memory_space<vmem>>[vector<16xi32>, vector<16xi32>], vector<16xf32>,
        %mul3A_273 = arith.constant 8 : i32
        %mul3A_274 = arith.muli %add3A_259, %mul3A_273 : i32
        %add3A_275 = arith.constant 2 : i32
        %add3A_276 = arith.addi %mul3A_274, %add3A_275 : i32
        %broadcast_in_dim3A_277 = vector.broadcast %add3A_276 : i32 to vector<16xi32>
        %gather3A_278 = tpu.vector_load_idx %arg10[%add3A_172, %broadcast_in_dim3A_277] : memref<128x128xf32, #tpu.memory_space<vmem>>[vector<16xi32>, vector<16xi32>], vector<16xf32>,
        %mul3A_279 = arith.mulf %gather3A_278, %get3A_169 : vector<16xf32>
        tpu.vector_store_idx %arg10[%add3A_172, %broadcast_in_dim3A_277], %mul3A_279 : memref<128x128xf32, #tpu.memory_space<vmem>>[vector<16xi32>, vector<16xi32>], vector<16xf32>,
        %mul3A_280 = arith.constant 8 : i32
        %mul3A_281 = arith.muli %add3A_259, %mul3A_280 : i32
        %add3A_282 = arith.constant 3 : i32
        %add3A_283 = arith.addi %mul3A_281, %add3A_282 : i32
        %broadcast_in_dim3A_284 = vector.broadcast %add3A_283 : i32 to vector<16xi32>
        %gather3A_285 = tpu.vector_load_idx %arg10[%add3A_172, %broadcast_in_dim3A_284] : memref<128x128xf32, #tpu.memory_space<vmem>>[vector<16xi32>, vector<16xi32>], vector<16xf32>,
        %mul3A_286 = arith.mulf %gather3A_285, %get3A_169 : vector<16xf32>
        tpu.vector_store_idx %arg10[%add3A_172, %broadcast_in_dim3A_284], %mul3A_286 : memref<128x128xf32, #tpu.memory_space<vmem>>[vector<16xi32>, vector<16xi32>], vector<16xf32>,
        %mul3A_287 = arith.constant 8 : i32
        %mul3A_288 = arith.muli %add3A_259, %mul3A_287 : i32
        %add3A_289 = arith.constant 4 : i32
        %add3A_290 = arith.addi %mul3A_288, %add3A_289 : i32
        %broadcast_in_dim3A_291 = vector.broadcast %add3A_290 : i32 to vector<16xi32>
        %gather3A_292 = tpu.vector_load_idx %arg10[%add3A_172, %broadcast_in_dim3A_291] : memref<128x128xf32, #tpu.memory_space<vmem>>[vector<16xi32>, vector<16xi32>], vector<16xf32>,
        %mul3A_293 = arith.mulf %gather3A_292, %get3A_169 : vector<16xf32>
        tpu.vector_store_idx %arg10[%add3A_172, %broadcast_in_dim3A_291], %mul3A_293 : memref<128x128xf32, #tpu.memory_space<vmem>>[vector<16xi32>, vector<16xi32>], vector<16xf32>,
        %mul3A_294 = arith.constant 8 : i32
        %mul3A_295 = arith.muli %add3A_259, %mul3A_294 : i32
        %add3A_296 = arith.constant 5 : i32
        %add3A_297 = arith.addi %mul3A_295, %add3A_296 : i32
        %broadcast_in_dim3A_298 = vector.broadcast %add3A_297 : i32 to vector<16xi32>
        %gather3A_299 = tpu.vector_load_idx %arg10[%add3A_172, %broadcast_in_dim3A_298] : memref<128x128xf32, #tpu.memory_space<vmem>>[vector<16xi32>, vector<16xi32>], vector<16xf32>,
        %mul3A_300 = arith.mulf %gather3A_299, %get3A_169 : vector<16xf32>
        tpu.vector_store_idx %arg10[%add3A_172, %broadcast_in_dim3A_298], %mul3A_300 : memref<128x128xf32, #tpu.memory_space<vmem>>[vector<16xi32>, vector<16xi32>], vector<16xf32>,
        %mul3A_301 = arith.constant 8 : i32
        %mul3A_302 = arith.muli %add3A_259, %mul3A_301 : i32
        %add3A_303 = arith.constant 6 : i32
        %add3A_304 = arith.addi %mul3A_302, %add3A_303 : i32
        %broadcast_in_dim3A_305 = vector.broadcast %add3A_304 : i32 to vector<16xi32>
        %gather3A_306 = tpu.vector_load_idx %arg10[%add3A_172, %broadcast_in_dim3A_305] : memref<128x128xf32, #tpu.memory_space<vmem>>[vector<16xi32>, vector<16xi32>], vector<16xf32>,
        %mul3A_307 = arith.mulf %gather3A_306, %get3A_169 : vector<16xf32>
        tpu.vector_store_idx %arg10[%add3A_172, %broadcast_in_dim3A_305], %mul3A_307 : memref<128x128xf32, #tpu.memory_space<vmem>>[vector<16xi32>, vector<16xi32>], vector<16xf32>,
        %mul3A_308 = arith.constant 8 : i32
        %mul3A_309 = arith.muli %add3A_259, %mul3A_308 : i32
        %add3A_310 = arith.constant 7 : i32
        %add3A_311 = arith.addi %mul3A_309, %add3A_310 : i32
        %broadcast_in_dim3A_312 = vector.broadcast %add3A_311 : i32 to vector<16xi32>
        %gather3A_313 = tpu.vector_load_idx %arg10[%add3A_172, %broadcast_in_dim3A_312] : memref<128x128xf32, #tpu.memory_space<vmem>>[vector<16xi32>, vector<16xi32>], vector<16xf32>,
        %mul3A_314 = arith.mulf %gather3A_313, %get3A_169 : vector<16xf32>
        tpu.vector_store_idx %arg10[%add3A_172, %broadcast_in_dim3A_312], %mul3A_314 : memref<128x128xf32, #tpu.memory_space<vmem>>[vector<16xi32>, vector<16xi32>], vector<16xf32>,
      }
      %scan3A_177 = arith.constant 16 : i32
      %get3A_178 = arith.index_cast %add3A_157 : i32 to index
      %get3A_179 = arith.constant 16 : index
      %get3A_180 = tpu.vector_load %arg9[%get3A_178, %get3A_179] {strides = array<i32>} : memref<79x128xf32, #tpu.memory_space<vmem>>, vector<16xf32>,
      %add3A_181 = arith.constant 16 : i32
      %add3A_182 = vector.broadcast %add3A_181 : i32 to vector<16xi32>
      %add3A_183 = arith.addi %iota3A, %add3A_182 : vector<16xi32>
      %scan3A_184 = arith.constant 0 : i32
      %scan3A_185 = arith.constant 16 : i32
      %scan3A_186 = arith.addi %scan3A_184, %scan3A_185 : i32
      %scan3A_187 = arith.constant 1 : i32
      scf.for %scan3A_255 = %scan3A_184 to %scan3A_186 step %scan3A_187  : i32 {
        %mul3A_256 = arith.constant 1 : i32
        %mul3A_257 = arith.muli %scan3A_255, %mul3A_256 : i32
        %add3A_258 = arith.constant 0 : i32
        %add3A_259 = arith.addi %add3A_258, %mul3A_257 : i32
        %mul3A_260 = arith.constant 8 : i32
        %mul3A_261 = arith.muli %add3A_259, %mul3A_260 : i32
        %add3A_262 = arith.constant 0 : i32
        %add3A_263 = arith.addi %mul3A_261, %add3A_262 : i32
        %broadcast_in_dim3A_264 = vector.broadcast %add3A_263 : i32 to vector<16xi32>
        %gather3A = tpu.vector_load_idx %arg10[%add3A_183, %broadcast_in_dim3A_264] : memref<128x128xf32, #tpu.memory_space<vmem>>[vector<16xi32>, vector<16xi32>], vector<16xf32>,
        %mul3A_265 = arith.mulf %gather3A, %get3A_180 : vector<16xf32>
        tpu.vector_store_idx %arg10[%add3A_183, %broadcast_in_dim3A_264], %mul3A_265 : memref<128x128xf32, #tpu.memory_space<vmem>>[vector<16xi32>, vector<16xi32>], vector<16xf32>,
        %mul3A_266 = arith.constant 8 : i32
        %mul3A_267 = arith.muli %add3A_259, %mul3A_266 : i32
        %add3A_268 = arith.constant 1 : i32
        %add3A_269 = arith.addi %mul3A_267, %add3A_268 : i32
        %broadcast_in_dim3A_270 = vector.broadcast %add3A_269 : i32 to vector<16xi32>
        %gather3A_271 = tpu.vector_load_idx %arg10[%add3A_183, %broadcast_in_dim3A_270] : memref<128x128xf32, #tpu.memory_space<vmem>>[vector<16xi32>, vector<16xi32>], vector<16xf32>,
        %mul3A_272 = arith.mulf %gather3A_271, %get3A_180 : vector<16xf32>
        tpu.vector_store_idx %arg10[%add3A_183, %broadcast_in_dim3A_270], %mul3A_272 : memref<128x128xf32, #tpu.memory_space<vmem>>[vector<16xi32>, vector<16xi32>], vector<16xf32>,
        %mul3A_273 = arith.constant 8 : i32
        %mul3A_274 = arith.muli %add3A_259, %mul3A_273 : i32
        %add3A_275 = arith.constant 2 : i32
        %add3A_276 = arith.addi %mul3A_274, %add3A_275 : i32
        %broadcast_in_dim3A_277 = vector.broadcast %add3A_276 : i32 to vector<16xi32>
        %gather3A_278 = tpu.vector_load_idx %arg10[%add3A_183, %broadcast_in_dim3A_277] : memref<128x128xf32, #tpu.memory_space<vmem>>[vector<16xi32>, vector<16xi32>], vector<16xf32>,
        %mul3A_279 = arith.mulf %gather3A_278, %get3A_180 : vector<16xf32>
        tpu.vector_store_idx %arg10[%add3A_183, %broadcast_in_dim3A_277], %mul3A_279 : memref<128x128xf32, #tpu.memory_space<vmem>>[vector<16xi32>, vector<16xi32>], vector<16xf32>,
        %mul3A_280 = arith.constant 8 : i32
        %mul3A_281 = arith.muli %add3A_259, %mul3A_280 : i32
        %add3A_282 = arith.constant 3 : i32
        %add3A_283 = arith.addi %mul3A_281, %add3A_282 : i32
        %broadcast_in_dim3A_284 = vector.broadcast %add3A_283 : i32 to vector<16xi32>
        %gather3A_285 = tpu.vector_load_idx %arg10[%add3A_183, %broadcast_in_dim3A_284] : memref<128x128xf32, #tpu.memory_space<vmem>>[vector<16xi32>, vector<16xi32>], vector<16xf32>,
        %mul3A_286 = arith.mulf %gather3A_285, %get3A_180 : vector<16xf32>
        tpu.vector_store_idx %arg10[%add3A_183, %broadcast_in_dim3A_284], %mul3A_286 : memref<128x128xf32, #tpu.memory_space<vmem>>[vector<16xi32>, vector<16xi32>], vector<16xf32>,
        %mul3A_287 = arith.constant 8 : i32
        %mul3A_288 = arith.muli %add3A_259, %mul3A_287 : i32
        %add3A_289 = arith.constant 4 : i32
        %add3A_290 = arith.addi %mul3A_288, %add3A_289 : i32
        %broadcast_in_dim3A_291 = vector.broadcast %add3A_290 : i32 to vector<16xi32>
        %gather3A_292 = tpu.vector_load_idx %arg10[%add3A_183, %broadcast_in_dim3A_291] : memref<128x128xf32, #tpu.memory_space<vmem>>[vector<16xi32>, vector<16xi32>], vector<16xf32>,
        %mul3A_293 = arith.mulf %gather3A_292, %get3A_180 : vector<16xf32>
        tpu.vector_store_idx %arg10[%add3A_183, %broadcast_in_dim3A_291], %mul3A_293 : memref<128x128xf32, #tpu.memory_space<vmem>>[vector<16xi32>, vector<16xi32>], vector<16xf32>,
        %mul3A_294 = arith.constant 8 : i32
        %mul3A_295 = arith.muli %add3A_259, %mul3A_294 : i32
        %add3A_296 = arith.constant 5 : i32
        %add3A_297 = arith.addi %mul3A_295, %add3A_296 : i32
        %broadcast_in_dim3A_298 = vector.broadcast %add3A_297 : i32 to vector<16xi32>
        %gather3A_299 = tpu.vector_load_idx %arg10[%add3A_183, %broadcast_in_dim3A_298] : memref<128x128xf32, #tpu.memory_space<vmem>>[vector<16xi32>, vector<16xi32>], vector<16xf32>,
        %mul3A_300 = arith.mulf %gather3A_299, %get3A_180 : vector<16xf32>
        tpu.vector_store_idx %arg10[%add3A_183, %broadcast_in_dim3A_298], %mul3A_300 : memref<128x128xf32, #tpu.memory_space<vmem>>[vector<16xi32>, vector<16xi32>], vector<16xf32>,
        %mul3A_301 = arith.constant 8 : i32
        %mul3A_302 = arith.muli %add3A_259, %mul3A_301 : i32
        %add3A_303 = arith.constant 6 : i32
        %add3A_304 = arith.addi %mul3A_302, %add3A_303 : i32
        %broadcast_in_dim3A_305 = vector.broadcast %add3A_304 : i32 to vector<16xi32>
        %gather3A_306 = tpu.vector_load_idx %arg10[%add3A_183, %broadcast_in_dim3A_305] : memref<128x128xf32, #tpu.memory_space<vmem>>[vector<16xi32>, vector<16xi32>], vector<16xf32>,
        %mul3A_307 = arith.mulf %gather3A_306, %get3A_180 : vector<16xf32>
        tpu.vector_store_idx %arg10[%add3A_183, %broadcast_in_dim3A_305], %mul3A_307 : memref<128x128xf32, #tpu.memory_space<vmem>>[vector<16xi32>, vector<16xi32>], vector<16xf32>,
        %mul3A_308 = arith.constant 8 : i32
        %mul3A_309 = arith.muli %add3A_259, %mul3A_308 : i32
        %add3A_310 = arith.constant 7 : i32
        %add3A_311 = arith.addi %mul3A_309, %add3A_310 : i32
        %broadcast_in_dim3A_312 = vector.broadcast %add3A_311 : i32 to vector<16xi32>
        %gather3A_313 = tpu.vector_load_idx %arg10[%add3A_183, %broadcast_in_dim3A_312] : memref<128x128xf32, #tpu.memory_space<vmem>>[vector<16xi32>, vector<16xi32>], vector<16xf32>,
        %mul3A_314 = arith.mulf %gather3A_313, %get3A_180 : vector<16xf32>
        tpu.vector_store_idx %arg10[%add3A_183, %broadcast_in_dim3A_312], %mul3A_314 : memref<128x128xf32, #tpu.memory_space<vmem>>[vector<16xi32>, vector<16xi32>], vector<16xf32>,
      }
      %scan3A_188 = arith.constant 16 : i32
      %get3A_189 = arith.index_cast %add3A_157 : i32 to index
      %get3A_190 = arith.constant 32 : index
      %get3A_191 = tpu.vector_load %arg9[%get3A_189, %get3A_190] {strides = array<i32>} : memref<79x128xf32, #tpu.memory_space<vmem>>, vector<16xf32>,
      %add3A_192 = arith.constant 32 : i32
      %add3A_193 = vector.broadcast %add3A_192 : i32 to vector<16xi32>
      %add3A_194 = arith.addi %iota3A, %add3A_193 : vector<16xi32>
      %scan3A_195 = arith.constant 0 : i32
      %scan3A_196 = arith.constant 16 : i32
      %scan3A_197 = arith.addi %scan3A_195, %scan3A_196 : i32
      %scan3A_198 = arith.constant 1 : i32
      scf.for %scan3A_255 = %scan3A_195 to %scan3A_197 step %scan3A_198  : i32 {
        %mul3A_256 = arith.constant 1 : i32
        %mul3A_257 = arith.muli %scan3A_255, %mul3A_256 : i32
        %add3A_258 = arith.constant 0 : i32
        %add3A_259 = arith.addi %add3A_258, %mul3A_257 : i32
        %mul3A_260 = arith.constant 8 : i32
        %mul3A_261 = arith.muli %add3A_259, %mul3A_260 : i32
        %add3A_262 = arith.constant 0 : i32
        %add3A_263 = arith.addi %mul3A_261, %add3A_262 : i32
        %broadcast_in_dim3A_264 = vector.broadcast %add3A_263 : i32 to vector<16xi32>
        %gather3A = tpu.vector_load_idx %arg10[%add3A_194, %broadcast_in_dim3A_264] : memref<128x128xf32, #tpu.memory_space<vmem>>[vector<16xi32>, vector<16xi32>], vector<16xf32>,
        %mul3A_265 = arith.mulf %gather3A, %get3A_191 : vector<16xf32>
        tpu.vector_store_idx %arg10[%add3A_194, %broadcast_in_dim3A_264], %mul3A_265 : memref<128x128xf32, #tpu.memory_space<vmem>>[vector<16xi32>, vector<16xi32>], vector<16xf32>,
        %mul3A_266 = arith.constant 8 : i32
        %mul3A_267 = arith.muli %add3A_259, %mul3A_266 : i32
        %add3A_268 = arith.constant 1 : i32
        %add3A_269 = arith.addi %mul3A_267, %add3A_268 : i32
        %broadcast_in_dim3A_270 = vector.broadcast %add3A_269 : i32 to vector<16xi32>
        %gather3A_271 = tpu.vector_load_idx %arg10[%add3A_194, %broadcast_in_dim3A_270] : memref<128x128xf32, #tpu.memory_space<vmem>>[vector<16xi32>, vector<16xi32>], vector<16xf32>,
        %mul3A_272 = arith.mulf %gather3A_271, %get3A_191 : vector<16xf32>
        tpu.vector_store_idx %arg10[%add3A_194, %broadcast_in_dim3A_270], %mul3A_272 : memref<128x128xf32, #tpu.memory_space<vmem>>[vector<16xi32>, vector<16xi32>], vector<16xf32>,
        %mul3A_273 = arith.constant 8 : i32
        %mul3A_274 = arith.muli %add3A_259, %mul3A_273 : i32
        %add3A_275 = arith.constant 2 : i32
        %add3A_276 = arith.addi %mul3A_274, %add3A_275 : i32
        %broadcast_in_dim3A_277 = vector.broadcast %add3A_276 : i32 to vector<16xi32>
        %gather3A_278 = tpu.vector_load_idx %arg10[%add3A_194, %broadcast_in_dim3A_277] : memref<128x128xf32, #tpu.memory_space<vmem>>[vector<16xi32>, vector<16xi32>], vector<16xf32>,
        %mul3A_279 = arith.mulf %gather3A_278, %get3A_191 : vector<16xf32>
        tpu.vector_store_idx %arg10[%add3A_194, %broadcast_in_dim3A_277], %mul3A_279 : memref<128x128xf32, #tpu.memory_space<vmem>>[vector<16xi32>, vector<16xi32>], vector<16xf32>,
        %mul3A_280 = arith.constant 8 : i32
        %mul3A_281 = arith.muli %add3A_259, %mul3A_280 : i32
        %add3A_282 = arith.constant 3 : i32
        %add3A_283 = arith.addi %mul3A_281, %add3A_282 : i32
        %broadcast_in_dim3A_284 = vector.broadcast %add3A_283 : i32 to vector<16xi32>
        %gather3A_285 = tpu.vector_load_idx %arg10[%add3A_194, %broadcast_in_dim3A_284] : memref<128x128xf32, #tpu.memory_space<vmem>>[vector<16xi32>, vector<16xi32>], vector<16xf32>,
        %mul3A_286 = arith.mulf %gather3A_285, %get3A_191 : vector<16xf32>
        tpu.vector_store_idx %arg10[%add3A_194, %broadcast_in_dim3A_284], %mul3A_286 : memref<128x128xf32, #tpu.memory_space<vmem>>[vector<16xi32>, vector<16xi32>], vector<16xf32>,
        %mul3A_287 = arith.constant 8 : i32
        %mul3A_288 = arith.muli %add3A_259, %mul3A_287 : i32
        %add3A_289 = arith.constant 4 : i32
        %add3A_290 = arith.addi %mul3A_288, %add3A_289 : i32
        %broadcast_in_dim3A_291 = vector.broadcast %add3A_290 : i32 to vector<16xi32>
        %gather3A_292 = tpu.vector_load_idx %arg10[%add3A_194, %broadcast_in_dim3A_291] : memref<128x128xf32, #tpu.memory_space<vmem>>[vector<16xi32>, vector<16xi32>], vector<16xf32>,
        %mul3A_293 = arith.mulf %gather3A_292, %get3A_191 : vector<16xf32>
        tpu.vector_store_idx %arg10[%add3A_194, %broadcast_in_dim3A_291], %mul3A_293 : memref<128x128xf32, #tpu.memory_space<vmem>>[vector<16xi32>, vector<16xi32>], vector<16xf32>,
        %mul3A_294 = arith.constant 8 : i32
        %mul3A_295 = arith.muli %add3A_259, %mul3A_294 : i32
        %add3A_296 = arith.constant 5 : i32
        %add3A_297 = arith.addi %mul3A_295, %add3A_296 : i32
        %broadcast_in_dim3A_298 = vector.broadcast %add3A_297 : i32 to vector<16xi32>
        %gather3A_299 = tpu.vector_load_idx %arg10[%add3A_194, %broadcast_in_dim3A_298] : memref<128x128xf32, #tpu.memory_space<vmem>>[vector<16xi32>, vector<16xi32>], vector<16xf32>,
        %mul3A_300 = arith.mulf %gather3A_299, %get3A_191 : vector<16xf32>
        tpu.vector_store_idx %arg10[%add3A_194, %broadcast_in_dim3A_298], %mul3A_300 : memref<128x128xf32, #tpu.memory_space<vmem>>[vector<16xi32>, vector<16xi32>], vector<16xf32>,
        %mul3A_301 = arith.constant 8 : i32
        %mul3A_302 = arith.muli %add3A_259, %mul3A_301 : i32
        %add3A_303 = arith.constant 6 : i32
        %add3A_304 = arith.addi %mul3A_302, %add3A_303 : i32
        %broadcast_in_dim3A_305 = vector.broadcast %add3A_304 : i32 to vector<16xi32>
        %gather3A_306 = tpu.vector_load_idx %arg10[%add3A_194, %broadcast_in_dim3A_305] : memref<128x128xf32, #tpu.memory_space<vmem>>[vector<16xi32>, vector<16xi32>], vector<16xf32>,
        %mul3A_307 = arith.mulf %gather3A_306, %get3A_191 : vector<16xf32>
        tpu.vector_store_idx %arg10[%add3A_194, %broadcast_in_dim3A_305], %mul3A_307 : memref<128x128xf32, #tpu.memory_space<vmem>>[vector<16xi32>, vector<16xi32>], vector<16xf32>,
        %mul3A_308 = arith.constant 8 : i32
        %mul3A_309 = arith.muli %add3A_259, %mul3A_308 : i32
        %add3A_310 = arith.constant 7 : i32
        %add3A_311 = arith.addi %mul3A_309, %add3A_310 : i32
        %broadcast_in_dim3A_312 = vector.broadcast %add3A_311 : i32 to vector<16xi32>
        %gather3A_313 = tpu.vector_load_idx %arg10[%add3A_194, %broadcast_in_dim3A_312] : memref<128x128xf32, #tpu.memory_space<vmem>>[vector<16xi32>, vector<16xi32>], vector<16xf32>,
        %mul3A_314 = arith.mulf %gather3A_313, %get3A_191 : vector<16xf32>
        tpu.vector_store_idx %arg10[%add3A_194, %broadcast_in_dim3A_312], %mul3A_314 : memref<128x128xf32, #tpu.memory_space<vmem>>[vector<16xi32>, vector<16xi32>], vector<16xf32>,
      }
      %scan3A_199 = arith.constant 16 : i32
      %get3A_200 = arith.index_cast %add3A_157 : i32 to index
      %get3A_201 = arith.constant 48 : index
      %get3A_202 = tpu.vector_load %arg9[%get3A_200, %get3A_201] {strides = array<i32>} : memref<79x128xf32, #tpu.memory_space<vmem>>, vector<16xf32>,
      %add3A_203 = arith.constant 48 : i32
      %add3A_204 = vector.broadcast %add3A_203 : i32 to vector<16xi32>
      %add3A_205 = arith.addi %iota3A, %add3A_204 : vector<16xi32>
      %scan3A_206 = arith.constant 0 : i32
      %scan3A_207 = arith.constant 16 : i32
      %scan3A_208 = arith.addi %scan3A_206, %scan3A_207 : i32
      %scan3A_209 = arith.constant 1 : i32
      scf.for %scan3A_255 = %scan3A_206 to %scan3A_208 step %scan3A_209  : i32 {
        %mul3A_256 = arith.constant 1 : i32
        %mul3A_257 = arith.muli %scan3A_255, %mul3A_256 : i32
        %add3A_258 = arith.constant 0 : i32
        %add3A_259 = arith.addi %add3A_258, %mul3A_257 : i32
        %mul3A_260 = arith.constant 8 : i32
        %mul3A_261 = arith.muli %add3A_259, %mul3A_260 : i32
        %add3A_262 = arith.constant 0 : i32
        %add3A_263 = arith.addi %mul3A_261, %add3A_262 : i32
        %broadcast_in_dim3A_264 = vector.broadcast %add3A_263 : i32 to vector<16xi32>
        %gather3A = tpu.vector_load_idx %arg10[%add3A_205, %broadcast_in_dim3A_264] : memref<128x128xf32, #tpu.memory_space<vmem>>[vector<16xi32>, vector<16xi32>], vector<16xf32>,
        %mul3A_265 = arith.mulf %gather3A, %get3A_202 : vector<16xf32>
        tpu.vector_store_idx %arg10[%add3A_205, %broadcast_in_dim3A_264], %mul3A_265 : memref<128x128xf32, #tpu.memory_space<vmem>>[vector<16xi32>, vector<16xi32>], vector<16xf32>,
        %mul3A_266 = arith.constant 8 : i32
        %mul3A_267 = arith.muli %add3A_259, %mul3A_266 : i32
        %add3A_268 = arith.constant 1 : i32
        %add3A_269 = arith.addi %mul3A_267, %add3A_268 : i32
        %broadcast_in_dim3A_270 = vector.broadcast %add3A_269 : i32 to vector<16xi32>
        %gather3A_271 = tpu.vector_load_idx %arg10[%add3A_205, %broadcast_in_dim3A_270] : memref<128x128xf32, #tpu.memory_space<vmem>>[vector<16xi32>, vector<16xi32>], vector<16xf32>,
        %mul3A_272 = arith.mulf %gather3A_271, %get3A_202 : vector<16xf32>
        tpu.vector_store_idx %arg10[%add3A_205, %broadcast_in_dim3A_270], %mul3A_272 : memref<128x128xf32, #tpu.memory_space<vmem>>[vector<16xi32>, vector<16xi32>], vector<16xf32>,
        %mul3A_273 = arith.constant 8 : i32
        %mul3A_274 = arith.muli %add3A_259, %mul3A_273 : i32
        %add3A_275 = arith.constant 2 : i32
        %add3A_276 = arith.addi %mul3A_274, %add3A_275 : i32
        %broadcast_in_dim3A_277 = vector.broadcast %add3A_276 : i32 to vector<16xi32>
        %gather3A_278 = tpu.vector_load_idx %arg10[%add3A_205, %broadcast_in_dim3A_277] : memref<128x128xf32, #tpu.memory_space<vmem>>[vector<16xi32>, vector<16xi32>], vector<16xf32>,
        %mul3A_279 = arith.mulf %gather3A_278, %get3A_202 : vector<16xf32>
        tpu.vector_store_idx %arg10[%add3A_205, %broadcast_in_dim3A_277], %mul3A_279 : memref<128x128xf32, #tpu.memory_space<vmem>>[vector<16xi32>, vector<16xi32>], vector<16xf32>,
        %mul3A_280 = arith.constant 8 : i32
        %mul3A_281 = arith.muli %add3A_259, %mul3A_280 : i32
        %add3A_282 = arith.constant 3 : i32
        %add3A_283 = arith.addi %mul3A_281, %add3A_282 : i32
        %broadcast_in_dim3A_284 = vector.broadcast %add3A_283 : i32 to vector<16xi32>
        %gather3A_285 = tpu.vector_load_idx %arg10[%add3A_205, %broadcast_in_dim3A_284] : memref<128x128xf32, #tpu.memory_space<vmem>>[vector<16xi32>, vector<16xi32>], vector<16xf32>,
        %mul3A_286 = arith.mulf %gather3A_285, %get3A_202 : vector<16xf32>
        tpu.vector_store_idx %arg10[%add3A_205, %broadcast_in_dim3A_284], %mul3A_286 : memref<128x128xf32, #tpu.memory_space<vmem>>[vector<16xi32>, vector<16xi32>], vector<16xf32>,
        %mul3A_287 = arith.constant 8 : i32
        %mul3A_288 = arith.muli %add3A_259, %mul3A_287 : i32
        %add3A_289 = arith.constant 4 : i32
        %add3A_290 = arith.addi %mul3A_288, %add3A_289 : i32
        %broadcast_in_dim3A_291 = vector.broadcast %add3A_290 : i32 to vector<16xi32>
        %gather3A_292 = tpu.vector_load_idx %arg10[%add3A_205, %broadcast_in_dim3A_291] : memref<128x128xf32, #tpu.memory_space<vmem>>[vector<16xi32>, vector<16xi32>], vector<16xf32>,
        %mul3A_293 = arith.mulf %gather3A_292, %get3A_202 : vector<16xf32>
        tpu.vector_store_idx %arg10[%add3A_205, %broadcast_in_dim3A_291], %mul3A_293 : memref<128x128xf32, #tpu.memory_space<vmem>>[vector<16xi32>, vector<16xi32>], vector<16xf32>,
        %mul3A_294 = arith.constant 8 : i32
        %mul3A_295 = arith.muli %add3A_259, %mul3A_294 : i32
        %add3A_296 = arith.constant 5 : i32
        %add3A_297 = arith.addi %mul3A_295, %add3A_296 : i32
        %broadcast_in_dim3A_298 = vector.broadcast %add3A_297 : i32 to vector<16xi32>
        %gather3A_299 = tpu.vector_load_idx %arg10[%add3A_205, %broadcast_in_dim3A_298] : memref<128x128xf32, #tpu.memory_space<vmem>>[vector<16xi32>, vector<16xi32>], vector<16xf32>,
        %mul3A_300 = arith.mulf %gather3A_299, %get3A_202 : vector<16xf32>
        tpu.vector_store_idx %arg10[%add3A_205, %broadcast_in_dim3A_298], %mul3A_300 : memref<128x128xf32, #tpu.memory_space<vmem>>[vector<16xi32>, vector<16xi32>], vector<16xf32>,
        %mul3A_301 = arith.constant 8 : i32
        %mul3A_302 = arith.muli %add3A_259, %mul3A_301 : i32
        %add3A_303 = arith.constant 6 : i32
        %add3A_304 = arith.addi %mul3A_302, %add3A_303 : i32
        %broadcast_in_dim3A_305 = vector.broadcast %add3A_304 : i32 to vector<16xi32>
        %gather3A_306 = tpu.vector_load_idx %arg10[%add3A_205, %broadcast_in_dim3A_305] : memref<128x128xf32, #tpu.memory_space<vmem>>[vector<16xi32>, vector<16xi32>], vector<16xf32>,
        %mul3A_307 = arith.mulf %gather3A_306, %get3A_202 : vector<16xf32>
        tpu.vector_store_idx %arg10[%add3A_205, %broadcast_in_dim3A_305], %mul3A_307 : memref<128x128xf32, #tpu.memory_space<vmem>>[vector<16xi32>, vector<16xi32>], vector<16xf32>,
        %mul3A_308 = arith.constant 8 : i32
        %mul3A_309 = arith.muli %add3A_259, %mul3A_308 : i32
        %add3A_310 = arith.constant 7 : i32
        %add3A_311 = arith.addi %mul3A_309, %add3A_310 : i32
        %broadcast_in_dim3A_312 = vector.broadcast %add3A_311 : i32 to vector<16xi32>
        %gather3A_313 = tpu.vector_load_idx %arg10[%add3A_205, %broadcast_in_dim3A_312] : memref<128x128xf32, #tpu.memory_space<vmem>>[vector<16xi32>, vector<16xi32>], vector<16xf32>,
        %mul3A_314 = arith.mulf %gather3A_313, %get3A_202 : vector<16xf32>
        tpu.vector_store_idx %arg10[%add3A_205, %broadcast_in_dim3A_312], %mul3A_314 : memref<128x128xf32, #tpu.memory_space<vmem>>[vector<16xi32>, vector<16xi32>], vector<16xf32>,
      }
      %scan3A_210 = arith.constant 16 : i32
      %get3A_211 = arith.index_cast %add3A_157 : i32 to index
      %get3A_212 = arith.constant 64 : index
      %get3A_213 = tpu.vector_load %arg9[%get3A_211, %get3A_212] {strides = array<i32>} : memref<79x128xf32, #tpu.memory_space<vmem>>, vector<16xf32>,
      %add3A_214 = arith.constant 64 : i32
      %add3A_215 = vector.broadcast %add3A_214 : i32 to vector<16xi32>
      %add3A_216 = arith.addi %iota3A, %add3A_215 : vector<16xi32>
      %scan3A_217 = arith.constant 0 : i32
      %scan3A_218 = arith.constant 16 : i32
      %scan3A_219 = arith.addi %scan3A_217, %scan3A_218 : i32
      %scan3A_220 = arith.constant 1 : i32
      scf.for %scan3A_255 = %scan3A_217 to %scan3A_219 step %scan3A_220  : i32 {
        %mul3A_256 = arith.constant 1 : i32
        %mul3A_257 = arith.muli %scan3A_255, %mul3A_256 : i32
        %add3A_258 = arith.constant 0 : i32
        %add3A_259 = arith.addi %add3A_258, %mul3A_257 : i32
        %mul3A_260 = arith.constant 8 : i32
        %mul3A_261 = arith.muli %add3A_259, %mul3A_260 : i32
        %add3A_262 = arith.constant 0 : i32
        %add3A_263 = arith.addi %mul3A_261, %add3A_262 : i32
        %broadcast_in_dim3A_264 = vector.broadcast %add3A_263 : i32 to vector<16xi32>
        %gather3A = tpu.vector_load_idx %arg10[%add3A_216, %broadcast_in_dim3A_264] : memref<128x128xf32, #tpu.memory_space<vmem>>[vector<16xi32>, vector<16xi32>], vector<16xf32>,
        %mul3A_265 = arith.mulf %gather3A, %get3A_213 : vector<16xf32>
        tpu.vector_store_idx %arg10[%add3A_216, %broadcast_in_dim3A_264], %mul3A_265 : memref<128x128xf32, #tpu.memory_space<vmem>>[vector<16xi32>, vector<16xi32>], vector<16xf32>,
        %mul3A_266 = arith.constant 8 : i32
        %mul3A_267 = arith.muli %add3A_259, %mul3A_266 : i32
        %add3A_268 = arith.constant 1 : i32
        %add3A_269 = arith.addi %mul3A_267, %add3A_268 : i32
        %broadcast_in_dim3A_270 = vector.broadcast %add3A_269 : i32 to vector<16xi32>
        %gather3A_271 = tpu.vector_load_idx %arg10[%add3A_216, %broadcast_in_dim3A_270] : memref<128x128xf32, #tpu.memory_space<vmem>>[vector<16xi32>, vector<16xi32>], vector<16xf32>,
        %mul3A_272 = arith.mulf %gather3A_271, %get3A_213 : vector<16xf32>
        tpu.vector_store_idx %arg10[%add3A_216, %broadcast_in_dim3A_270], %mul3A_272 : memref<128x128xf32, #tpu.memory_space<vmem>>[vector<16xi32>, vector<16xi32>], vector<16xf32>,
        %mul3A_273 = arith.constant 8 : i32
        %mul3A_274 = arith.muli %add3A_259, %mul3A_273 : i32
        %add3A_275 = arith.constant 2 : i32
        %add3A_276 = arith.addi %mul3A_274, %add3A_275 : i32
        %broadcast_in_dim3A_277 = vector.broadcast %add3A_276 : i32 to vector<16xi32>
        %gather3A_278 = tpu.vector_load_idx %arg10[%add3A_216, %broadcast_in_dim3A_277] : memref<128x128xf32, #tpu.memory_space<vmem>>[vector<16xi32>, vector<16xi32>], vector<16xf32>,
        %mul3A_279 = arith.mulf %gather3A_278, %get3A_213 : vector<16xf32>
        tpu.vector_store_idx %arg10[%add3A_216, %broadcast_in_dim3A_277], %mul3A_279 : memref<128x128xf32, #tpu.memory_space<vmem>>[vector<16xi32>, vector<16xi32>], vector<16xf32>,
        %mul3A_280 = arith.constant 8 : i32
        %mul3A_281 = arith.muli %add3A_259, %mul3A_280 : i32
        %add3A_282 = arith.constant 3 : i32
        %add3A_283 = arith.addi %mul3A_281, %add3A_282 : i32
        %broadcast_in_dim3A_284 = vector.broadcast %add3A_283 : i32 to vector<16xi32>
        %gather3A_285 = tpu.vector_load_idx %arg10[%add3A_216, %broadcast_in_dim3A_284] : memref<128x128xf32, #tpu.memory_space<vmem>>[vector<16xi32>, vector<16xi32>], vector<16xf32>,
        %mul3A_286 = arith.mulf %gather3A_285, %get3A_213 : vector<16xf32>
        tpu.vector_store_idx %arg10[%add3A_216, %broadcast_in_dim3A_284], %mul3A_286 : memref<128x128xf32, #tpu.memory_space<vmem>>[vector<16xi32>, vector<16xi32>], vector<16xf32>,
        %mul3A_287 = arith.constant 8 : i32
        %mul3A_288 = arith.muli %add3A_259, %mul3A_287 : i32
        %add3A_289 = arith.constant 4 : i32
        %add3A_290 = arith.addi %mul3A_288, %add3A_289 : i32
        %broadcast_in_dim3A_291 = vector.broadcast %add3A_290 : i32 to vector<16xi32>
        %gather3A_292 = tpu.vector_load_idx %arg10[%add3A_216, %broadcast_in_dim3A_291] : memref<128x128xf32, #tpu.memory_space<vmem>>[vector<16xi32>, vector<16xi32>], vector<16xf32>,
        %mul3A_293 = arith.mulf %gather3A_292, %get3A_213 : vector<16xf32>
        tpu.vector_store_idx %arg10[%add3A_216, %broadcast_in_dim3A_291], %mul3A_293 : memref<128x128xf32, #tpu.memory_space<vmem>>[vector<16xi32>, vector<16xi32>], vector<16xf32>,
        %mul3A_294 = arith.constant 8 : i32
        %mul3A_295 = arith.muli %add3A_259, %mul3A_294 : i32
        %add3A_296 = arith.constant 5 : i32
        %add3A_297 = arith.addi %mul3A_295, %add3A_296 : i32
        %broadcast_in_dim3A_298 = vector.broadcast %add3A_297 : i32 to vector<16xi32>
        %gather3A_299 = tpu.vector_load_idx %arg10[%add3A_216, %broadcast_in_dim3A_298] : memref<128x128xf32, #tpu.memory_space<vmem>>[vector<16xi32>, vector<16xi32>], vector<16xf32>,
        %mul3A_300 = arith.mulf %gather3A_299, %get3A_213 : vector<16xf32>
        tpu.vector_store_idx %arg10[%add3A_216, %broadcast_in_dim3A_298], %mul3A_300 : memref<128x128xf32, #tpu.memory_space<vmem>>[vector<16xi32>, vector<16xi32>], vector<16xf32>,
        %mul3A_301 = arith.constant 8 : i32
        %mul3A_302 = arith.muli %add3A_259, %mul3A_301 : i32
        %add3A_303 = arith.constant 6 : i32
        %add3A_304 = arith.addi %mul3A_302, %add3A_303 : i32
        %broadcast_in_dim3A_305 = vector.broadcast %add3A_304 : i32 to vector<16xi32>
        %gather3A_306 = tpu.vector_load_idx %arg10[%add3A_216, %broadcast_in_dim3A_305] : memref<128x128xf32, #tpu.memory_space<vmem>>[vector<16xi32>, vector<16xi32>], vector<16xf32>,
        %mul3A_307 = arith.mulf %gather3A_306, %get3A_213 : vector<16xf32>
        tpu.vector_store_idx %arg10[%add3A_216, %broadcast_in_dim3A_305], %mul3A_307 : memref<128x128xf32, #tpu.memory_space<vmem>>[vector<16xi32>, vector<16xi32>], vector<16xf32>,
        %mul3A_308 = arith.constant 8 : i32
        %mul3A_309 = arith.muli %add3A_259, %mul3A_308 : i32
        %add3A_310 = arith.constant 7 : i32
        %add3A_311 = arith.addi %mul3A_309, %add3A_310 : i32
        %broadcast_in_dim3A_312 = vector.broadcast %add3A_311 : i32 to vector<16xi32>
        %gather3A_313 = tpu.vector_load_idx %arg10[%add3A_216, %broadcast_in_dim3A_312] : memref<128x128xf32, #tpu.memory_space<vmem>>[vector<16xi32>, vector<16xi32>], vector<16xf32>,
        %mul3A_314 = arith.mulf %gather3A_313, %get3A_213 : vector<16xf32>
        tpu.vector_store_idx %arg10[%add3A_216, %broadcast_in_dim3A_312], %mul3A_314 : memref<128x128xf32, #tpu.memory_space<vmem>>[vector<16xi32>, vector<16xi32>], vector<16xf32>,
      }
      %scan3A_221 = arith.constant 16 : i32
      %get3A_222 = arith.index_cast %add3A_157 : i32 to index
      %get3A_223 = arith.constant 80 : index
      %get3A_224 = tpu.vector_load %arg9[%get3A_222, %get3A_223] {strides = array<i32>} : memref<79x128xf32, #tpu.memory_space<vmem>>, vector<16xf32>,
      %add3A_225 = arith.constant 80 : i32
      %add3A_226 = vector.broadcast %add3A_225 : i32 to vector<16xi32>
      %add3A_227 = arith.addi %iota3A, %add3A_226 : vector<16xi32>
      %scan3A_228 = arith.constant 0 : i32
      %scan3A_229 = arith.constant 16 : i32
      %scan3A_230 = arith.addi %scan3A_228, %scan3A_229 : i32
      %scan3A_231 = arith.constant 1 : i32
      scf.for %scan3A_255 = %scan3A_228 to %scan3A_230 step %scan3A_231  : i32 {
        %mul3A_256 = arith.constant 1 : i32
        %mul3A_257 = arith.muli %scan3A_255, %mul3A_256 : i32
        %add3A_258 = arith.constant 0 : i32
        %add3A_259 = arith.addi %add3A_258, %mul3A_257 : i32
        %mul3A_260 = arith.constant 8 : i32
        %mul3A_261 = arith.muli %add3A_259, %mul3A_260 : i32
        %add3A_262 = arith.constant 0 : i32
        %add3A_263 = arith.addi %mul3A_261, %add3A_262 : i32
        %broadcast_in_dim3A_264 = vector.broadcast %add3A_263 : i32 to vector<16xi32>
        %gather3A = tpu.vector_load_idx %arg10[%add3A_227, %broadcast_in_dim3A_264] : memref<128x128xf32, #tpu.memory_space<vmem>>[vector<16xi32>, vector<16xi32>], vector<16xf32>,
        %mul3A_265 = arith.mulf %gather3A, %get3A_224 : vector<16xf32>
        tpu.vector_store_idx %arg10[%add3A_227, %broadcast_in_dim3A_264], %mul3A_265 : memref<128x128xf32, #tpu.memory_space<vmem>>[vector<16xi32>, vector<16xi32>], vector<16xf32>,
        %mul3A_266 = arith.constant 8 : i32
        %mul3A_267 = arith.muli %add3A_259, %mul3A_266 : i32
        %add3A_268 = arith.constant 1 : i32
        %add3A_269 = arith.addi %mul3A_267, %add3A_268 : i32
        %broadcast_in_dim3A_270 = vector.broadcast %add3A_269 : i32 to vector<16xi32>
        %gather3A_271 = tpu.vector_load_idx %arg10[%add3A_227, %broadcast_in_dim3A_270] : memref<128x128xf32, #tpu.memory_space<vmem>>[vector<16xi32>, vector<16xi32>], vector<16xf32>,
        %mul3A_272 = arith.mulf %gather3A_271, %get3A_224 : vector<16xf32>
        tpu.vector_store_idx %arg10[%add3A_227, %broadcast_in_dim3A_270], %mul3A_272 : memref<128x128xf32, #tpu.memory_space<vmem>>[vector<16xi32>, vector<16xi32>], vector<16xf32>,
        %mul3A_273 = arith.constant 8 : i32
        %mul3A_274 = arith.muli %add3A_259, %mul3A_273 : i32
        %add3A_275 = arith.constant 2 : i32
        %add3A_276 = arith.addi %mul3A_274, %add3A_275 : i32
        %broadcast_in_dim3A_277 = vector.broadcast %add3A_276 : i32 to vector<16xi32>
        %gather3A_278 = tpu.vector_load_idx %arg10[%add3A_227, %broadcast_in_dim3A_277] : memref<128x128xf32, #tpu.memory_space<vmem>>[vector<16xi32>, vector<16xi32>], vector<16xf32>,
        %mul3A_279 = arith.mulf %gather3A_278, %get3A_224 : vector<16xf32>
        tpu.vector_store_idx %arg10[%add3A_227, %broadcast_in_dim3A_277], %mul3A_279 : memref<128x128xf32, #tpu.memory_space<vmem>>[vector<16xi32>, vector<16xi32>], vector<16xf32>,
        %mul3A_280 = arith.constant 8 : i32
        %mul3A_281 = arith.muli %add3A_259, %mul3A_280 : i32
        %add3A_282 = arith.constant 3 : i32
        %add3A_283 = arith.addi %mul3A_281, %add3A_282 : i32
        %broadcast_in_dim3A_284 = vector.broadcast %add3A_283 : i32 to vector<16xi32>
        %gather3A_285 = tpu.vector_load_idx %arg10[%add3A_227, %broadcast_in_dim3A_284] : memref<128x128xf32, #tpu.memory_space<vmem>>[vector<16xi32>, vector<16xi32>], vector<16xf32>,
        %mul3A_286 = arith.mulf %gather3A_285, %get3A_224 : vector<16xf32>
        tpu.vector_store_idx %arg10[%add3A_227, %broadcast_in_dim3A_284], %mul3A_286 : memref<128x128xf32, #tpu.memory_space<vmem>>[vector<16xi32>, vector<16xi32>], vector<16xf32>,
        %mul3A_287 = arith.constant 8 : i32
        %mul3A_288 = arith.muli %add3A_259, %mul3A_287 : i32
        %add3A_289 = arith.constant 4 : i32
        %add3A_290 = arith.addi %mul3A_288, %add3A_289 : i32
        %broadcast_in_dim3A_291 = vector.broadcast %add3A_290 : i32 to vector<16xi32>
        %gather3A_292 = tpu.vector_load_idx %arg10[%add3A_227, %broadcast_in_dim3A_291] : memref<128x128xf32, #tpu.memory_space<vmem>>[vector<16xi32>, vector<16xi32>], vector<16xf32>,
        %mul3A_293 = arith.mulf %gather3A_292, %get3A_224 : vector<16xf32>
        tpu.vector_store_idx %arg10[%add3A_227, %broadcast_in_dim3A_291], %mul3A_293 : memref<128x128xf32, #tpu.memory_space<vmem>>[vector<16xi32>, vector<16xi32>], vector<16xf32>,
        %mul3A_294 = arith.constant 8 : i32
        %mul3A_295 = arith.muli %add3A_259, %mul3A_294 : i32
        %add3A_296 = arith.constant 5 : i32
        %add3A_297 = arith.addi %mul3A_295, %add3A_296 : i32
        %broadcast_in_dim3A_298 = vector.broadcast %add3A_297 : i32 to vector<16xi32>
        %gather3A_299 = tpu.vector_load_idx %arg10[%add3A_227, %broadcast_in_dim3A_298] : memref<128x128xf32, #tpu.memory_space<vmem>>[vector<16xi32>, vector<16xi32>], vector<16xf32>,
        %mul3A_300 = arith.mulf %gather3A_299, %get3A_224 : vector<16xf32>
        tpu.vector_store_idx %arg10[%add3A_227, %broadcast_in_dim3A_298], %mul3A_300 : memref<128x128xf32, #tpu.memory_space<vmem>>[vector<16xi32>, vector<16xi32>], vector<16xf32>,
        %mul3A_301 = arith.constant 8 : i32
        %mul3A_302 = arith.muli %add3A_259, %mul3A_301 : i32
        %add3A_303 = arith.constant 6 : i32
        %add3A_304 = arith.addi %mul3A_302, %add3A_303 : i32
        %broadcast_in_dim3A_305 = vector.broadcast %add3A_304 : i32 to vector<16xi32>
        %gather3A_306 = tpu.vector_load_idx %arg10[%add3A_227, %broadcast_in_dim3A_305] : memref<128x128xf32, #tpu.memory_space<vmem>>[vector<16xi32>, vector<16xi32>], vector<16xf32>,
        %mul3A_307 = arith.mulf %gather3A_306, %get3A_224 : vector<16xf32>
        tpu.vector_store_idx %arg10[%add3A_227, %broadcast_in_dim3A_305], %mul3A_307 : memref<128x128xf32, #tpu.memory_space<vmem>>[vector<16xi32>, vector<16xi32>], vector<16xf32>,
        %mul3A_308 = arith.constant 8 : i32
        %mul3A_309 = arith.muli %add3A_259, %mul3A_308 : i32
        %add3A_310 = arith.constant 7 : i32
        %add3A_311 = arith.addi %mul3A_309, %add3A_310 : i32
        %broadcast_in_dim3A_312 = vector.broadcast %add3A_311 : i32 to vector<16xi32>
        %gather3A_313 = tpu.vector_load_idx %arg10[%add3A_227, %broadcast_in_dim3A_312] : memref<128x128xf32, #tpu.memory_space<vmem>>[vector<16xi32>, vector<16xi32>], vector<16xf32>,
        %mul3A_314 = arith.mulf %gather3A_313, %get3A_224 : vector<16xf32>
        tpu.vector_store_idx %arg10[%add3A_227, %broadcast_in_dim3A_312], %mul3A_314 : memref<128x128xf32, #tpu.memory_space<vmem>>[vector<16xi32>, vector<16xi32>], vector<16xf32>,
      }
      %scan3A_232 = arith.constant 16 : i32
      %get3A_233 = arith.index_cast %add3A_157 : i32 to index
      %get3A_234 = arith.constant 96 : index
      %get3A_235 = tpu.vector_load %arg9[%get3A_233, %get3A_234] {strides = array<i32>} : memref<79x128xf32, #tpu.memory_space<vmem>>, vector<16xf32>,
      %add3A_236 = arith.constant 96 : i32
      %add3A_237 = vector.broadcast %add3A_236 : i32 to vector<16xi32>
      %add3A_238 = arith.addi %iota3A, %add3A_237 : vector<16xi32>
      %scan3A_239 = arith.constant 0 : i32
      %scan3A_240 = arith.constant 16 : i32
      %scan3A_241 = arith.addi %scan3A_239, %scan3A_240 : i32
      %scan3A_242 = arith.constant 1 : i32
      scf.for %scan3A_255 = %scan3A_239 to %scan3A_241 step %scan3A_242  : i32 {
        %mul3A_256 = arith.constant 1 : i32
        %mul3A_257 = arith.muli %scan3A_255, %mul3A_256 : i32
        %add3A_258 = arith.constant 0 : i32
        %add3A_259 = arith.addi %add3A_258, %mul3A_257 : i32
        %mul3A_260 = arith.constant 8 : i32
        %mul3A_261 = arith.muli %add3A_259, %mul3A_260 : i32
        %add3A_262 = arith.constant 0 : i32
        %add3A_263 = arith.addi %mul3A_261, %add3A_262 : i32
        %broadcast_in_dim3A_264 = vector.broadcast %add3A_263 : i32 to vector<16xi32>
        %gather3A = tpu.vector_load_idx %arg10[%add3A_238, %broadcast_in_dim3A_264] : memref<128x128xf32, #tpu.memory_space<vmem>>[vector<16xi32>, vector<16xi32>], vector<16xf32>,
        %mul3A_265 = arith.mulf %gather3A, %get3A_235 : vector<16xf32>
        tpu.vector_store_idx %arg10[%add3A_238, %broadcast_in_dim3A_264], %mul3A_265 : memref<128x128xf32, #tpu.memory_space<vmem>>[vector<16xi32>, vector<16xi32>], vector<16xf32>,
        %mul3A_266 = arith.constant 8 : i32
        %mul3A_267 = arith.muli %add3A_259, %mul3A_266 : i32
        %add3A_268 = arith.constant 1 : i32
        %add3A_269 = arith.addi %mul3A_267, %add3A_268 : i32
        %broadcast_in_dim3A_270 = vector.broadcast %add3A_269 : i32 to vector<16xi32>
        %gather3A_271 = tpu.vector_load_idx %arg10[%add3A_238, %broadcast_in_dim3A_270] : memref<128x128xf32, #tpu.memory_space<vmem>>[vector<16xi32>, vector<16xi32>], vector<16xf32>,
        %mul3A_272 = arith.mulf %gather3A_271, %get3A_235 : vector<16xf32>
        tpu.vector_store_idx %arg10[%add3A_238, %broadcast_in_dim3A_270], %mul3A_272 : memref<128x128xf32, #tpu.memory_space<vmem>>[vector<16xi32>, vector<16xi32>], vector<16xf32>,
        %mul3A_273 = arith.constant 8 : i32
        %mul3A_274 = arith.muli %add3A_259, %mul3A_273 : i32
        %add3A_275 = arith.constant 2 : i32
        %add3A_276 = arith.addi %mul3A_274, %add3A_275 : i32
        %broadcast_in_dim3A_277 = vector.broadcast %add3A_276 : i32 to vector<16xi32>
        %gather3A_278 = tpu.vector_load_idx %arg10[%add3A_238, %broadcast_in_dim3A_277] : memref<128x128xf32, #tpu.memory_space<vmem>>[vector<16xi32>, vector<16xi32>], vector<16xf32>,
        %mul3A_279 = arith.mulf %gather3A_278, %get3A_235 : vector<16xf32>
        tpu.vector_store_idx %arg10[%add3A_238, %broadcast_in_dim3A_277], %mul3A_279 : memref<128x128xf32, #tpu.memory_space<vmem>>[vector<16xi32>, vector<16xi32>], vector<16xf32>,
        %mul3A_280 = arith.constant 8 : i32
        %mul3A_281 = arith.muli %add3A_259, %mul3A_280 : i32
        %add3A_282 = arith.constant 3 : i32
        %add3A_283 = arith.addi %mul3A_281, %add3A_282 : i32
        %broadcast_in_dim3A_284 = vector.broadcast %add3A_283 : i32 to vector<16xi32>
        %gather3A_285 = tpu.vector_load_idx %arg10[%add3A_238, %broadcast_in_dim3A_284] : memref<128x128xf32, #tpu.memory_space<vmem>>[vector<16xi32>, vector<16xi32>], vector<16xf32>,
        %mul3A_286 = arith.mulf %gather3A_285, %get3A_235 : vector<16xf32>
        tpu.vector_store_idx %arg10[%add3A_238, %broadcast_in_dim3A_284], %mul3A_286 : memref<128x128xf32, #tpu.memory_space<vmem>>[vector<16xi32>, vector<16xi32>], vector<16xf32>,
        %mul3A_287 = arith.constant 8 : i32
        %mul3A_288 = arith.muli %add3A_259, %mul3A_287 : i32
        %add3A_289 = arith.constant 4 : i32
        %add3A_290 = arith.addi %mul3A_288, %add3A_289 : i32
        %broadcast_in_dim3A_291 = vector.broadcast %add3A_290 : i32 to vector<16xi32>
        %gather3A_292 = tpu.vector_load_idx %arg10[%add3A_238, %broadcast_in_dim3A_291] : memref<128x128xf32, #tpu.memory_space<vmem>>[vector<16xi32>, vector<16xi32>], vector<16xf32>,
        %mul3A_293 = arith.mulf %gather3A_292, %get3A_235 : vector<16xf32>
        tpu.vector_store_idx %arg10[%add3A_238, %broadcast_in_dim3A_291], %mul3A_293 : memref<128x128xf32, #tpu.memory_space<vmem>>[vector<16xi32>, vector<16xi32>], vector<16xf32>,
        %mul3A_294 = arith.constant 8 : i32
        %mul3A_295 = arith.muli %add3A_259, %mul3A_294 : i32
        %add3A_296 = arith.constant 5 : i32
        %add3A_297 = arith.addi %mul3A_295, %add3A_296 : i32
        %broadcast_in_dim3A_298 = vector.broadcast %add3A_297 : i32 to vector<16xi32>
        %gather3A_299 = tpu.vector_load_idx %arg10[%add3A_238, %broadcast_in_dim3A_298] : memref<128x128xf32, #tpu.memory_space<vmem>>[vector<16xi32>, vector<16xi32>], vector<16xf32>,
        %mul3A_300 = arith.mulf %gather3A_299, %get3A_235 : vector<16xf32>
        tpu.vector_store_idx %arg10[%add3A_238, %broadcast_in_dim3A_298], %mul3A_300 : memref<128x128xf32, #tpu.memory_space<vmem>>[vector<16xi32>, vector<16xi32>], vector<16xf32>,
        %mul3A_301 = arith.constant 8 : i32
        %mul3A_302 = arith.muli %add3A_259, %mul3A_301 : i32
        %add3A_303 = arith.constant 6 : i32
        %add3A_304 = arith.addi %mul3A_302, %add3A_303 : i32
        %broadcast_in_dim3A_305 = vector.broadcast %add3A_304 : i32 to vector<16xi32>
        %gather3A_306 = tpu.vector_load_idx %arg10[%add3A_238, %broadcast_in_dim3A_305] : memref<128x128xf32, #tpu.memory_space<vmem>>[vector<16xi32>, vector<16xi32>], vector<16xf32>,
        %mul3A_307 = arith.mulf %gather3A_306, %get3A_235 : vector<16xf32>
        tpu.vector_store_idx %arg10[%add3A_238, %broadcast_in_dim3A_305], %mul3A_307 : memref<128x128xf32, #tpu.memory_space<vmem>>[vector<16xi32>, vector<16xi32>], vector<16xf32>,
        %mul3A_308 = arith.constant 8 : i32
        %mul3A_309 = arith.muli %add3A_259, %mul3A_308 : i32
        %add3A_310 = arith.constant 7 : i32
        %add3A_311 = arith.addi %mul3A_309, %add3A_310 : i32
        %broadcast_in_dim3A_312 = vector.broadcast %add3A_311 : i32 to vector<16xi32>
        %gather3A_313 = tpu.vector_load_idx %arg10[%add3A_238, %broadcast_in_dim3A_312] : memref<128x128xf32, #tpu.memory_space<vmem>>[vector<16xi32>, vector<16xi32>], vector<16xf32>,
        %mul3A_314 = arith.mulf %gather3A_313, %get3A_235 : vector<16xf32>
        tpu.vector_store_idx %arg10[%add3A_238, %broadcast_in_dim3A_312], %mul3A_314 : memref<128x128xf32, #tpu.memory_space<vmem>>[vector<16xi32>, vector<16xi32>], vector<16xf32>,
      }
      %scan3A_243 = arith.constant 16 : i32
      %get3A_244 = arith.index_cast %add3A_157 : i32 to index
      %get3A_245 = arith.constant 112 : index
      %get3A_246 = tpu.vector_load %arg9[%get3A_244, %get3A_245] {strides = array<i32>} : memref<79x128xf32, #tpu.memory_space<vmem>>, vector<16xf32>,
      %add3A_247 = arith.constant 112 : i32
      %add3A_248 = vector.broadcast %add3A_247 : i32 to vector<16xi32>
      %add3A_249 = arith.addi %iota3A, %add3A_248 : vector<16xi32>
      %scan3A_250 = arith.constant 0 : i32
      %scan3A_251 = arith.constant 16 : i32
      %scan3A_252 = arith.addi %scan3A_250, %scan3A_251 : i32
      %scan3A_253 = arith.constant 1 : i32
      scf.for %scan3A_255 = %scan3A_250 to %scan3A_252 step %scan3A_253  : i32 {
        %mul3A_256 = arith.constant 1 : i32
        %mul3A_257 = arith.muli %scan3A_255, %mul3A_256 : i32
        %add3A_258 = arith.constant 0 : i32
        %add3A_259 = arith.addi %add3A_258, %mul3A_257 : i32
        %mul3A_260 = arith.constant 8 : i32
        %mul3A_261 = arith.muli %add3A_259, %mul3A_260 : i32
        %add3A_262 = arith.constant 0 : i32
        %add3A_263 = arith.addi %mul3A_261, %add3A_262 : i32
        %broadcast_in_dim3A_264 = vector.broadcast %add3A_263 : i32 to vector<16xi32>
        %gather3A = tpu.vector_load_idx %arg10[%add3A_249, %broadcast_in_dim3A_264] : memref<128x128xf32, #tpu.memory_space<vmem>>[vector<16xi32>, vector<16xi32>], vector<16xf32>,
        %mul3A_265 = arith.mulf %gather3A, %get3A_246 : vector<16xf32>
        tpu.vector_store_idx %arg10[%add3A_249, %broadcast_in_dim3A_264], %mul3A_265 : memref<128x128xf32, #tpu.memory_space<vmem>>[vector<16xi32>, vector<16xi32>], vector<16xf32>,
        %mul3A_266 = arith.constant 8 : i32
        %mul3A_267 = arith.muli %add3A_259, %mul3A_266 : i32
        %add3A_268 = arith.constant 1 : i32
        %add3A_269 = arith.addi %mul3A_267, %add3A_268 : i32
        %broadcast_in_dim3A_270 = vector.broadcast %add3A_269 : i32 to vector<16xi32>
        %gather3A_271 = tpu.vector_load_idx %arg10[%add3A_249, %broadcast_in_dim3A_270] : memref<128x128xf32, #tpu.memory_space<vmem>>[vector<16xi32>, vector<16xi32>], vector<16xf32>,
        %mul3A_272 = arith.mulf %gather3A_271, %get3A_246 : vector<16xf32>
        tpu.vector_store_idx %arg10[%add3A_249, %broadcast_in_dim3A_270], %mul3A_272 : memref<128x128xf32, #tpu.memory_space<vmem>>[vector<16xi32>, vector<16xi32>], vector<16xf32>,
        %mul3A_273 = arith.constant 8 : i32
        %mul3A_274 = arith.muli %add3A_259, %mul3A_273 : i32
        %add3A_275 = arith.constant 2 : i32
        %add3A_276 = arith.addi %mul3A_274, %add3A_275 : i32
        %broadcast_in_dim3A_277 = vector.broadcast %add3A_276 : i32 to vector<16xi32>
        %gather3A_278 = tpu.vector_load_idx %arg10[%add3A_249, %broadcast_in_dim3A_277] : memref<128x128xf32, #tpu.memory_space<vmem>>[vector<16xi32>, vector<16xi32>], vector<16xf32>,
        %mul3A_279 = arith.mulf %gather3A_278, %get3A_246 : vector<16xf32>
        tpu.vector_store_idx %arg10[%add3A_249, %broadcast_in_dim3A_277], %mul3A_279 : memref<128x128xf32, #tpu.memory_space<vmem>>[vector<16xi32>, vector<16xi32>], vector<16xf32>,
        %mul3A_280 = arith.constant 8 : i32
        %mul3A_281 = arith.muli %add3A_259, %mul3A_280 : i32
        %add3A_282 = arith.constant 3 : i32
        %add3A_283 = arith.addi %mul3A_281, %add3A_282 : i32
        %broadcast_in_dim3A_284 = vector.broadcast %add3A_283 : i32 to vector<16xi32>
        %gather3A_285 = tpu.vector_load_idx %arg10[%add3A_249, %broadcast_in_dim3A_284] : memref<128x128xf32, #tpu.memory_space<vmem>>[vector<16xi32>, vector<16xi32>], vector<16xf32>,
        %mul3A_286 = arith.mulf %gather3A_285, %get3A_246 : vector<16xf32>
        tpu.vector_store_idx %arg10[%add3A_249, %broadcast_in_dim3A_284], %mul3A_286 : memref<128x128xf32, #tpu.memory_space<vmem>>[vector<16xi32>, vector<16xi32>], vector<16xf32>,
        %mul3A_287 = arith.constant 8 : i32
        %mul3A_288 = arith.muli %add3A_259, %mul3A_287 : i32
        %add3A_289 = arith.constant 4 : i32
        %add3A_290 = arith.addi %mul3A_288, %add3A_289 : i32
        %broadcast_in_dim3A_291 = vector.broadcast %add3A_290 : i32 to vector<16xi32>
        %gather3A_292 = tpu.vector_load_idx %arg10[%add3A_249, %broadcast_in_dim3A_291] : memref<128x128xf32, #tpu.memory_space<vmem>>[vector<16xi32>, vector<16xi32>], vector<16xf32>,
        %mul3A_293 = arith.mulf %gather3A_292, %get3A_246 : vector<16xf32>
        tpu.vector_store_idx %arg10[%add3A_249, %broadcast_in_dim3A_291], %mul3A_293 : memref<128x128xf32, #tpu.memory_space<vmem>>[vector<16xi32>, vector<16xi32>], vector<16xf32>,
        %mul3A_294 = arith.constant 8 : i32
        %mul3A_295 = arith.muli %add3A_259, %mul3A_294 : i32
        %add3A_296 = arith.constant 5 : i32
        %add3A_297 = arith.addi %mul3A_295, %add3A_296 : i32
        %broadcast_in_dim3A_298 = vector.broadcast %add3A_297 : i32 to vector<16xi32>
        %gather3A_299 = tpu.vector_load_idx %arg10[%add3A_249, %broadcast_in_dim3A_298] : memref<128x128xf32, #tpu.memory_space<vmem>>[vector<16xi32>, vector<16xi32>], vector<16xf32>,
        %mul3A_300 = arith.mulf %gather3A_299, %get3A_246 : vector<16xf32>
        tpu.vector_store_idx %arg10[%add3A_249, %broadcast_in_dim3A_298], %mul3A_300 : memref<128x128xf32, #tpu.memory_space<vmem>>[vector<16xi32>, vector<16xi32>], vector<16xf32>,
        %mul3A_301 = arith.constant 8 : i32
        %mul3A_302 = arith.muli %add3A_259, %mul3A_301 : i32
        %add3A_303 = arith.constant 6 : i32
        %add3A_304 = arith.addi %mul3A_302, %add3A_303 : i32
        %broadcast_in_dim3A_305 = vector.broadcast %add3A_304 : i32 to vector<16xi32>
        %gather3A_306 = tpu.vector_load_idx %arg10[%add3A_249, %broadcast_in_dim3A_305] : memref<128x128xf32, #tpu.memory_space<vmem>>[vector<16xi32>, vector<16xi32>], vector<16xf32>,
        %mul3A_307 = arith.mulf %gather3A_306, %get3A_246 : vector<16xf32>
        tpu.vector_store_idx %arg10[%add3A_249, %broadcast_in_dim3A_305], %mul3A_307 : memref<128x128xf32, #tpu.memory_space<vmem>>[vector<16xi32>, vector<16xi32>], vector<16xf32>,
        %mul3A_308 = arith.constant 8 : i32
        %mul3A_309 = arith.muli %add3A_259, %mul3A_308 : i32
        %add3A_310 = arith.constant 7 : i32
        %add3A_311 = arith.addi %mul3A_309, %add3A_310 : i32
        %broadcast_in_dim3A_312 = vector.broadcast %add3A_311 : i32 to vector<16xi32>
        %gather3A_313 = tpu.vector_load_idx %arg10[%add3A_249, %broadcast_in_dim3A_312] : memref<128x128xf32, #tpu.memory_space<vmem>>[vector<16xi32>, vector<16xi32>], vector<16xf32>,
        %mul3A_314 = arith.mulf %gather3A_313, %get3A_246 : vector<16xf32>
        tpu.vector_store_idx %arg10[%add3A_249, %broadcast_in_dim3A_312], %mul3A_314 : memref<128x128xf32, #tpu.memory_space<vmem>>[vector<16xi32>, vector<16xi32>], vector<16xf32>,
      }
      %scan3A_254 = arith.constant 16 : i32
      "tpu.region"() ({
        %run_scoped3A = tpu.sem_alloc : memref<!tpu.dma_semaphore, #tpu.memory_space<semaphore_mem>>
        %dma_start3A_255 = arith.constant 0 : i32
        %dma_start3A_256 = tpu.memref_slice %arg8[%add3A_157, %dma_start3A_255] : memref<79x128xi32, #tpu.memory_space<vmem>> -> memref<1x128xi32, #tpu.memory_space<vmem>>
        %dma_start3A_257 = tpu.memref_squeeze %dma_start3A_256 : memref<1x128xi32, #tpu.memory_space<vmem>> -> memref<128xi32, #tpu.memory_space<vmem>>
        %dma_start3A_258 = arith.constant 0 : i32
        %dma_start3A_259 = arith.constant 0 : i32
        %dma_start3A_260 = tpu.memref_slice %arg11[%dma_start3A_258, %dma_start3A_259] : memref<10000x128xf32, #tpu.memory_space<vmem_shared>> -> memref<10000x128xf32, #tpu.memory_space<vmem_shared>>
        tpu.enqueue_indirect_dma source(%arg10 : memref<128x128xf32, #tpu.memory_space<vmem>>) target(%dma_start3A_260 : memref<10000x128xf32, #tpu.memory_space<vmem_shared>>) offsets(%dma_start3A_257 : memref<128xi32, #tpu.memory_space<vmem>>) semaphore(%run_scoped3A : memref<!tpu.dma_semaphore, #tpu.memory_space<semaphore_mem>>) {add = true}
        %dma_wait3A_261 = arith.constant 0 : i32
        %dma_wait3A_262 = tpu.memref_slice %arg8[%add3A_157, %dma_wait3A_261] : memref<79x128xi32, #tpu.memory_space<vmem>> -> memref<1x128xi32, #tpu.memory_space<vmem>>
        %dma_wait3A_263 = tpu.memref_squeeze %dma_wait3A_262 : memref<1x128xi32, #tpu.memory_space<vmem>> -> memref<128xi32, #tpu.memory_space<vmem>>
        %dma_wait3A_264 = arith.constant 0 : i32
        %dma_wait3A_265 = arith.constant 0 : i32
        %dma_wait3A_266 = tpu.memref_slice %arg11[%dma_wait3A_264, %dma_wait3A_265] : memref<10000x128xf32, #tpu.memory_space<vmem_shared>> -> memref<10000x128xf32, #tpu.memory_space<vmem_shared>>
        tpu.wait_indirect_dma semaphore(%run_scoped3A : memref<!tpu.dma_semaphore, #tpu.memory_space<semaphore_mem>>) src(%arg10 : memref<128x128xf32, #tpu.memory_space<vmem>>) dst(%dma_wait3A_266 : memref<10000x128xf32, #tpu.memory_space<vmem_shared>>)
        tpu.yield
      }) : () -> ()
    }
    %scan3A_79 = arith.constant 79 : i32
    %barrier3A_80 = arith.constant 0 : index
    tpu.barrier barrier_id(%barrier3A_80)
    %mul3A_81 = arith.constant 8 : i32
    %mul3A_82 = arith.muli %arg1, %mul3A_81 : i32
    %add3A_83 = arith.constant 0 : i32
    %add3A_84 = arith.addi %mul3A_82, %add3A_83 : i32
    %lt3A_85 = arith.constant 125 : i32
    %lt3A_86 = arith.cmpi slt, %add3A_84, %lt3A_85 : i32
    %convert_element_type3A_87 = arith.extui %lt3A_86 : i1 to i32
    %cond3A_88 = arith.constant 0 : i32
    %cond3A_89 = arith.cmpi ne, %convert_element_type3A_87, %cond3A_88 : i32
    scf.if %cond3A_89 {
      %mul3A_153 = arith.constant 80 : i32
      %mul3A_154 = arith.muli %add3A_84, %mul3A_153 : i32
      %multiple_of3A = tpu.assume_multiple %mul3A_154, 80 : i32
      "tpu.region"() ({
        %run_scoped3A = tpu.sem_alloc : memref<!tpu.dma_semaphore, #tpu.memory_space<semaphore_mem>>
        %dma_start3A = arith.constant 0 : i32
        %dma_start3A_155 = arith.constant 0 : i32
        %dma_start3A_156 = tpu.memref_slice %arg10[%dma_start3A, %dma_start3A_155] : memref<128x128xf32, #tpu.memory_space<vmem>> -> memref<80x128xf32, #tpu.memory_space<vmem>>
        %dma_start3A_157 = arith.constant 0 : i32
        %dma_start3A_158 = tpu.memref_slice %arg11[%multiple_of3A, %dma_start3A_157] : memref<10000x128xf32, #tpu.memory_space<vmem_shared>> -> memref<80x128xf32, #tpu.memory_space<vmem_shared>>
        %dma_start3A_159 = arith.constant 0 : i32
        %dma_start3A_160 = arith.constant 0 : i32
        %dma_start3A_161 = tpu.memref_slice %arg10[%dma_start3A_159, %dma_start3A_160] : memref<128x128xf32, #tpu.memory_space<vmem>> -> memref<80x128xf32, #tpu.memory_space<vmem>>
        %dma_start3A_162 = arith.constant 0 : i32
        %dma_start3A_163 = tpu.memref_slice %arg11[%multiple_of3A, %dma_start3A_162] : memref<10000x128xf32, #tpu.memory_space<vmem_shared>> -> memref<80x128xf32, #tpu.memory_space<vmem_shared>>
        tpu.enqueue_dma source(%dma_start3A_163 : memref<80x128xf32, #tpu.memory_space<vmem_shared>>) target(%dma_start3A_161 : memref<80x128xf32, #tpu.memory_space<vmem>>) target_semaphore(%run_scoped3A : memref<!tpu.dma_semaphore, #tpu.memory_space<semaphore_mem>>)
        %dma_wait3A = arith.constant 0 : i32
        %dma_wait3A_164 = arith.constant 0 : i32
        %dma_wait3A_165 = tpu.memref_slice %arg10[%dma_wait3A, %dma_wait3A_164] : memref<128x128xf32, #tpu.memory_space<vmem>> -> memref<80x128xf32, #tpu.memory_space<vmem>>
        %dma_wait3A_166 = arith.constant 0 : i32
        %dma_wait3A_167 = tpu.memref_slice %arg11[%multiple_of3A, %dma_wait3A_166] : memref<10000x128xf32, #tpu.memory_space<vmem_shared>> -> memref<80x128xf32, #tpu.memory_space<vmem_shared>>
        %dma_wait3A_168 = arith.constant 0 : i32
        %dma_wait3A_169 = arith.constant 0 : i32
        %dma_wait3A_170 = tpu.memref_slice %arg10[%dma_wait3A_168, %dma_wait3A_169] : memref<128x128xf32, #tpu.memory_space<vmem>> -> memref<80x128xf32, #tpu.memory_space<vmem>>
        %dma_wait3A_171 = arith.constant 0 : i32
        %dma_wait3A_172 = tpu.memref_slice %arg11[%multiple_of3A, %dma_wait3A_171] : memref<10000x128xf32, #tpu.memory_space<vmem_shared>> -> memref<80x128xf32, #tpu.memory_space<vmem_shared>>
        tpu.wait_dma2 semaphore(%run_scoped3A : memref<!tpu.dma_semaphore, #tpu.memory_space<semaphore_mem>>) src(%dma_wait3A_172 : memref<80x128xf32, #tpu.memory_space<vmem_shared>>) dst(%dma_wait3A_170 : memref<80x128xf32, #tpu.memory_space<vmem>>)
        tpu.yield
      }) : () -> ()
      "tpu.region"() ({
        %run_scoped3A = tpu.sem_alloc : memref<!tpu.dma_semaphore, #tpu.memory_space<semaphore_mem>>
        %dma_start3A = arith.constant 0 : i32
        %dma_start3A_155 = arith.constant 0 : i32
        %dma_start3A_156 = tpu.memref_slice %arg10[%dma_start3A, %dma_start3A_155] : memref<128x128xf32, #tpu.memory_space<vmem>> -> memref<80x128xf32, #tpu.memory_space<vmem>>
        %dma_start3A_157 = arith.constant 0 : i32
        %dma_start3A_158 = tpu.memref_slice %arg6[%arg0, %multiple_of3A, %dma_start3A_157] : memref<2x10000x128xf32, #tpu.memory_space<hbm>> -> memref<1x80x128xf32, #tpu.memory_space<hbm>>
        %dma_start3A_159 = tpu.memref_squeeze %dma_start3A_158 : memref<1x80x128xf32, #tpu.memory_space<hbm>> -> memref<80x128xf32, #tpu.memory_space<hbm>>
        %dma_start3A_160 = arith.constant 0 : i32
        %dma_start3A_161 = tpu.memref_slice %arg6[%arg0, %multiple_of3A, %dma_start3A_160] : memref<2x10000x128xf32, #tpu.memory_space<hbm>> -> memref<1x80x128xf32, #tpu.memory_space<hbm>>
        %dma_start3A_162 = tpu.memref_squeeze %dma_start3A_161 : memref<1x80x128xf32, #tpu.memory_space<hbm>> -> memref<80x128xf32, #tpu.memory_space<hbm>>
        %dma_start3A_163 = arith.constant 0 : i32
        %dma_start3A_164 = arith.constant 0 : i32
        %dma_start3A_165 = tpu.memref_slice %arg10[%dma_start3A_163, %dma_start3A_164] : memref<128x128xf32, #tpu.memory_space<vmem>> -> memref<80x128xf32, #tpu.memory_space<vmem>>
        tpu.enqueue_dma source(%dma_start3A_165 : memref<80x128xf32, #tpu.memory_space<vmem>>) target(%dma_start3A_162 : memref<80x128xf32, #tpu.memory_space<hbm>>) target_semaphore(%run_scoped3A : memref<!tpu.dma_semaphore, #tpu.memory_space<semaphore_mem>>)
        %dma_wait3A = arith.constant 0 : i32
        %dma_wait3A_166 = arith.constant 0 : i32
        %dma_wait3A_167 = tpu.memref_slice %arg10[%dma_wait3A, %dma_wait3A_166] : memref<128x128xf32, #tpu.memory_space<vmem>> -> memref<80x128xf32, #tpu.memory_space<vmem>>
        %dma_wait3A_168 = arith.constant 0 : i32
        %dma_wait3A_169 = tpu.memref_slice %arg6[%arg0, %multiple_of3A, %dma_wait3A_168] : memref<2x10000x128xf32, #tpu.memory_space<hbm>> -> memref<1x80x128xf32, #tpu.memory_space<hbm>>
        %dma_wait3A_170 = tpu.memref_squeeze %dma_wait3A_169 : memref<1x80x128xf32, #tpu.memory_space<hbm>> -> memref<80x128xf32, #tpu.memory_space<hbm>>
        %dma_wait3A_171 = arith.constant 0 : i32
        %dma_wait3A_172 = tpu.memref_slice %arg6[%arg0, %multiple_of3A, %dma_wait3A_171] : memref<2x10000x128xf32, #tpu.memory_space<hbm>> -> memref<1x80x128xf32, #tpu.memory_space<hbm>>
        %dma_wait3A_173 = tpu.memref_squeeze %dma_wait3A_172 : memref<1x80x128xf32, #tpu.memory_space<hbm>> -> memref<80x128xf32, #tpu.memory_space<hbm>>
        %dma_wait3A_174 = arith.constant 0 : i32
        %dma_wait3A_175 = arith.constant 0 : i32
        %dma_wait3A_176 = tpu.memref_slice %arg10[%dma_wait3A_174, %dma_wait3A_175] : memref<128x128xf32, #tpu.memory_space<vmem>> -> memref<80x128xf32, #tpu.memory_space<vmem>>
        tpu.wait_dma2 semaphore(%run_scoped3A : memref<!tpu.dma_semaphore, #tpu.memory_space<semaphore_mem>>) src(%dma_wait3A_176 : memref<80x128xf32, #tpu.memory_space<vmem>>) dst(%dma_wait3A_173 : memref<80x128xf32, #tpu.memory_space<hbm>>)
        tpu.yield
      }) : () -> ()
    } else {
    }
    %mul3A_90 = arith.constant 8 : i32
    %mul3A_91 = arith.muli %arg1, %mul3A_90 : i32
    %add3A_92 = arith.constant 1 : i32
    %add3A_93 = arith.addi %mul3A_91, %add3A_92 : i32
    %lt3A_94 = arith.constant 125 : i32
    %lt3A_95 = arith.cmpi slt, %add3A_93, %lt3A_94 : i32
    %convert_element_type3A_96 = arith.extui %lt3A_95 : i1 to i32
    %cond3A_97 = arith.constant 0 : i32
    %cond3A_98 = arith.cmpi ne, %convert_element_type3A_96, %cond3A_97 : i32
    scf.if %cond3A_98 {
      %mul3A_153 = arith.constant 80 : i32
      %mul3A_154 = arith.muli %add3A_93, %mul3A_153 : i32
      %multiple_of3A = tpu.assume_multiple %mul3A_154, 80 : i32
      "tpu.region"() ({
        %run_scoped3A = tpu.sem_alloc : memref<!tpu.dma_semaphore, #tpu.memory_space<semaphore_mem>>
        %dma_start3A = arith.constant 0 : i32
        %dma_start3A_155 = arith.constant 0 : i32
        %dma_start3A_156 = tpu.memref_slice %arg10[%dma_start3A, %dma_start3A_155] : memref<128x128xf32, #tpu.memory_space<vmem>> -> memref<80x128xf32, #tpu.memory_space<vmem>>
        %dma_start3A_157 = arith.constant 0 : i32
        %dma_start3A_158 = tpu.memref_slice %arg11[%multiple_of3A, %dma_start3A_157] : memref<10000x128xf32, #tpu.memory_space<vmem_shared>> -> memref<80x128xf32, #tpu.memory_space<vmem_shared>>
        %dma_start3A_159 = arith.constant 0 : i32
        %dma_start3A_160 = arith.constant 0 : i32
        %dma_start3A_161 = tpu.memref_slice %arg10[%dma_start3A_159, %dma_start3A_160] : memref<128x128xf32, #tpu.memory_space<vmem>> -> memref<80x128xf32, #tpu.memory_space<vmem>>
        %dma_start3A_162 = arith.constant 0 : i32
        %dma_start3A_163 = tpu.memref_slice %arg11[%multiple_of3A, %dma_start3A_162] : memref<10000x128xf32, #tpu.memory_space<vmem_shared>> -> memref<80x128xf32, #tpu.memory_space<vmem_shared>>
        tpu.enqueue_dma source(%dma_start3A_163 : memref<80x128xf32, #tpu.memory_space<vmem_shared>>) target(%dma_start3A_161 : memref<80x128xf32, #tpu.memory_space<vmem>>) target_semaphore(%run_scoped3A : memref<!tpu.dma_semaphore, #tpu.memory_space<semaphore_mem>>)
        %dma_wait3A = arith.constant 0 : i32
        %dma_wait3A_164 = arith.constant 0 : i32
        %dma_wait3A_165 = tpu.memref_slice %arg10[%dma_wait3A, %dma_wait3A_164] : memref<128x128xf32, #tpu.memory_space<vmem>> -> memref<80x128xf32, #tpu.memory_space<vmem>>
        %dma_wait3A_166 = arith.constant 0 : i32
        %dma_wait3A_167 = tpu.memref_slice %arg11[%multiple_of3A, %dma_wait3A_166] : memref<10000x128xf32, #tpu.memory_space<vmem_shared>> -> memref<80x128xf32, #tpu.memory_space<vmem_shared>>
        %dma_wait3A_168 = arith.constant 0 : i32
        %dma_wait3A_169 = arith.constant 0 : i32
        %dma_wait3A_170 = tpu.memref_slice %arg10[%dma_wait3A_168, %dma_wait3A_169] : memref<128x128xf32, #tpu.memory_space<vmem>> -> memref<80x128xf32, #tpu.memory_space<vmem>>
        %dma_wait3A_171 = arith.constant 0 : i32
        %dma_wait3A_172 = tpu.memref_slice %arg11[%multiple_of3A, %dma_wait3A_171] : memref<10000x128xf32, #tpu.memory_space<vmem_shared>> -> memref<80x128xf32, #tpu.memory_space<vmem_shared>>
        tpu.wait_dma2 semaphore(%run_scoped3A : memref<!tpu.dma_semaphore, #tpu.memory_space<semaphore_mem>>) src(%dma_wait3A_172 : memref<80x128xf32, #tpu.memory_space<vmem_shared>>) dst(%dma_wait3A_170 : memref<80x128xf32, #tpu.memory_space<vmem>>)
        tpu.yield
      }) : () -> ()
      "tpu.region"() ({
        %run_scoped3A = tpu.sem_alloc : memref<!tpu.dma_semaphore, #tpu.memory_space<semaphore_mem>>
        %dma_start3A = arith.constant 0 : i32
        %dma_start3A_155 = arith.constant 0 : i32
        %dma_start3A_156 = tpu.memref_slice %arg10[%dma_start3A, %dma_start3A_155] : memref<128x128xf32, #tpu.memory_space<vmem>> -> memref<80x128xf32, #tpu.memory_space<vmem>>
        %dma_start3A_157 = arith.constant 0 : i32
        %dma_start3A_158 = tpu.memref_slice %arg6[%arg0, %multiple_of3A, %dma_start3A_157] : memref<2x10000x128xf32, #tpu.memory_space<hbm>> -> memref<1x80x128xf32, #tpu.memory_space<hbm>>
        %dma_start3A_159 = tpu.memref_squeeze %dma_start3A_158 : memref<1x80x128xf32, #tpu.memory_space<hbm>> -> memref<80x128xf32, #tpu.memory_space<hbm>>
        %dma_start3A_160 = arith.constant 0 : i32
        %dma_start3A_161 = tpu.memref_slice %arg6[%arg0, %multiple_of3A, %dma_start3A_160] : memref<2x10000x128xf32, #tpu.memory_space<hbm>> -> memref<1x80x128xf32, #tpu.memory_space<hbm>>
        %dma_start3A_162 = tpu.memref_squeeze %dma_start3A_161 : memref<1x80x128xf32, #tpu.memory_space<hbm>> -> memref<80x128xf32, #tpu.memory_space<hbm>>
        %dma_start3A_163 = arith.constant 0 : i32
        %dma_start3A_164 = arith.constant 0 : i32
        %dma_start3A_165 = tpu.memref_slice %arg10[%dma_start3A_163, %dma_start3A_164] : memref<128x128xf32, #tpu.memory_space<vmem>> -> memref<80x128xf32, #tpu.memory_space<vmem>>
        tpu.enqueue_dma source(%dma_start3A_165 : memref<80x128xf32, #tpu.memory_space<vmem>>) target(%dma_start3A_162 : memref<80x128xf32, #tpu.memory_space<hbm>>) target_semaphore(%run_scoped3A : memref<!tpu.dma_semaphore, #tpu.memory_space<semaphore_mem>>)
        %dma_wait3A = arith.constant 0 : i32
        %dma_wait3A_166 = arith.constant 0 : i32
        %dma_wait3A_167 = tpu.memref_slice %arg10[%dma_wait3A, %dma_wait3A_166] : memref<128x128xf32, #tpu.memory_space<vmem>> -> memref<80x128xf32, #tpu.memory_space<vmem>>
        %dma_wait3A_168 = arith.constant 0 : i32
        %dma_wait3A_169 = tpu.memref_slice %arg6[%arg0, %multiple_of3A, %dma_wait3A_168] : memref<2x10000x128xf32, #tpu.memory_space<hbm>> -> memref<1x80x128xf32, #tpu.memory_space<hbm>>
        %dma_wait3A_170 = tpu.memref_squeeze %dma_wait3A_169 : memref<1x80x128xf32, #tpu.memory_space<hbm>> -> memref<80x128xf32, #tpu.memory_space<hbm>>
        %dma_wait3A_171 = arith.constant 0 : i32
        %dma_wait3A_172 = tpu.memref_slice %arg6[%arg0, %multiple_of3A, %dma_wait3A_171] : memref<2x10000x128xf32, #tpu.memory_space<hbm>> -> memref<1x80x128xf32, #tpu.memory_space<hbm>>
        %dma_wait3A_173 = tpu.memref_squeeze %dma_wait3A_172 : memref<1x80x128xf32, #tpu.memory_space<hbm>> -> memref<80x128xf32, #tpu.memory_space<hbm>>
        %dma_wait3A_174 = arith.constant 0 : i32
        %dma_wait3A_175 = arith.constant 0 : i32
        %dma_wait3A_176 = tpu.memref_slice %arg10[%dma_wait3A_174, %dma_wait3A_175] : memref<128x128xf32, #tpu.memory_space<vmem>> -> memref<80x128xf32, #tpu.memory_space<vmem>>
        tpu.wait_dma2 semaphore(%run_scoped3A : memref<!tpu.dma_semaphore, #tpu.memory_space<semaphore_mem>>) src(%dma_wait3A_176 : memref<80x128xf32, #tpu.memory_space<vmem>>) dst(%dma_wait3A_173 : memref<80x128xf32, #tpu.memory_space<hbm>>)
        tpu.yield
      }) : () -> ()
    } else {
    }
    %mul3A_99 = arith.constant 8 : i32
    %mul3A_100 = arith.muli %arg1, %mul3A_99 : i32
    %add3A_101 = arith.constant 2 : i32
    %add3A_102 = arith.addi %mul3A_100, %add3A_101 : i32
    %lt3A_103 = arith.constant 125 : i32
    %lt3A_104 = arith.cmpi slt, %add3A_102, %lt3A_103 : i32
    %convert_element_type3A_105 = arith.extui %lt3A_104 : i1 to i32
    %cond3A_106 = arith.constant 0 : i32
    %cond3A_107 = arith.cmpi ne, %convert_element_type3A_105, %cond3A_106 : i32
    scf.if %cond3A_107 {
      %mul3A_153 = arith.constant 80 : i32
      %mul3A_154 = arith.muli %add3A_102, %mul3A_153 : i32
      %multiple_of3A = tpu.assume_multiple %mul3A_154, 80 : i32
      "tpu.region"() ({
        %run_scoped3A = tpu.sem_alloc : memref<!tpu.dma_semaphore, #tpu.memory_space<semaphore_mem>>
        %dma_start3A = arith.constant 0 : i32
        %dma_start3A_155 = arith.constant 0 : i32
        %dma_start3A_156 = tpu.memref_slice %arg10[%dma_start3A, %dma_start3A_155] : memref<128x128xf32, #tpu.memory_space<vmem>> -> memref<80x128xf32, #tpu.memory_space<vmem>>
        %dma_start3A_157 = arith.constant 0 : i32
        %dma_start3A_158 = tpu.memref_slice %arg11[%multiple_of3A, %dma_start3A_157] : memref<10000x128xf32, #tpu.memory_space<vmem_shared>> -> memref<80x128xf32, #tpu.memory_space<vmem_shared>>
        %dma_start3A_159 = arith.constant 0 : i32
        %dma_start3A_160 = arith.constant 0 : i32
        %dma_start3A_161 = tpu.memref_slice %arg10[%dma_start3A_159, %dma_start3A_160] : memref<128x128xf32, #tpu.memory_space<vmem>> -> memref<80x128xf32, #tpu.memory_space<vmem>>
        %dma_start3A_162 = arith.constant 0 : i32
        %dma_start3A_163 = tpu.memref_slice %arg11[%multiple_of3A, %dma_start3A_162] : memref<10000x128xf32, #tpu.memory_space<vmem_shared>> -> memref<80x128xf32, #tpu.memory_space<vmem_shared>>
        tpu.enqueue_dma source(%dma_start3A_163 : memref<80x128xf32, #tpu.memory_space<vmem_shared>>) target(%dma_start3A_161 : memref<80x128xf32, #tpu.memory_space<vmem>>) target_semaphore(%run_scoped3A : memref<!tpu.dma_semaphore, #tpu.memory_space<semaphore_mem>>)
        %dma_wait3A = arith.constant 0 : i32
        %dma_wait3A_164 = arith.constant 0 : i32
        %dma_wait3A_165 = tpu.memref_slice %arg10[%dma_wait3A, %dma_wait3A_164] : memref<128x128xf32, #tpu.memory_space<vmem>> -> memref<80x128xf32, #tpu.memory_space<vmem>>
        %dma_wait3A_166 = arith.constant 0 : i32
        %dma_wait3A_167 = tpu.memref_slice %arg11[%multiple_of3A, %dma_wait3A_166] : memref<10000x128xf32, #tpu.memory_space<vmem_shared>> -> memref<80x128xf32, #tpu.memory_space<vmem_shared>>
        %dma_wait3A_168 = arith.constant 0 : i32
        %dma_wait3A_169 = arith.constant 0 : i32
        %dma_wait3A_170 = tpu.memref_slice %arg10[%dma_wait3A_168, %dma_wait3A_169] : memref<128x128xf32, #tpu.memory_space<vmem>> -> memref<80x128xf32, #tpu.memory_space<vmem>>
        %dma_wait3A_171 = arith.constant 0 : i32
        %dma_wait3A_172 = tpu.memref_slice %arg11[%multiple_of3A, %dma_wait3A_171] : memref<10000x128xf32, #tpu.memory_space<vmem_shared>> -> memref<80x128xf32, #tpu.memory_space<vmem_shared>>
        tpu.wait_dma2 semaphore(%run_scoped3A : memref<!tpu.dma_semaphore, #tpu.memory_space<semaphore_mem>>) src(%dma_wait3A_172 : memref<80x128xf32, #tpu.memory_space<vmem_shared>>) dst(%dma_wait3A_170 : memref<80x128xf32, #tpu.memory_space<vmem>>)
        tpu.yield
      }) : () -> ()
      "tpu.region"() ({
        %run_scoped3A = tpu.sem_alloc : memref<!tpu.dma_semaphore, #tpu.memory_space<semaphore_mem>>
        %dma_start3A = arith.constant 0 : i32
        %dma_start3A_155 = arith.constant 0 : i32
        %dma_start3A_156 = tpu.memref_slice %arg10[%dma_start3A, %dma_start3A_155] : memref<128x128xf32, #tpu.memory_space<vmem>> -> memref<80x128xf32, #tpu.memory_space<vmem>>
        %dma_start3A_157 = arith.constant 0 : i32
        %dma_start3A_158 = tpu.memref_slice %arg6[%arg0, %multiple_of3A, %dma_start3A_157] : memref<2x10000x128xf32, #tpu.memory_space<hbm>> -> memref<1x80x128xf32, #tpu.memory_space<hbm>>
        %dma_start3A_159 = tpu.memref_squeeze %dma_start3A_158 : memref<1x80x128xf32, #tpu.memory_space<hbm>> -> memref<80x128xf32, #tpu.memory_space<hbm>>
        %dma_start3A_160 = arith.constant 0 : i32
        %dma_start3A_161 = tpu.memref_slice %arg6[%arg0, %multiple_of3A, %dma_start3A_160] : memref<2x10000x128xf32, #tpu.memory_space<hbm>> -> memref<1x80x128xf32, #tpu.memory_space<hbm>>
        %dma_start3A_162 = tpu.memref_squeeze %dma_start3A_161 : memref<1x80x128xf32, #tpu.memory_space<hbm>> -> memref<80x128xf32, #tpu.memory_space<hbm>>
        %dma_start3A_163 = arith.constant 0 : i32
        %dma_start3A_164 = arith.constant 0 : i32
        %dma_start3A_165 = tpu.memref_slice %arg10[%dma_start3A_163, %dma_start3A_164] : memref<128x128xf32, #tpu.memory_space<vmem>> -> memref<80x128xf32, #tpu.memory_space<vmem>>
        tpu.enqueue_dma source(%dma_start3A_165 : memref<80x128xf32, #tpu.memory_space<vmem>>) target(%dma_start3A_162 : memref<80x128xf32, #tpu.memory_space<hbm>>) target_semaphore(%run_scoped3A : memref<!tpu.dma_semaphore, #tpu.memory_space<semaphore_mem>>)
        %dma_wait3A = arith.constant 0 : i32
        %dma_wait3A_166 = arith.constant 0 : i32
        %dma_wait3A_167 = tpu.memref_slice %arg10[%dma_wait3A, %dma_wait3A_166] : memref<128x128xf32, #tpu.memory_space<vmem>> -> memref<80x128xf32, #tpu.memory_space<vmem>>
        %dma_wait3A_168 = arith.constant 0 : i32
        %dma_wait3A_169 = tpu.memref_slice %arg6[%arg0, %multiple_of3A, %dma_wait3A_168] : memref<2x10000x128xf32, #tpu.memory_space<hbm>> -> memref<1x80x128xf32, #tpu.memory_space<hbm>>
        %dma_wait3A_170 = tpu.memref_squeeze %dma_wait3A_169 : memref<1x80x128xf32, #tpu.memory_space<hbm>> -> memref<80x128xf32, #tpu.memory_space<hbm>>
        %dma_wait3A_171 = arith.constant 0 : i32
        %dma_wait3A_172 = tpu.memref_slice %arg6[%arg0, %multiple_of3A, %dma_wait3A_171] : memref<2x10000x128xf32, #tpu.memory_space<hbm>> -> memref<1x80x128xf32, #tpu.memory_space<hbm>>
        %dma_wait3A_173 = tpu.memref_squeeze %dma_wait3A_172 : memref<1x80x128xf32, #tpu.memory_space<hbm>> -> memref<80x128xf32, #tpu.memory_space<hbm>>
        %dma_wait3A_174 = arith.constant 0 : i32
        %dma_wait3A_175 = arith.constant 0 : i32
        %dma_wait3A_176 = tpu.memref_slice %arg10[%dma_wait3A_174, %dma_wait3A_175] : memref<128x128xf32, #tpu.memory_space<vmem>> -> memref<80x128xf32, #tpu.memory_space<vmem>>
        tpu.wait_dma2 semaphore(%run_scoped3A : memref<!tpu.dma_semaphore, #tpu.memory_space<semaphore_mem>>) src(%dma_wait3A_176 : memref<80x128xf32, #tpu.memory_space<vmem>>) dst(%dma_wait3A_173 : memref<80x128xf32, #tpu.memory_space<hbm>>)
        tpu.yield
      }) : () -> ()
    } else {
    }
    %mul3A_108 = arith.constant 8 : i32
    %mul3A_109 = arith.muli %arg1, %mul3A_108 : i32
    %add3A_110 = arith.constant 3 : i32
    %add3A_111 = arith.addi %mul3A_109, %add3A_110 : i32
    %lt3A_112 = arith.constant 125 : i32
    %lt3A_113 = arith.cmpi slt, %add3A_111, %lt3A_112 : i32
    %convert_element_type3A_114 = arith.extui %lt3A_113 : i1 to i32
    %cond3A_115 = arith.constant 0 : i32
    %cond3A_116 = arith.cmpi ne, %convert_element_type3A_114, %cond3A_115 : i32
    scf.if %cond3A_116 {
      %mul3A_153 = arith.constant 80 : i32
      %mul3A_154 = arith.muli %add3A_111, %mul3A_153 : i32
      %multiple_of3A = tpu.assume_multiple %mul3A_154, 80 : i32
      "tpu.region"() ({
        %run_scoped3A = tpu.sem_alloc : memref<!tpu.dma_semaphore, #tpu.memory_space<semaphore_mem>>
        %dma_start3A = arith.constant 0 : i32
        %dma_start3A_155 = arith.constant 0 : i32
        %dma_start3A_156 = tpu.memref_slice %arg10[%dma_start3A, %dma_start3A_155] : memref<128x128xf32, #tpu.memory_space<vmem>> -> memref<80x128xf32, #tpu.memory_space<vmem>>
        %dma_start3A_157 = arith.constant 0 : i32
        %dma_start3A_158 = tpu.memref_slice %arg11[%multiple_of3A, %dma_start3A_157] : memref<10000x128xf32, #tpu.memory_space<vmem_shared>> -> memref<80x128xf32, #tpu.memory_space<vmem_shared>>
        %dma_start3A_159 = arith.constant 0 : i32
        %dma_start3A_160 = arith.constant 0 : i32
        %dma_start3A_161 = tpu.memref_slice %arg10[%dma_start3A_159, %dma_start3A_160] : memref<128x128xf32, #tpu.memory_space<vmem>> -> memref<80x128xf32, #tpu.memory_space<vmem>>
        %dma_start3A_162 = arith.constant 0 : i32
        %dma_start3A_163 = tpu.memref_slice %arg11[%multiple_of3A, %dma_start3A_162] : memref<10000x128xf32, #tpu.memory_space<vmem_shared>> -> memref<80x128xf32, #tpu.memory_space<vmem_shared>>
        tpu.enqueue_dma source(%dma_start3A_163 : memref<80x128xf32, #tpu.memory_space<vmem_shared>>) target(%dma_start3A_161 : memref<80x128xf32, #tpu.memory_space<vmem>>) target_semaphore(%run_scoped3A : memref<!tpu.dma_semaphore, #tpu.memory_space<semaphore_mem>>)
        %dma_wait3A = arith.constant 0 : i32
        %dma_wait3A_164 = arith.constant 0 : i32
        %dma_wait3A_165 = tpu.memref_slice %arg10[%dma_wait3A, %dma_wait3A_164] : memref<128x128xf32, #tpu.memory_space<vmem>> -> memref<80x128xf32, #tpu.memory_space<vmem>>
        %dma_wait3A_166 = arith.constant 0 : i32
        %dma_wait3A_167 = tpu.memref_slice %arg11[%multiple_of3A, %dma_wait3A_166] : memref<10000x128xf32, #tpu.memory_space<vmem_shared>> -> memref<80x128xf32, #tpu.memory_space<vmem_shared>>
        %dma_wait3A_168 = arith.constant 0 : i32
        %dma_wait3A_169 = arith.constant 0 : i32
        %dma_wait3A_170 = tpu.memref_slice %arg10[%dma_wait3A_168, %dma_wait3A_169] : memref<128x128xf32, #tpu.memory_space<vmem>> -> memref<80x128xf32, #tpu.memory_space<vmem>>
        %dma_wait3A_171 = arith.constant 0 : i32
        %dma_wait3A_172 = tpu.memref_slice %arg11[%multiple_of3A, %dma_wait3A_171] : memref<10000x128xf32, #tpu.memory_space<vmem_shared>> -> memref<80x128xf32, #tpu.memory_space<vmem_shared>>
        tpu.wait_dma2 semaphore(%run_scoped3A : memref<!tpu.dma_semaphore, #tpu.memory_space<semaphore_mem>>) src(%dma_wait3A_172 : memref<80x128xf32, #tpu.memory_space<vmem_shared>>) dst(%dma_wait3A_170 : memref<80x128xf32, #tpu.memory_space<vmem>>)
        tpu.yield
      }) : () -> ()
      "tpu.region"() ({
        %run_scoped3A = tpu.sem_alloc : memref<!tpu.dma_semaphore, #tpu.memory_space<semaphore_mem>>
        %dma_start3A = arith.constant 0 : i32
        %dma_start3A_155 = arith.constant 0 : i32
        %dma_start3A_156 = tpu.memref_slice %arg10[%dma_start3A, %dma_start3A_155] : memref<128x128xf32, #tpu.memory_space<vmem>> -> memref<80x128xf32, #tpu.memory_space<vmem>>
        %dma_start3A_157 = arith.constant 0 : i32
        %dma_start3A_158 = tpu.memref_slice %arg6[%arg0, %multiple_of3A, %dma_start3A_157] : memref<2x10000x128xf32, #tpu.memory_space<hbm>> -> memref<1x80x128xf32, #tpu.memory_space<hbm>>
        %dma_start3A_159 = tpu.memref_squeeze %dma_start3A_158 : memref<1x80x128xf32, #tpu.memory_space<hbm>> -> memref<80x128xf32, #tpu.memory_space<hbm>>
        %dma_start3A_160 = arith.constant 0 : i32
        %dma_start3A_161 = tpu.memref_slice %arg6[%arg0, %multiple_of3A, %dma_start3A_160] : memref<2x10000x128xf32, #tpu.memory_space<hbm>> -> memref<1x80x128xf32, #tpu.memory_space<hbm>>
        %dma_start3A_162 = tpu.memref_squeeze %dma_start3A_161 : memref<1x80x128xf32, #tpu.memory_space<hbm>> -> memref<80x128xf32, #tpu.memory_space<hbm>>
        %dma_start3A_163 = arith.constant 0 : i32
        %dma_start3A_164 = arith.constant 0 : i32
        %dma_start3A_165 = tpu.memref_slice %arg10[%dma_start3A_163, %dma_start3A_164] : memref<128x128xf32, #tpu.memory_space<vmem>> -> memref<80x128xf32, #tpu.memory_space<vmem>>
        tpu.enqueue_dma source(%dma_start3A_165 : memref<80x128xf32, #tpu.memory_space<vmem>>) target(%dma_start3A_162 : memref<80x128xf32, #tpu.memory_space<hbm>>) target_semaphore(%run_scoped3A : memref<!tpu.dma_semaphore, #tpu.memory_space<semaphore_mem>>)
        %dma_wait3A = arith.constant 0 : i32
        %dma_wait3A_166 = arith.constant 0 : i32
        %dma_wait3A_167 = tpu.memref_slice %arg10[%dma_wait3A, %dma_wait3A_166] : memref<128x128xf32, #tpu.memory_space<vmem>> -> memref<80x128xf32, #tpu.memory_space<vmem>>
        %dma_wait3A_168 = arith.constant 0 : i32
        %dma_wait3A_169 = tpu.memref_slice %arg6[%arg0, %multiple_of3A, %dma_wait3A_168] : memref<2x10000x128xf32, #tpu.memory_space<hbm>> -> memref<1x80x128xf32, #tpu.memory_space<hbm>>
        %dma_wait3A_170 = tpu.memref_squeeze %dma_wait3A_169 : memref<1x80x128xf32, #tpu.memory_space<hbm>> -> memref<80x128xf32, #tpu.memory_space<hbm>>
        %dma_wait3A_171 = arith.constant 0 : i32
        %dma_wait3A_172 = tpu.memref_slice %arg6[%arg0, %multiple_of3A, %dma_wait3A_171] : memref<2x10000x128xf32, #tpu.memory_space<hbm>> -> memref<1x80x128xf32, #tpu.memory_space<hbm>>
        %dma_wait3A_173 = tpu.memref_squeeze %dma_wait3A_172 : memref<1x80x128xf32, #tpu.memory_space<hbm>> -> memref<80x128xf32, #tpu.memory_space<hbm>>
        %dma_wait3A_174 = arith.constant 0 : i32
        %dma_wait3A_175 = arith.constant 0 : i32
        %dma_wait3A_176 = tpu.memref_slice %arg10[%dma_wait3A_174, %dma_wait3A_175] : memref<128x128xf32, #tpu.memory_space<vmem>> -> memref<80x128xf32, #tpu.memory_space<vmem>>
        tpu.wait_dma2 semaphore(%run_scoped3A : memref<!tpu.dma_semaphore, #tpu.memory_space<semaphore_mem>>) src(%dma_wait3A_176 : memref<80x128xf32, #tpu.memory_space<vmem>>) dst(%dma_wait3A_173 : memref<80x128xf32, #tpu.memory_space<hbm>>)
        tpu.yield
      }) : () -> ()
    } else {
    }
    %mul3A_117 = arith.constant 8 : i32
    %mul3A_118 = arith.muli %arg1, %mul3A_117 : i32
    %add3A_119 = arith.constant 4 : i32
    %add3A_120 = arith.addi %mul3A_118, %add3A_119 : i32
    %lt3A_121 = arith.constant 125 : i32
    %lt3A_122 = arith.cmpi slt, %add3A_120, %lt3A_121 : i32
    %convert_element_type3A_123 = arith.extui %lt3A_122 : i1 to i32
    %cond3A_124 = arith.constant 0 : i32
    %cond3A_125 = arith.cmpi ne, %convert_element_type3A_123, %cond3A_124 : i32
    scf.if %cond3A_125 {
      %mul3A_153 = arith.constant 80 : i32
      %mul3A_154 = arith.muli %add3A_120, %mul3A_153 : i32
      %multiple_of3A = tpu.assume_multiple %mul3A_154, 80 : i32
      "tpu.region"() ({
        %run_scoped3A = tpu.sem_alloc : memref<!tpu.dma_semaphore, #tpu.memory_space<semaphore_mem>>
        %dma_start3A = arith.constant 0 : i32
        %dma_start3A_155 = arith.constant 0 : i32
        %dma_start3A_156 = tpu.memref_slice %arg10[%dma_start3A, %dma_start3A_155] : memref<128x128xf32, #tpu.memory_space<vmem>> -> memref<80x128xf32, #tpu.memory_space<vmem>>
        %dma_start3A_157 = arith.constant 0 : i32
        %dma_start3A_158 = tpu.memref_slice %arg11[%multiple_of3A, %dma_start3A_157] : memref<10000x128xf32, #tpu.memory_space<vmem_shared>> -> memref<80x128xf32, #tpu.memory_space<vmem_shared>>
        %dma_start3A_159 = arith.constant 0 : i32
        %dma_start3A_160 = arith.constant 0 : i32
        %dma_start3A_161 = tpu.memref_slice %arg10[%dma_start3A_159, %dma_start3A_160] : memref<128x128xf32, #tpu.memory_space<vmem>> -> memref<80x128xf32, #tpu.memory_space<vmem>>
        %dma_start3A_162 = arith.constant 0 : i32
        %dma_start3A_163 = tpu.memref_slice %arg11[%multiple_of3A, %dma_start3A_162] : memref<10000x128xf32, #tpu.memory_space<vmem_shared>> -> memref<80x128xf32, #tpu.memory_space<vmem_shared>>
        tpu.enqueue_dma source(%dma_start3A_163 : memref<80x128xf32, #tpu.memory_space<vmem_shared>>) target(%dma_start3A_161 : memref<80x128xf32, #tpu.memory_space<vmem>>) target_semaphore(%run_scoped3A : memref<!tpu.dma_semaphore, #tpu.memory_space<semaphore_mem>>)
        %dma_wait3A = arith.constant 0 : i32
        %dma_wait3A_164 = arith.constant 0 : i32
        %dma_wait3A_165 = tpu.memref_slice %arg10[%dma_wait3A, %dma_wait3A_164] : memref<128x128xf32, #tpu.memory_space<vmem>> -> memref<80x128xf32, #tpu.memory_space<vmem>>
        %dma_wait3A_166 = arith.constant 0 : i32
        %dma_wait3A_167 = tpu.memref_slice %arg11[%multiple_of3A, %dma_wait3A_166] : memref<10000x128xf32, #tpu.memory_space<vmem_shared>> -> memref<80x128xf32, #tpu.memory_space<vmem_shared>>
        %dma_wait3A_168 = arith.constant 0 : i32
        %dma_wait3A_169 = arith.constant 0 : i32
        %dma_wait3A_170 = tpu.memref_slice %arg10[%dma_wait3A_168, %dma_wait3A_169] : memref<128x128xf32, #tpu.memory_space<vmem>> -> memref<80x128xf32, #tpu.memory_space<vmem>>
        %dma_wait3A_171 = arith.constant 0 : i32
        %dma_wait3A_172 = tpu.memref_slice %arg11[%multiple_of3A, %dma_wait3A_171] : memref<10000x128xf32, #tpu.memory_space<vmem_shared>> -> memref<80x128xf32, #tpu.memory_space<vmem_shared>>
        tpu.wait_dma2 semaphore(%run_scoped3A : memref<!tpu.dma_semaphore, #tpu.memory_space<semaphore_mem>>) src(%dma_wait3A_172 : memref<80x128xf32, #tpu.memory_space<vmem_shared>>) dst(%dma_wait3A_170 : memref<80x128xf32, #tpu.memory_space<vmem>>)
        tpu.yield
      }) : () -> ()
      "tpu.region"() ({
        %run_scoped3A = tpu.sem_alloc : memref<!tpu.dma_semaphore, #tpu.memory_space<semaphore_mem>>
        %dma_start3A = arith.constant 0 : i32
        %dma_start3A_155 = arith.constant 0 : i32
        %dma_start3A_156 = tpu.memref_slice %arg10[%dma_start3A, %dma_start3A_155] : memref<128x128xf32, #tpu.memory_space<vmem>> -> memref<80x128xf32, #tpu.memory_space<vmem>>
        %dma_start3A_157 = arith.constant 0 : i32
        %dma_start3A_158 = tpu.memref_slice %arg6[%arg0, %multiple_of3A, %dma_start3A_157] : memref<2x10000x128xf32, #tpu.memory_space<hbm>> -> memref<1x80x128xf32, #tpu.memory_space<hbm>>
        %dma_start3A_159 = tpu.memref_squeeze %dma_start3A_158 : memref<1x80x128xf32, #tpu.memory_space<hbm>> -> memref<80x128xf32, #tpu.memory_space<hbm>>
        %dma_start3A_160 = arith.constant 0 : i32
        %dma_start3A_161 = tpu.memref_slice %arg6[%arg0, %multiple_of3A, %dma_start3A_160] : memref<2x10000x128xf32, #tpu.memory_space<hbm>> -> memref<1x80x128xf32, #tpu.memory_space<hbm>>
        %dma_start3A_162 = tpu.memref_squeeze %dma_start3A_161 : memref<1x80x128xf32, #tpu.memory_space<hbm>> -> memref<80x128xf32, #tpu.memory_space<hbm>>
        %dma_start3A_163 = arith.constant 0 : i32
        %dma_start3A_164 = arith.constant 0 : i32
        %dma_start3A_165 = tpu.memref_slice %arg10[%dma_start3A_163, %dma_start3A_164] : memref<128x128xf32, #tpu.memory_space<vmem>> -> memref<80x128xf32, #tpu.memory_space<vmem>>
        tpu.enqueue_dma source(%dma_start3A_165 : memref<80x128xf32, #tpu.memory_space<vmem>>) target(%dma_start3A_162 : memref<80x128xf32, #tpu.memory_space<hbm>>) target_semaphore(%run_scoped3A : memref<!tpu.dma_semaphore, #tpu.memory_space<semaphore_mem>>)
        %dma_wait3A = arith.constant 0 : i32
        %dma_wait3A_166 = arith.constant 0 : i32
        %dma_wait3A_167 = tpu.memref_slice %arg10[%dma_wait3A, %dma_wait3A_166] : memref<128x128xf32, #tpu.memory_space<vmem>> -> memref<80x128xf32, #tpu.memory_space<vmem>>
        %dma_wait3A_168 = arith.constant 0 : i32
        %dma_wait3A_169 = tpu.memref_slice %arg6[%arg0, %multiple_of3A, %dma_wait3A_168] : memref<2x10000x128xf32, #tpu.memory_space<hbm>> -> memref<1x80x128xf32, #tpu.memory_space<hbm>>
        %dma_wait3A_170 = tpu.memref_squeeze %dma_wait3A_169 : memref<1x80x128xf32, #tpu.memory_space<hbm>> -> memref<80x128xf32, #tpu.memory_space<hbm>>
        %dma_wait3A_171 = arith.constant 0 : i32
        %dma_wait3A_172 = tpu.memref_slice %arg6[%arg0, %multiple_of3A, %dma_wait3A_171] : memref<2x10000x128xf32, #tpu.memory_space<hbm>> -> memref<1x80x128xf32, #tpu.memory_space<hbm>>
        %dma_wait3A_173 = tpu.memref_squeeze %dma_wait3A_172 : memref<1x80x128xf32, #tpu.memory_space<hbm>> -> memref<80x128xf32, #tpu.memory_space<hbm>>
        %dma_wait3A_174 = arith.constant 0 : i32
        %dma_wait3A_175 = arith.constant 0 : i32
        %dma_wait3A_176 = tpu.memref_slice %arg10[%dma_wait3A_174, %dma_wait3A_175] : memref<128x128xf32, #tpu.memory_space<vmem>> -> memref<80x128xf32, #tpu.memory_space<vmem>>
        tpu.wait_dma2 semaphore(%run_scoped3A : memref<!tpu.dma_semaphore, #tpu.memory_space<semaphore_mem>>) src(%dma_wait3A_176 : memref<80x128xf32, #tpu.memory_space<vmem>>) dst(%dma_wait3A_173 : memref<80x128xf32, #tpu.memory_space<hbm>>)
        tpu.yield
      }) : () -> ()
    } else {
    }
    %mul3A_126 = arith.constant 8 : i32
    %mul3A_127 = arith.muli %arg1, %mul3A_126 : i32
    %add3A_128 = arith.constant 5 : i32
    %add3A_129 = arith.addi %mul3A_127, %add3A_128 : i32
    %lt3A_130 = arith.constant 125 : i32
    %lt3A_131 = arith.cmpi slt, %add3A_129, %lt3A_130 : i32
    %convert_element_type3A_132 = arith.extui %lt3A_131 : i1 to i32
    %cond3A_133 = arith.constant 0 : i32
    %cond3A_134 = arith.cmpi ne, %convert_element_type3A_132, %cond3A_133 : i32
    scf.if %cond3A_134 {
      %mul3A_153 = arith.constant 80 : i32
      %mul3A_154 = arith.muli %add3A_129, %mul3A_153 : i32
      %multiple_of3A = tpu.assume_multiple %mul3A_154, 80 : i32
      "tpu.region"() ({
        %run_scoped3A = tpu.sem_alloc : memref<!tpu.dma_semaphore, #tpu.memory_space<semaphore_mem>>
        %dma_start3A = arith.constant 0 : i32
        %dma_start3A_155 = arith.constant 0 : i32
        %dma_start3A_156 = tpu.memref_slice %arg10[%dma_start3A, %dma_start3A_155] : memref<128x128xf32, #tpu.memory_space<vmem>> -> memref<80x128xf32, #tpu.memory_space<vmem>>
        %dma_start3A_157 = arith.constant 0 : i32
        %dma_start3A_158 = tpu.memref_slice %arg11[%multiple_of3A, %dma_start3A_157] : memref<10000x128xf32, #tpu.memory_space<vmem_shared>> -> memref<80x128xf32, #tpu.memory_space<vmem_shared>>
        %dma_start3A_159 = arith.constant 0 : i32
        %dma_start3A_160 = arith.constant 0 : i32
        %dma_start3A_161 = tpu.memref_slice %arg10[%dma_start3A_159, %dma_start3A_160] : memref<128x128xf32, #tpu.memory_space<vmem>> -> memref<80x128xf32, #tpu.memory_space<vmem>>
        %dma_start3A_162 = arith.constant 0 : i32
        %dma_start3A_163 = tpu.memref_slice %arg11[%multiple_of3A, %dma_start3A_162] : memref<10000x128xf32, #tpu.memory_space<vmem_shared>> -> memref<80x128xf32, #tpu.memory_space<vmem_shared>>
        tpu.enqueue_dma source(%dma_start3A_163 : memref<80x128xf32, #tpu.memory_space<vmem_shared>>) target(%dma_start3A_161 : memref<80x128xf32, #tpu.memory_space<vmem>>) target_semaphore(%run_scoped3A : memref<!tpu.dma_semaphore, #tpu.memory_space<semaphore_mem>>)
        %dma_wait3A = arith.constant 0 : i32
        %dma_wait3A_164 = arith.constant 0 : i32
        %dma_wait3A_165 = tpu.memref_slice %arg10[%dma_wait3A, %dma_wait3A_164] : memref<128x128xf32, #tpu.memory_space<vmem>> -> memref<80x128xf32, #tpu.memory_space<vmem>>
        %dma_wait3A_166 = arith.constant 0 : i32
        %dma_wait3A_167 = tpu.memref_slice %arg11[%multiple_of3A, %dma_wait3A_166] : memref<10000x128xf32, #tpu.memory_space<vmem_shared>> -> memref<80x128xf32, #tpu.memory_space<vmem_shared>>
        %dma_wait3A_168 = arith.constant 0 : i32
        %dma_wait3A_169 = arith.constant 0 : i32
        %dma_wait3A_170 = tpu.memref_slice %arg10[%dma_wait3A_168, %dma_wait3A_169] : memref<128x128xf32, #tpu.memory_space<vmem>> -> memref<80x128xf32, #tpu.memory_space<vmem>>
        %dma_wait3A_171 = arith.constant 0 : i32
        %dma_wait3A_172 = tpu.memref_slice %arg11[%multiple_of3A, %dma_wait3A_171] : memref<10000x128xf32, #tpu.memory_space<vmem_shared>> -> memref<80x128xf32, #tpu.memory_space<vmem_shared>>
        tpu.wait_dma2 semaphore(%run_scoped3A : memref<!tpu.dma_semaphore, #tpu.memory_space<semaphore_mem>>) src(%dma_wait3A_172 : memref<80x128xf32, #tpu.memory_space<vmem_shared>>) dst(%dma_wait3A_170 : memref<80x128xf32, #tpu.memory_space<vmem>>)
        tpu.yield
      }) : () -> ()
      "tpu.region"() ({
        %run_scoped3A = tpu.sem_alloc : memref<!tpu.dma_semaphore, #tpu.memory_space<semaphore_mem>>
        %dma_start3A = arith.constant 0 : i32
        %dma_start3A_155 = arith.constant 0 : i32
        %dma_start3A_156 = tpu.memref_slice %arg10[%dma_start3A, %dma_start3A_155] : memref<128x128xf32, #tpu.memory_space<vmem>> -> memref<80x128xf32, #tpu.memory_space<vmem>>
        %dma_start3A_157 = arith.constant 0 : i32
        %dma_start3A_158 = tpu.memref_slice %arg6[%arg0, %multiple_of3A, %dma_start3A_157] : memref<2x10000x128xf32, #tpu.memory_space<hbm>> -> memref<1x80x128xf32, #tpu.memory_space<hbm>>
        %dma_start3A_159 = tpu.memref_squeeze %dma_start3A_158 : memref<1x80x128xf32, #tpu.memory_space<hbm>> -> memref<80x128xf32, #tpu.memory_space<hbm>>
        %dma_start3A_160 = arith.constant 0 : i32
        %dma_start3A_161 = tpu.memref_slice %arg6[%arg0, %multiple_of3A, %dma_start3A_160] : memref<2x10000x128xf32, #tpu.memory_space<hbm>> -> memref<1x80x128xf32, #tpu.memory_space<hbm>>
        %dma_start3A_162 = tpu.memref_squeeze %dma_start3A_161 : memref<1x80x128xf32, #tpu.memory_space<hbm>> -> memref<80x128xf32, #tpu.memory_space<hbm>>
        %dma_start3A_163 = arith.constant 0 : i32
        %dma_start3A_164 = arith.constant 0 : i32
        %dma_start3A_165 = tpu.memref_slice %arg10[%dma_start3A_163, %dma_start3A_164] : memref<128x128xf32, #tpu.memory_space<vmem>> -> memref<80x128xf32, #tpu.memory_space<vmem>>
        tpu.enqueue_dma source(%dma_start3A_165 : memref<80x128xf32, #tpu.memory_space<vmem>>) target(%dma_start3A_162 : memref<80x128xf32, #tpu.memory_space<hbm>>) target_semaphore(%run_scoped3A : memref<!tpu.dma_semaphore, #tpu.memory_space<semaphore_mem>>)
        %dma_wait3A = arith.constant 0 : i32
        %dma_wait3A_166 = arith.constant 0 : i32
        %dma_wait3A_167 = tpu.memref_slice %arg10[%dma_wait3A, %dma_wait3A_166] : memref<128x128xf32, #tpu.memory_space<vmem>> -> memref<80x128xf32, #tpu.memory_space<vmem>>
        %dma_wait3A_168 = arith.constant 0 : i32
        %dma_wait3A_169 = tpu.memref_slice %arg6[%arg0, %multiple_of3A, %dma_wait3A_168] : memref<2x10000x128xf32, #tpu.memory_space<hbm>> -> memref<1x80x128xf32, #tpu.memory_space<hbm>>
        %dma_wait3A_170 = tpu.memref_squeeze %dma_wait3A_169 : memref<1x80x128xf32, #tpu.memory_space<hbm>> -> memref<80x128xf32, #tpu.memory_space<hbm>>
        %dma_wait3A_171 = arith.constant 0 : i32
        %dma_wait3A_172 = tpu.memref_slice %arg6[%arg0, %multiple_of3A, %dma_wait3A_171] : memref<2x10000x128xf32, #tpu.memory_space<hbm>> -> memref<1x80x128xf32, #tpu.memory_space<hbm>>
        %dma_wait3A_173 = tpu.memref_squeeze %dma_wait3A_172 : memref<1x80x128xf32, #tpu.memory_space<hbm>> -> memref<80x128xf32, #tpu.memory_space<hbm>>
        %dma_wait3A_174 = arith.constant 0 : i32
        %dma_wait3A_175 = arith.constant 0 : i32
        %dma_wait3A_176 = tpu.memref_slice %arg10[%dma_wait3A_174, %dma_wait3A_175] : memref<128x128xf32, #tpu.memory_space<vmem>> -> memref<80x128xf32, #tpu.memory_space<vmem>>
        tpu.wait_dma2 semaphore(%run_scoped3A : memref<!tpu.dma_semaphore, #tpu.memory_space<semaphore_mem>>) src(%dma_wait3A_176 : memref<80x128xf32, #tpu.memory_space<vmem>>) dst(%dma_wait3A_173 : memref<80x128xf32, #tpu.memory_space<hbm>>)
        tpu.yield
      }) : () -> ()
    } else {
    }
    %mul3A_135 = arith.constant 8 : i32
    %mul3A_136 = arith.muli %arg1, %mul3A_135 : i32
    %add3A_137 = arith.constant 6 : i32
    %add3A_138 = arith.addi %mul3A_136, %add3A_137 : i32
    %lt3A_139 = arith.constant 125 : i32
    %lt3A_140 = arith.cmpi slt, %add3A_138, %lt3A_139 : i32
    %convert_element_type3A_141 = arith.extui %lt3A_140 : i1 to i32
    %cond3A_142 = arith.constant 0 : i32
    %cond3A_143 = arith.cmpi ne, %convert_element_type3A_141, %cond3A_142 : i32
    scf.if %cond3A_143 {
      %mul3A_153 = arith.constant 80 : i32
      %mul3A_154 = arith.muli %add3A_138, %mul3A_153 : i32
      %multiple_of3A = tpu.assume_multiple %mul3A_154, 80 : i32
      "tpu.region"() ({
        %run_scoped3A = tpu.sem_alloc : memref<!tpu.dma_semaphore, #tpu.memory_space<semaphore_mem>>
        %dma_start3A = arith.constant 0 : i32
        %dma_start3A_155 = arith.constant 0 : i32
        %dma_start3A_156 = tpu.memref_slice %arg10[%dma_start3A, %dma_start3A_155] : memref<128x128xf32, #tpu.memory_space<vmem>> -> memref<80x128xf32, #tpu.memory_space<vmem>>
        %dma_start3A_157 = arith.constant 0 : i32
        %dma_start3A_158 = tpu.memref_slice %arg11[%multiple_of3A, %dma_start3A_157] : memref<10000x128xf32, #tpu.memory_space<vmem_shared>> -> memref<80x128xf32, #tpu.memory_space<vmem_shared>>
        %dma_start3A_159 = arith.constant 0 : i32
        %dma_start3A_160 = arith.constant 0 : i32
        %dma_start3A_161 = tpu.memref_slice %arg10[%dma_start3A_159, %dma_start3A_160] : memref<128x128xf32, #tpu.memory_space<vmem>> -> memref<80x128xf32, #tpu.memory_space<vmem>>
        %dma_start3A_162 = arith.constant 0 : i32
        %dma_start3A_163 = tpu.memref_slice %arg11[%multiple_of3A, %dma_start3A_162] : memref<10000x128xf32, #tpu.memory_space<vmem_shared>> -> memref<80x128xf32, #tpu.memory_space<vmem_shared>>
        tpu.enqueue_dma source(%dma_start3A_163 : memref<80x128xf32, #tpu.memory_space<vmem_shared>>) target(%dma_start3A_161 : memref<80x128xf32, #tpu.memory_space<vmem>>) target_semaphore(%run_scoped3A : memref<!tpu.dma_semaphore, #tpu.memory_space<semaphore_mem>>)
        %dma_wait3A = arith.constant 0 : i32
        %dma_wait3A_164 = arith.constant 0 : i32
        %dma_wait3A_165 = tpu.memref_slice %arg10[%dma_wait3A, %dma_wait3A_164] : memref<128x128xf32, #tpu.memory_space<vmem>> -> memref<80x128xf32, #tpu.memory_space<vmem>>
        %dma_wait3A_166 = arith.constant 0 : i32
        %dma_wait3A_167 = tpu.memref_slice %arg11[%multiple_of3A, %dma_wait3A_166] : memref<10000x128xf32, #tpu.memory_space<vmem_shared>> -> memref<80x128xf32, #tpu.memory_space<vmem_shared>>
        %dma_wait3A_168 = arith.constant 0 : i32
        %dma_wait3A_169 = arith.constant 0 : i32
        %dma_wait3A_170 = tpu.memref_slice %arg10[%dma_wait3A_168, %dma_wait3A_169] : memref<128x128xf32, #tpu.memory_space<vmem>> -> memref<80x128xf32, #tpu.memory_space<vmem>>
        %dma_wait3A_171 = arith.constant 0 : i32
        %dma_wait3A_172 = tpu.memref_slice %arg11[%multiple_of3A, %dma_wait3A_171] : memref<10000x128xf32, #tpu.memory_space<vmem_shared>> -> memref<80x128xf32, #tpu.memory_space<vmem_shared>>
        tpu.wait_dma2 semaphore(%run_scoped3A : memref<!tpu.dma_semaphore, #tpu.memory_space<semaphore_mem>>) src(%dma_wait3A_172 : memref<80x128xf32, #tpu.memory_space<vmem_shared>>) dst(%dma_wait3A_170 : memref<80x128xf32, #tpu.memory_space<vmem>>)
        tpu.yield
      }) : () -> ()
      "tpu.region"() ({
        %run_scoped3A = tpu.sem_alloc : memref<!tpu.dma_semaphore, #tpu.memory_space<semaphore_mem>>
        %dma_start3A = arith.constant 0 : i32
        %dma_start3A_155 = arith.constant 0 : i32
        %dma_start3A_156 = tpu.memref_slice %arg10[%dma_start3A, %dma_start3A_155] : memref<128x128xf32, #tpu.memory_space<vmem>> -> memref<80x128xf32, #tpu.memory_space<vmem>>
        %dma_start3A_157 = arith.constant 0 : i32
        %dma_start3A_158 = tpu.memref_slice %arg6[%arg0, %multiple_of3A, %dma_start3A_157] : memref<2x10000x128xf32, #tpu.memory_space<hbm>> -> memref<1x80x128xf32, #tpu.memory_space<hbm>>
        %dma_start3A_159 = tpu.memref_squeeze %dma_start3A_158 : memref<1x80x128xf32, #tpu.memory_space<hbm>> -> memref<80x128xf32, #tpu.memory_space<hbm>>
        %dma_start3A_160 = arith.constant 0 : i32
        %dma_start3A_161 = tpu.memref_slice %arg6[%arg0, %multiple_of3A, %dma_start3A_160] : memref<2x10000x128xf32, #tpu.memory_space<hbm>> -> memref<1x80x128xf32, #tpu.memory_space<hbm>>
        %dma_start3A_162 = tpu.memref_squeeze %dma_start3A_161 : memref<1x80x128xf32, #tpu.memory_space<hbm>> -> memref<80x128xf32, #tpu.memory_space<hbm>>
        %dma_start3A_163 = arith.constant 0 : i32
        %dma_start3A_164 = arith.constant 0 : i32
        %dma_start3A_165 = tpu.memref_slice %arg10[%dma_start3A_163, %dma_start3A_164] : memref<128x128xf32, #tpu.memory_space<vmem>> -> memref<80x128xf32, #tpu.memory_space<vmem>>
        tpu.enqueue_dma source(%dma_start3A_165 : memref<80x128xf32, #tpu.memory_space<vmem>>) target(%dma_start3A_162 : memref<80x128xf32, #tpu.memory_space<hbm>>) target_semaphore(%run_scoped3A : memref<!tpu.dma_semaphore, #tpu.memory_space<semaphore_mem>>)
        %dma_wait3A = arith.constant 0 : i32
        %dma_wait3A_166 = arith.constant 0 : i32
        %dma_wait3A_167 = tpu.memref_slice %arg10[%dma_wait3A, %dma_wait3A_166] : memref<128x128xf32, #tpu.memory_space<vmem>> -> memref<80x128xf32, #tpu.memory_space<vmem>>
        %dma_wait3A_168 = arith.constant 0 : i32
        %dma_wait3A_169 = tpu.memref_slice %arg6[%arg0, %multiple_of3A, %dma_wait3A_168] : memref<2x10000x128xf32, #tpu.memory_space<hbm>> -> memref<1x80x128xf32, #tpu.memory_space<hbm>>
        %dma_wait3A_170 = tpu.memref_squeeze %dma_wait3A_169 : memref<1x80x128xf32, #tpu.memory_space<hbm>> -> memref<80x128xf32, #tpu.memory_space<hbm>>
        %dma_wait3A_171 = arith.constant 0 : i32
        %dma_wait3A_172 = tpu.memref_slice %arg6[%arg0, %multiple_of3A, %dma_wait3A_171] : memref<2x10000x128xf32, #tpu.memory_space<hbm>> -> memref<1x80x128xf32, #tpu.memory_space<hbm>>
        %dma_wait3A_173 = tpu.memref_squeeze %dma_wait3A_172 : memref<1x80x128xf32, #tpu.memory_space<hbm>> -> memref<80x128xf32, #tpu.memory_space<hbm>>
        %dma_wait3A_174 = arith.constant 0 : i32
        %dma_wait3A_175 = arith.constant 0 : i32
        %dma_wait3A_176 = tpu.memref_slice %arg10[%dma_wait3A_174, %dma_wait3A_175] : memref<128x128xf32, #tpu.memory_space<vmem>> -> memref<80x128xf32, #tpu.memory_space<vmem>>
        tpu.wait_dma2 semaphore(%run_scoped3A : memref<!tpu.dma_semaphore, #tpu.memory_space<semaphore_mem>>) src(%dma_wait3A_176 : memref<80x128xf32, #tpu.memory_space<vmem>>) dst(%dma_wait3A_173 : memref<80x128xf32, #tpu.memory_space<hbm>>)
        tpu.yield
      }) : () -> ()
    } else {
    }
    %mul3A_144 = arith.constant 8 : i32
    %mul3A_145 = arith.muli %arg1, %mul3A_144 : i32
    %add3A_146 = arith.constant 7 : i32
    %add3A_147 = arith.addi %mul3A_145, %add3A_146 : i32
    %lt3A_148 = arith.constant 125 : i32
    %lt3A_149 = arith.cmpi slt, %add3A_147, %lt3A_148 : i32
    %convert_element_type3A_150 = arith.extui %lt3A_149 : i1 to i32
    %cond3A_151 = arith.constant 0 : i32
    %cond3A_152 = arith.cmpi ne, %convert_element_type3A_150, %cond3A_151 : i32
    scf.if %cond3A_152 {
      %mul3A_153 = arith.constant 80 : i32
      %mul3A_154 = arith.muli %add3A_147, %mul3A_153 : i32
      %multiple_of3A = tpu.assume_multiple %mul3A_154, 80 : i32
      "tpu.region"() ({
        %run_scoped3A = tpu.sem_alloc : memref<!tpu.dma_semaphore, #tpu.memory_space<semaphore_mem>>
        %dma_start3A = arith.constant 0 : i32
        %dma_start3A_155 = arith.constant 0 : i32
        %dma_start3A_156 = tpu.memref_slice %arg10[%dma_start3A, %dma_start3A_155] : memref<128x128xf32, #tpu.memory_space<vmem>> -> memref<80x128xf32, #tpu.memory_space<vmem>>
        %dma_start3A_157 = arith.constant 0 : i32
        %dma_start3A_158 = tpu.memref_slice %arg11[%multiple_of3A, %dma_start3A_157] : memref<10000x128xf32, #tpu.memory_space<vmem_shared>> -> memref<80x128xf32, #tpu.memory_space<vmem_shared>>
        %dma_start3A_159 = arith.constant 0 : i32
        %dma_start3A_160 = arith.constant 0 : i32
        %dma_start3A_161 = tpu.memref_slice %arg10[%dma_start3A_159, %dma_start3A_160] : memref<128x128xf32, #tpu.memory_space<vmem>> -> memref<80x128xf32, #tpu.memory_space<vmem>>
        %dma_start3A_162 = arith.constant 0 : i32
        %dma_start3A_163 = tpu.memref_slice %arg11[%multiple_of3A, %dma_start3A_162] : memref<10000x128xf32, #tpu.memory_space<vmem_shared>> -> memref<80x128xf32, #tpu.memory_space<vmem_shared>>
        tpu.enqueue_dma source(%dma_start3A_163 : memref<80x128xf32, #tpu.memory_space<vmem_shared>>) target(%dma_start3A_161 : memref<80x128xf32, #tpu.memory_space<vmem>>) target_semaphore(%run_scoped3A : memref<!tpu.dma_semaphore, #tpu.memory_space<semaphore_mem>>)
        %dma_wait3A = arith.constant 0 : i32
        %dma_wait3A_164 = arith.constant 0 : i32
        %dma_wait3A_165 = tpu.memref_slice %arg10[%dma_wait3A, %dma_wait3A_164] : memref<128x128xf32, #tpu.memory_space<vmem>> -> memref<80x128xf32, #tpu.memory_space<vmem>>
        %dma_wait3A_166 = arith.constant 0 : i32
        %dma_wait3A_167 = tpu.memref_slice %arg11[%multiple_of3A, %dma_wait3A_166] : memref<10000x128xf32, #tpu.memory_space<vmem_shared>> -> memref<80x128xf32, #tpu.memory_space<vmem_shared>>
        %dma_wait3A_168 = arith.constant 0 : i32
        %dma_wait3A_169 = arith.constant 0 : i32
        %dma_wait3A_170 = tpu.memref_slice %arg10[%dma_wait3A_168, %dma_wait3A_169] : memref<128x128xf32, #tpu.memory_space<vmem>> -> memref<80x128xf32, #tpu.memory_space<vmem>>
        %dma_wait3A_171 = arith.constant 0 : i32
        %dma_wait3A_172 = tpu.memref_slice %arg11[%multiple_of3A, %dma_wait3A_171] : memref<10000x128xf32, #tpu.memory_space<vmem_shared>> -> memref<80x128xf32, #tpu.memory_space<vmem_shared>>
        tpu.wait_dma2 semaphore(%run_scoped3A : memref<!tpu.dma_semaphore, #tpu.memory_space<semaphore_mem>>) src(%dma_wait3A_172 : memref<80x128xf32, #tpu.memory_space<vmem_shared>>) dst(%dma_wait3A_170 : memref<80x128xf32, #tpu.memory_space<vmem>>)
        tpu.yield
      }) : () -> ()
      "tpu.region"() ({
        %run_scoped3A = tpu.sem_alloc : memref<!tpu.dma_semaphore, #tpu.memory_space<semaphore_mem>>
        %dma_start3A = arith.constant 0 : i32
        %dma_start3A_155 = arith.constant 0 : i32
        %dma_start3A_156 = tpu.memref_slice %arg10[%dma_start3A, %dma_start3A_155] : memref<128x128xf32, #tpu.memory_space<vmem>> -> memref<80x128xf32, #tpu.memory_space<vmem>>
        %dma_start3A_157 = arith.constant 0 : i32
        %dma_start3A_158 = tpu.memref_slice %arg6[%arg0, %multiple_of3A, %dma_start3A_157] : memref<2x10000x128xf32, #tpu.memory_space<hbm>> -> memref<1x80x128xf32, #tpu.memory_space<hbm>>
        %dma_start3A_159 = tpu.memref_squeeze %dma_start3A_158 : memref<1x80x128xf32, #tpu.memory_space<hbm>> -> memref<80x128xf32, #tpu.memory_space<hbm>>
        %dma_start3A_160 = arith.constant 0 : i32
        %dma_start3A_161 = tpu.memref_slice %arg6[%arg0, %multiple_of3A, %dma_start3A_160] : memref<2x10000x128xf32, #tpu.memory_space<hbm>> -> memref<1x80x128xf32, #tpu.memory_space<hbm>>
        %dma_start3A_162 = tpu.memref_squeeze %dma_start3A_161 : memref<1x80x128xf32, #tpu.memory_space<hbm>> -> memref<80x128xf32, #tpu.memory_space<hbm>>
        %dma_start3A_163 = arith.constant 0 : i32
        %dma_start3A_164 = arith.constant 0 : i32
        %dma_start3A_165 = tpu.memref_slice %arg10[%dma_start3A_163, %dma_start3A_164] : memref<128x128xf32, #tpu.memory_space<vmem>> -> memref<80x128xf32, #tpu.memory_space<vmem>>
        tpu.enqueue_dma source(%dma_start3A_165 : memref<80x128xf32, #tpu.memory_space<vmem>>) target(%dma_start3A_162 : memref<80x128xf32, #tpu.memory_space<hbm>>) target_semaphore(%run_scoped3A : memref<!tpu.dma_semaphore, #tpu.memory_space<semaphore_mem>>)
        %dma_wait3A = arith.constant 0 : i32
        %dma_wait3A_166 = arith.constant 0 : i32
        %dma_wait3A_167 = tpu.memref_slice %arg10[%dma_wait3A, %dma_wait3A_166] : memref<128x128xf32, #tpu.memory_space<vmem>> -> memref<80x128xf32, #tpu.memory_space<vmem>>
        %dma_wait3A_168 = arith.constant 0 : i32
        %dma_wait3A_169 = tpu.memref_slice %arg6[%arg0, %multiple_of3A, %dma_wait3A_168] : memref<2x10000x128xf32, #tpu.memory_space<hbm>> -> memref<1x80x128xf32, #tpu.memory_space<hbm>>
        %dma_wait3A_170 = tpu.memref_squeeze %dma_wait3A_169 : memref<1x80x128xf32, #tpu.memory_space<hbm>> -> memref<80x128xf32, #tpu.memory_space<hbm>>
        %dma_wait3A_171 = arith.constant 0 : i32
        %dma_wait3A_172 = tpu.memref_slice %arg6[%arg0, %multiple_of3A, %dma_wait3A_171] : memref<2x10000x128xf32, #tpu.memory_space<hbm>> -> memref<1x80x128xf32, #tpu.memory_space<hbm>>
        %dma_wait3A_173 = tpu.memref_squeeze %dma_wait3A_172 : memref<1x80x128xf32, #tpu.memory_space<hbm>> -> memref<80x128xf32, #tpu.memory_space<hbm>>
        %dma_wait3A_174 = arith.constant 0 : i32
        %dma_wait3A_175 = arith.constant 0 : i32
        %dma_wait3A_176 = tpu.memref_slice %arg10[%dma_wait3A_174, %dma_wait3A_175] : memref<128x128xf32, #tpu.memory_space<vmem>> -> memref<80x128xf32, #tpu.memory_space<vmem>>
        tpu.wait_dma2 semaphore(%run_scoped3A : memref<!tpu.dma_semaphore, #tpu.memory_space<semaphore_mem>>) src(%dma_wait3A_176 : memref<80x128xf32, #tpu.memory_space<vmem>>) dst(%dma_wait3A_173 : memref<80x128xf32, #tpu.memory_space<hbm>>)
        tpu.yield
      }) : () -> ()
    } else {
    }
    return
  }
}

module attributes {stable_mosaic.version = 14 : i64} {
  func.func @_matmul_body(%arg0: i32, %arg1: memref<1000x128xf32, #tpu.memory_space<vmem>>, %arg2: memref<128x128xf32, #tpu.memory_space<vmem>>, %arg3: memref<1000x128xf32, #tpu.memory_space<vmem>>) attributes {dimension_semantics = [#tpu.dimension_semantics<arbitrary>], iteration_bounds = array<i64: 10>, scalar_prefetch = 0 : i64, scratch_operands = 0 : i64, tpu.core_type = #tpu.core_type<tc>, window_params = [{transform_indices = @transform_0, window_bounds = array<i64: 1000, 128>}, {pipeline_mode = #tpu.pipeline_mode<synchronous>, transform_indices = @transform_1, window_bounds = array<i64: 128, 128>}, {transform_indices = @transform_2, window_bounds = array<i64: 1000, 128>}]} {
    %get3A = arith.constant 0 : index
    %get3A_0 = arith.constant 0 : index
    %get3A_1 = vector.load %arg1[%get3A, %get3A_0] : memref<1000x128xf32, #tpu.memory_space<vmem>>, vector<1000x128xf32>
    %get3A_2 = arith.constant 0 : index
    %get3A_3 = arith.constant 0 : index
    %get3A_4 = vector.load %arg2[%get3A_2, %get3A_3] : memref<128x128xf32, #tpu.memory_space<vmem>>, vector<128x128xf32>
    %dot_general3A = arith.constant dense<0.000000e+00> : vector<1000x128xf32>
    %dot_general3A_5 = tpu.matmul %get3A_1, %get3A_4, %dot_general3A {dimension_numbers = #tpu.dot_dimension_numbers<[1], [0], [0], [1], [0, 0, 1, 1], [], []>, transpose_lhs_hint = false} : vector<1000x128xf32>, vector<128x128xf32>, vector<1000x128xf32> -> vector<1000x128xf32>
    %swap3A = arith.constant 0 : index
    %swap3A_6 = arith.constant 0 : index
    %swap3A_7 = vector.load %arg3[%swap3A, %swap3A_6] : memref<1000x128xf32, #tpu.memory_space<vmem>>, vector<1000x128xf32>
    tpu.vector_store %arg3[%swap3A, %swap3A_6], %dot_general3A_5 {strides = array<i32>} : memref<1000x128xf32, #tpu.memory_space<vmem>>, vector<1000x128xf32>,
    return
  }
  func.func @transform_0(%arg0: i32) -> (i32, i32) {
    %c0_i32 = arith.constant 0 : i32
    %c0_i32_0 = arith.constant 0 : i32
    return %arg0, %c0_i32 : i32, i32
  }
  func.func @transform_1(%arg0: i32) -> (i32, i32) {
    %c0_i32 = arith.constant 0 : i32
    %c0_i32_0 = arith.constant 0 : i32
    %c0_i32_1 = arith.constant 0 : i32
    return %c0_i32, %c0_i32_0 : i32, i32
  }
  func.func @transform_2(%arg0: i32) -> (i32, i32) {
    %c0_i32 = arith.constant 0 : i32
    %c0_i32_0 = arith.constant 0 : i32
    return %arg0, %c0_i32 : i32, i32
  }
}

module attributes {stable_mosaic.version = 14 : i64} {
  func.func @_combine_body(%arg0: i32, %arg1: memref<2x1000x128xf32, #tpu.memory_space<vmem>>, %arg2: memref<128xf32, #tpu.memory_space<vmem>>, %arg3: memref<1000x128xf32, #tpu.memory_space<vmem>>) attributes {dimension_semantics = [#tpu.dimension_semantics<arbitrary>], iteration_bounds = array<i64: 10>, scalar_prefetch = 0 : i64, scratch_operands = 0 : i64, tpu.core_type = #tpu.core_type<tc>, window_params = [{transform_indices = @transform_0, window_bounds = array<i64: 2, 1000, 128>}, {pipeline_mode = #tpu.pipeline_mode<synchronous>, transform_indices = @transform_1, window_bounds = array<i64: 128>}, {transform_indices = @transform_2, window_bounds = array<i64: 1000, 128>}]} {
    %get3A = arith.constant 0 : index
    %get3A_0 = arith.constant 0 : index
    %get3A_1 = arith.constant 0 : index
    %get3A_2 = vector.load %arg1[%get3A, %get3A_0, %get3A_1] : memref<2x1000x128xf32, #tpu.memory_space<vmem>>, vector<1x1000x128xf32>
    %get3A_3 = vector.shape_cast %get3A_2 : vector<1x1000x128xf32> to vector<1000x128xf32>
    %get3A_4 = arith.constant 1 : index
    %get3A_5 = arith.constant 0 : index
    %get3A_6 = arith.constant 0 : index
    %get3A_7 = vector.load %arg1[%get3A_4, %get3A_5, %get3A_6] : memref<2x1000x128xf32, #tpu.memory_space<vmem>>, vector<1x1000x128xf32>
    %get3A_8 = vector.shape_cast %get3A_7 : vector<1x1000x128xf32> to vector<1000x128xf32>
    %add3A = arith.addf %get3A_3, %get3A_8 : vector<1000x128xf32>
    %get3A_9 = arith.constant 0 : index
    %get3A_10 = vector.load %arg2[%get3A_9] : memref<128xf32, #tpu.memory_space<vmem>>, vector<128xf32>
    %broadcast_in_dim3A = vector.shape_cast %get3A_10 : vector<128xf32> to vector<1x128xf32>
    %add3A_11 = vector.broadcast %broadcast_in_dim3A : vector<1x128xf32> to vector<1000x128xf32>
    %add3A_12 = arith.addf %add3A, %add3A_11 : vector<1000x128xf32>
    %swap3A = arith.constant 0 : index
    %swap3A_13 = arith.constant 0 : index
    %swap3A_14 = vector.load %arg3[%swap3A, %swap3A_13] : memref<1000x128xf32, #tpu.memory_space<vmem>>, vector<1000x128xf32>
    tpu.vector_store %arg3[%swap3A, %swap3A_13], %add3A_12 {strides = array<i32>} : memref<1000x128xf32, #tpu.memory_space<vmem>>, vector<1000x128xf32>,
    return
  }
  func.func @transform_0(%arg0: i32) -> (i32, i32, i32) {
    %c0_i32 = arith.constant 0 : i32
    %c0_i32_0 = arith.constant 0 : i32
    %c0_i32_1 = arith.constant 0 : i32
    return %c0_i32, %arg0, %c0_i32_0 : i32, i32, i32
  }
  func.func @transform_1(%arg0: i32) -> i32 {
    %c0_i32 = arith.constant 0 : i32
    %c0_i32_0 = arith.constant 0 : i32
    return %c0_i32 : i32
  }
  func.func @transform_2(%arg0: i32) -> (i32, i32) {
    %c0_i32 = arith.constant 0 : i32
    %c0_i32_0 = arith.constant 0 : i32
    return %arg0, %c0_i32 : i32, i32
  }
}

</mosaic_0001>

<sc_bundles>
// kernel: kernel.5.cloned.1.call-start
scs
__scs_entry_jumppad:
0x0: {  	(pc) =	sbr.rel $0x88, $3  }
0x1: {  	(tag) =	ssettag $0x0;
	lr =	simm.s32 $0x1  }
0x2: {  	[smem:$0x3F9C] =	sst lr;
	_ =	strace $0xD0000000  }
0x3: {  	_ = 	snop  }
0x4: {  	_ = 	snop  }
0x5: {  	_ = 	snop  }
0x6: {  	_ = 	snop  }
0x7: {  	_ = 	snop  }
__scs_overlays_trampoline_lowered:
0x8: {  	[smem:$0x3FAB] =	sst s0  }
0x9: {  	[smem:$0x3FAC] =	sst s1  }
0xa: {  	[smem:$0x3FAD] =	sst s2  }
0xb: {  	[smem:$0x3FAE] =	sst s3  }
0xc: {  	[smem:$0x3FAF] =	sst s4  }
0xd: {  	[smem:$0x3FB0] =	sst s5  }
0xe: {  	[smem:$0x3FB1] =	sst s6  }
0xf: {  	[smem:$0x3FB2] =	sst s7  }
0x10: {  	[smem:$0x3FB3] =	sst s8  }
0x11: {  	[smem:$0x3FB4] =	sst s9;
	s0 =	simm.s32 @!p0 $0x0  }
0x12: {  	s1 =	sld [smem:$0x3F9A];
	s0 =	simm.s32 @p0 $0x1  }
0x13: {  	[smem:$0x3FB5] =	sst s0;
	s0 =	simm.s32 @!p1 $0x0  }
0x14: {  	s2 =	sld [smem:$0x3F99];
	s0 =	simm.s32 @p1 $0x1  }
0x15: {  	[smem:$0x3FB6] =	sst s0;
	s0 =	simm.s32 @!p2 $0x0  }
0x16: {  	s3 =	sld [smem:$0x3FDB];
	s0 =	simm.s32 @p2 $0x1  }
0x17: {  	s4 =	simm.s32 $0x1BF5;
	[smem:$0x3FB8] =	sst s0  }
0x18: {  	s0 =	sld [smem:$0x3F9B];
	_ =	swait.ge [sflag:s4], $0x0  }
0x19: {  	s7 =	sld [smem:$0x3F9C]  }
0x1a: {  	s8 =	sadd.s32 $0xFFFFE003, lr  }
0x1b: {  	s9 =	sadd.s32 $0xFFFFFEF7, lr;
	s5 =	simm.s32 $0xFFFFFFFF;
	p2 =	slt.u32 s8, $0xFFFFF086  }
0x1c: {  	p1 =	slt.u32 s9, $0xF7A;
	s5 =	simm.s32 @!p2 $0x0  }
0x1d: {  	s5 =	simm.s32 @p1 $0x1;
	p0 =	seq.s32 s7, s2  }
0x1e: {  	s7 =	smul.u32 @!p0 $0xF7A, s2;
	p2 =	seq.s32 @!p0 s5, $0x0  }
0x1f: {  	s9 =	smul.u32 $0xF7A, s1;
	s8 =	simm.s32 @!p0 $0x1BF5;
	p2 =	por !p2, p0  }
0x20: {  	[sflag:s8] =	ssyncset.s32 @!p0 $0xFFFFF086;
	s6 =	sadd.s32 @!p0 s3, s7;
	s7 =	simm.s32 @!p0 $0x108  }
0x21: {  	s3 =	sadd.s32 s3, s9;
	s6 =	sadd.s32 @!p0 $0x88, s6;
	s7 =	simm.s32 @p2 $0x1082  }
0x22: {  	[simem:s7], [sflag:s8] =	dma.local @!p0 [hbm:s6], $0xF7A  }
0x23: {  	s9 =	sor.u32 $0xD0000000, s2;
	s6 =	simm.s32 $0x108;
	_ =	swait.ge @!p0 [sflag:s8], $0x0  }
0x24: {  	s3 =	sadd.s32 $0x88, s3;
	s6 =	simm.s32 @!p1 $0x1082;
	[sflag:s4] =	ssyncset.s32 $0xFFFFF086  }
0x25: {  	[simem:s6], [sflag:s4] =	dma.local [hbm:s3], $0xF7A  }
0x26: {  	[smem:$0x3F9C] =	sst s1;
	(tag) =	ssettag s2;
	_ =	strace s9  }
0x27: {  	s1 =	sld [smem:$0x3FAC]  }
0x28: {  	s2 =	sld [smem:$0x3FAD]  }
0x29: {  	s4 =	sld [smem:$0x3FAF]  }
0x2a: {  	p0 =	seq.s32 s5, $0x0;
	s5 =	sld [smem:$0x3FB0]  }
0x2b: {  	s6 =	sld [smem:$0x3FB1]  }
0x2c: {  	s7 =	sld [smem:$0x3FB2]  }
0x2d: {  	s3 =	simm.s32 $0x108;
	s8 =	sld [smem:$0x3FB3]  }
0x2e: {  	s3 =	simm.s32 @!p0 $0x1082;
	s9 =	sld [smem:$0x3FB4]  }
0x2f: {  	lr =	sadd.s32 s0, s3;
	s0 =	sld [smem:$0x3FAB]  }
0x30: {  	s3 =	sld [smem:$0x3FAE]  }
0x31: {  	[smem:$0x3FB7] =	sst s10  }
0x32: {  	s10 =	sld [smem:$0x3FB5];
	_ =	sdelay $0x3  }
0x33: {  	p0 =	seq.s32 s10, $0x1;
	s10 =	sld [smem:$0x3FB7];
	_ =	sdelay $0x3  }
0x34: {  	[smem:$0x3FB7] =	sst s10  }
0x35: {  	s10 =	sld [smem:$0x3FB6];
	_ =	sdelay $0x3  }
0x36: {  	p1 =	seq.s32 s10, $0x1;
	s10 =	sld [smem:$0x3FB7];
	_ =	sdelay $0x3  }
0x37: {  	[smem:$0x3FB7] =	sst s10  }
0x38: {  	s10 =	sld [smem:$0x3FB8]  }
0x39: {  	_ = 	snop;
	(pc) =	sbr.ind lr, $3  }
0x3a: {  	_ = 	snop  }
0x3b: {  	_ = 	snop  }
0x3c: {  	p2 =	seq.s32 s10, $0x1;
	s10 =	sld [smem:$0x3FB7]  }
0x3d: {  	_ =	shalt  }
0x3e: {  	_ =	shalt  }
0x3f: {  	_ =	shalt  }
0x40: {  	_ =	shalt  }
0x41: {  	_ =	shalt  }
0x42: {  	_ =	shalt  }
0x43: {  	_ =	shalt  }
0x44: {  	_ =	shalt  }
0x45: {  	_ =	shalt  }
0x46: {  	_ =	shalt  }
0x47: {  	_ =	shalt  }
0x48: {  	_ =	shalt  }
0x49: {  	_ =	shalt  }
0x4a: {  	_ =	shalt  }
0x4b: {  	_ =	shalt  }
0x4c: {  	_ =	shalt  }
0x4d: {  	_ =	shalt  }
0x4e: {  	_ =	shalt  }
0x4f: {  	_ =	shalt  }
0x50: {  	_ =	shalt  }
0x51: {  	_ =	shalt  }
0x52: {  	_ =	shalt  }
0x53: {  	_ =	shalt  }
0x54: {  	_ =	shalt  }
0x55: {  	_ =	shalt  }
0x56: {  	_ =	shalt  }
0x57: {  	_ =	shalt  }
0x58: {  	_ =	shalt  }
0x59: {  	_ =	shalt  }
0x5a: {  	_ =	shalt  }
0x5b: {  	_ =	shalt  }
0x5c: {  	_ =	shalt  }
0x5d: {  	_ =	shalt  }
0x5e: {  	_ =	shalt  }
0x5f: {  	_ =	shalt  }
0x60: {  	_ =	shalt  }
0x61: {  	_ =	shalt  }
0x62: {  	_ =	shalt  }
0x63: {  	_ =	shalt  }
0x64: {  	_ =	shalt  }
0x65: {  	_ =	shalt  }
0x66: {  	_ =	shalt  }
0x67: {  	_ =	shalt  }
0x68: {  	_ =	shalt  }
0x69: {  	_ =	shalt  }
0x6a: {  	_ =	shalt  }
0x6b: {  	_ =	shalt  }
0x6c: {  	_ =	shalt  }
0x6d: {  	_ =	shalt  }
0x6e: {  	_ =	shalt  }
0x6f: {  	_ =	shalt  }
0x70: {  	_ =	shalt  }
0x71: {  	_ =	shalt  }
0x72: {  	_ =	shalt  }
0x73: {  	_ =	shalt  }
0x74: {  	_ =	shalt  }
0x75: {  	_ =	shalt  }
0x76: {  	_ =	shalt  }
0x77: {  	_ =	shalt  }
0x78: {  	_ =	shalt  }
0x79: {  	_ =	shalt  }
0x7a: {  	_ =	shalt  }
0x7b: {  	_ =	shalt  }
0x7c: {  	_ =	shalt  }
0x7d: {  	_ =	shalt  }
0x7e: {  	_ =	shalt  }
0x7f: {  	_ =	shalt  }
0x80: {  	_ =	shalt  }
0x81: {  	_ =	shalt  }
0x82: {  	_ =	shalt  }
0x83: {  	_ =	shalt  }
0x84: {  	_ =	shalt  }
0x85: {  	_ =	shalt  }
0x86: {  	_ =	shalt  }
0x87: {  	_ =	shalt  }
.Lfunc_end0:
.L_simem_size_0:
called_computation_lowered:
.L_overlay_start_0:
0x88: {  	s2 =	sld [smem:$0x3FD9]  }
0x89: {  	s3 =	sld [smem:$0x3FFE];
	_ =	sdelay $0x1  }
0x8a: {  	s1 =	srdreg.scid  }
0x8b: {  	s0 =	sand.u32 $0x1, s1  }
0x8c: {  	s17 =	sshll.u32 s0, $0xA;
	s2 =	sadd.s32 s3, s2  }
0x8d: {  	s2 =	sadd.s32 s2, s17  }
0x8e: {  	[smem:$0x3FC3] =	sst s2  }
0x8f: {  	_ = 	snop  }
0x90: {  	s2 =	sld [smem:$0x3FD0];
	(tm) =	ssettm $0x1  }
0x91: {  	s18 =	sld [smem:$0x3FFB];
	_ =	sdelay $0x3  }
0x92: {  	_ =	strace s18  }
0x93: {  	s3 =	sld [smem:$0x3FFC];
	_ =	sdelay $0x3  }
0x94: {  	_ =	strace s3  }
0x95: {  	s3 =	sld [smem:$0x3FFD];
	_ =	sdelay $0x3  }
0x96: {  	_ =	strace s3  }
0x97: {  	_ =	strace $0x8FFFFFFF  }
0x98: {  	s19 =	sld [smem:$0x3FDB];
	_ =	sdelay $0x1  }
0x99: {  	s4 =	simm.s32 $_scs_section_size  }
0x9a: {  	s5 =	simm.s32 $_size__tile_overlayer_lowered;
	s6 =	simm.s32 $_tile_overlayer_lowered  }
0x9b: {  	s22 =	simm.s32 $0x1BFF;
	s21 =	sshll.u32 s6, $0x1;
	s3 =	sadd.s32 s4, s19  }
0x9c: {  	s7 =	simm.s32 $0x0;
	s20 =	sshll.u32 s5, $0x1;
	s5 =	sadd.s32 s21, s3  }
0x9d: {  	[timem:s7], [sflag:s22] =	dma.local [hbm:s5], s20  }
0x9e: {  	_ =	swait.ge [sflag:s22], s20  }
0x9f: {  	s4 =	ssub.s32 $0x0, s20;
	[sflag:s22] =	ssyncset.done $0x0  }
0xa0: {  	[sflag:s22] =	ssyncadd.s32 s4;
	_ =	sdelay $0x1  }
0xa1: {  	s23 =	simm.s32 $0x1B8B  }
0xa2: {  	_ =	swait.ge [sflag:s23], $0x1  }
0xa3: {  	[sflag:s23] =	ssyncset.done $0x0  }
0xa4: {  	s25 =	simm.s32 $0x1B8E;
	s24 =	sld [smem:$0x3FFE];
	[sflag:s23] =	ssyncadd.s32 $0xFFFFFFFF  }
0xa5: {  	s26 =	simm.s32 $execute0_lowered;
	[smem:$0x3FD2] =	sst s25  }
0xa6: {  	s5 =	sshll.u32 s26, $0x1;
	_ =	strace $0x80000046;
	[dreg:$0x1] =	wrdreg $0xFFFFFFFF  }
0xa7: {  	s28 =	simm.s32 $_size_execute0_lowered;
	s3 =	sadd.s32 s3, s5;
	[dreg:$0x0] =	wrdreg $0x0  }
0xa8: {  	s5 =	sshll.u32 s28, $0x1;
	[dreg:$0x2] =	wrdreg s3  }
0xa9: {  	[dreg:$0x3] =	wrdreg s5  }
0xaa: {  	[dreg:$0x4] =	wrdreg $0xC0  }
0xab: {  	_ =	task [dreg:s7], $0x5FFFF  }
0xac: {  	[dreg:$0x1] =	wrdreg $0xFFFFFFFF  }
0xad: {  	[dreg:$0x0] =	wrdreg $0x60  }
0xae: {  	[dreg:$0x2] =	wrdreg s24  }
0xaf: {  	[dreg:$0x3] =	wrdreg s2  }
0xb0: {  	[dreg:$0x4] =	wrdreg $0xB8000  }
0xb1: {  	[dreg:$0x5] =	wrdreg $0x9  }
0xb2: {  	_ =	task.clear_ibuf [dreg:s7], $0x6FFFF;
	_ =	strace $0x90000046  }
0xb3: {  	s29 =	simm.s32 $0x9;
	_ =	strace $0x80000048  }
0xb4: {  	_ =	swait.ge [sflag:s29], $0x1  }
0xb5: {  	[sflag:s29] =	ssyncadd.s32 $0xFFFFFFFF  }
0xb6: {  	_ =	strace $0x90000048  }
0xb7: {  	_ =	sfence  }
0xb8: {  	s30 =	sld [smem:$0x0];
	_ =	sdelay $0x2  }
0xb9: {  	s31 =	sshll.u32 s1, $0xD;
	s1 =	sshrl.u32 s1, $0x2  }
0xba: {  	s3 =	sand.u32 $0x4000, s31;
	s1 =	sadd.s32 s1, s30  }
0xbb: {  	s0 =	sor.u32 s3, s0;
	s1 =	sshll.u32 s1, $0x11  }
0xbc: {  	s0 =	sor.u32 s1, s0  }
0xbd: {  	s0 =	sadd.s32 $0x8F2B, s0  }
0xbe: {  	[sflag:s0] =	ssyncadd.remote.s32 $0x1  }
0xbf: {  	_ =	sfence.sel $0xFFFF  }
0xc0: {  	[dreg:$0x0] =	wrdreg $0xFFFFFFFF;
	(pc) =	sbr.abs _section_cstart, $3  }
0xc1: {  	[dreg:$0x1] =	wrdreg $0xFFFFFFFF  }
0xc2: {  	_ =	task.clear_ibuf [dreg:s7], $0x2FFFF;
	_ =	strace $0x9FFFFFFF  }
0xc3: {  	(tm) =	ssettm $0x7FFFFFFF  }
tec
execute0_lowered:
.L_overlay_start_1:
0x0: {  	(tag) =	ssettag $0x1  }
0x1: {  	s0 =	srdreg.scid;
	s5 =	rddreg [dreg:$0x0]  }
0x2: {  	s26 =	stileid.u32;
	s2 =	rddreg [dreg:$0x1]  }
0x3: {  	s3 =	rddreg [dreg:$0x2];
	s4 =	simm.s32 $0x0;
	s8 =	smul.u32 $0x50000, s26  }
0x4: {  	s29 =	simm.s32 $0x7800;
	s0 =	sand.u32 $0x1, s0;
	s11 =	smul.u32 $0x14000, s26  }
0x5: {  	s1 =	sshll.u32 s26, $0x1;
	s25 =	sshllo.u32 s26, $0x3;
	s10 =	smul.u32 $0x138800, s0  }
0x6: {  	s6 =	sshll.u32 s26, $0x3;
	s1 =	sor.u32 s0, s1;
	s23 =	smul.u32 $0x2800, s25  }
0x7: {  	s30 =	simm.s32 $0x80;
	s7 =	sor.u32 $0x1, s6;
	s1 =	smul.u32 $0x500, s1  }
0x8: {  	s31 =	simm.s32 $0x1;
	[smem:$0x7FF] =	sst s4;
	s9 =	smul.u32 $0xA000, s7  }
0x9: {  	p2 =	seq.s32 s26, $0xF;
	s12 =	sor.u32 $0x2, s6;
	s7 =	smul.u32 $0x2800, s7  }
0xa: {  	_ =	strace $0x80000047;
	s13 =	sor.u32 $0x3, s6;
	s14 =	smul.u32 $0x2800, s12  }
0xb: {  	s0 =	ssub.s32 $0x2, s0;
	s15 =	sor.u32 $0x4, s6;
	s16 =	smul.u32 $0x2800, s13  }
0xc: {  	s18 =	sor.u32 $0x5, s6;
	s6 =	sor.u32 $0x6, s6;
	s19 =	smul.u32 $0x2800, s15  }
0xd: {  	p1 =	sgt.u32 s25, $0x7C;
	s17 =	sshrl.u32 s0, $0x1;
	s28 =	smul.u32 $0x2800, s18  }
0xe: {  	s22 =	smul.u32 $0x2800, s6;
	s8 =	sshrl.u32 s8, $0x2;
	p0 =	sgt.u32 s6, $0x7C  }
0xf: {  	s0 =	ssub.s32 s0, s17;
	s11 =	sadd.s32 s11, s10;
	s8 =	sadd.s32 s8, s3  }
0x10: {  	s1 =	sadd.s32 s1, s5;
	s5 =	sadd.s32 $0x1EE00, s5;
	s21 =	sadd.s32 s10, s7  }
0x11: {  	s14 =	sadd.s32 s10, s14;
	s16 =	sadd.s32 s10, s16;
	s19 =	sadd.s32 s10, s19  }
0x12: {  	s17 =	sadd.s32 s10, s28;
	s28 =	smul.u32 $0xA000, s12;
	s9 =	sshrl.u32 s9, $0x2  }
0x13: {  	s7 =	smul.u32 $0xA000, s13;
	s11 =	sshrl.u32 s11, $0x3;
	s20 =	sadd.s32 $0xAE00, s1  }
0x14: {  	s24 =	sadd.s32 $0x14E00, s1;
	s1 =	sadd.s32 $0xE00, s1;
	s9 =	sadd.s32 s9, s3  }
0x15: {  	s13 =	sshrl.u32 s21, $0x3;
	s11 =	sadd.s32 s5, s11;
	[dreg:$0x4] =	wrdreg s20  }
0x16: {  	s16 =	sshrl.u32 s16, $0x3;
	s20 =	sadd.s32 s10, s22;
	[dreg:$0x5] =	wrdreg s24  }
0x17: {  	s22 =	sadd.s32 s10, s23;
	[dreg:$0x6] =	wrdreg s1;
	s23 =	smul.u32 $0xA000, s15  }
0x18: {  	s1 =	sshrl.u32 s28, $0x2;
	s24 =	smul.u32 $0xA000, s18;
	s12 =	sadd.s32 s5, s13  }
0x19: {  	s15 =	sshrl.u32 s14, $0x3;
	s18 =	sshrl.u32 s19, $0x3;
	s14 =	sadd.s32 s5, s16  }
0x1a: {  	s19 =	sshrl.u32 s17, $0x3;
	s10 =	sadd.s32 s1, s3;
	s1 =	sshrl.u32 s7, $0x2  }
0x1b: {  	s13 =	sadd.s32 s5, s15;
	s15 =	sadd.s32 s5, s18;
	s16 =	sadd.s32 s5, s19  }
0x1c: {  	s21 =	sshrl.u32 s20, $0x3;
	s28 =	sshrl.u32 s22, $0x3;
	s7 =	smul.u32 $0xA000, s6  }
0x1d: {  	v0 =	vlaneseq.u32;
	s22 =	smul.u32 $0xA000, s25;
	s25 =	simm.s32 $0x2;
	s17 =	sadd.s32 s5, s21  }
0x1e: {  	v0 =	vmul.u32 $0x80, v0;
	s18 =	sadd.s32 s5, s28;
	s21 =	sshrl.u32 s23, $0x2;
	s19 =	sadd.s32 s1, s3  }
0x1f: {  	v1 =	vimm.f32 $0.0e+00;
	s23 =	sshrl.u32 s24, $0x2;
	s1 =	simm.s32 $0x0;
	s20 =	sadd.s32 s21, s3  }
0x20: {  	v2 =	vor.u32 $0x800, v0;
	v3 =	vor.u32 $0x1000, v0;
	v4 =	vor.u32 $0x1800, v0;
	s21 =	sadd.s32 s23, s3;
	s24 =	sshrl.u32 s7, $0x2;
	s28 =	sshrl.u32 s22, $0x2  }
0x21: {  	v5 =	vor.u32 $0x2000, v0;
	v6 =	vor.u32 $0x2800, v0;
	v7 =	vor.u32 $0x3000, v0;
	s22 =	sadd.s32 s24, s3;
	s23 =	sadd.s32 s28, s3;
	s24 =	smax.u32 s0, $0x1  }
.LBB2_1:
0x22: {  	s0 =	rddreg [dreg:$0x4]  }
0x23: {  	[tilespmem:s4], [sflag:$0x2] =	stream.linear.gather [hbm4b:s0+s4], $0x2780, $0x38;
	[tilespmem:$0x1F080] =	vst v63  }
0x24: {  	_ =	swait.ge [sflag:s25], $0x2780  }
0x25: {  	[sflag:s25] =	ssyncset.done $0x0  }
0x26: {  	s5 =	simm.s32 $0x2800;
	s7 =	rddreg [dreg:$0x5];
	[sflag:s25] =	ssyncadd.s32 $0xFFFFD880  }
0x27: {  	[tilespmem:s5], [sflag:$0x2] =	stream.linear.gather [hbm4b:s7+s4], $0x2780, $0x38;
	[tilespmem:$0x1F080] =	vst v63  }
0x28: {  	_ =	swait.ge [sflag:s25], $0x2780  }
0x29: {  	[sflag:s25] =	ssyncset.done $0x0  }
0x2a: {  	s28 =	simm.s32 $0x5000;
	s26 =	rddreg [dreg:$0x6];
	[sflag:s25] =	ssyncadd.s32 $0xFFFFD880  }
0x2b: {  	[tilespmem:s28], [sflag:$0x2] =	stream.linear.gather [hbm4b:s26+s4], $0x2780, $0x38;
	[tilespmem:$0x1F080] =	vst v63  }
0x2c: {  	_ =	swait.ge [sflag:s25], $0x2780  }
0x2d: {  	[sflag:s25] =	ssyncset.done $0x0  }
0x2e: {  	s0 =	simm.s32 $0x0;
	s5 =	simm.s32 $0x200;
	[sflag:s25] =	ssyncadd.s32 $0xFFFFD880  }
.LBB2_2:
0x2f: {  	p3 =	sne.s32 s5, $0x9E00;
	[tilespmem:s0+$0x7870] =	vst v1  }
0x30: {  	[tilespmem:s0+$0x7800] =	vst v1  }
0x31: {  	[tilespmem:s0+$0x7810] =	vst v1  }
.Ltmp0:
0x32: {  	[tilespmem:s0+$0x7820] =	vst v1;
	(pc) =	sbr.rel @p3 .LBB2_2-.Ltmp0, $4  }
0x33: {  	[tilespmem:s0+$0x7830] =	vst v1  }
0x34: {  	[tilespmem:s0+$0x7840] =	vst v1  }
0x35: {  	[tilespmem:s0+$0x7850] =	vst v1  }
0x36: {  	[tilespmem:s0+$0x7860] =	vst v1;
	s0 =	sshra.s32 s5, $0x2;
	s5 =	sadd.s32 $0x200, s5  }
0x37: {  	[tilespmem:s0+$0x7870] =	vst v1  }
0x38: {  	[tilespmem:s0+$0x7800] =	vst v1  }
0x39: {  	[tilespmem:s0+$0x7810] =	vst v1  }
0x3a: {  	[tilespmem:s0+$0x7820] =	vst v1  }
0x3b: {  	[tilespmem:s0+$0x7830] =	vst v1  }
0x3c: {  	[tilespmem:s0+$0x7840] =	vst v1  }
0x3d: {  	[tilespmem:s0+$0x7850] =	vst v1  }
0x3e: {  	[tilespmem:s0+$0x7860] =	vst v1  }
0x3f: {  	[spmem:s8] =	stream.linear.scatter [tilespmem:s29], [sflag:$0x2], $0x2800, $0x38;
	[tilespmem:$0x1F080] =	vst v63  }
0x40: {  	_ =	swait.ge [sflag:s25], $0x2800  }
0x41: {  	[sflag:s25] =	ssyncset.done $0x0  }
0x42: {  	[sflag:s25] =	ssyncadd.s32 $0xFFFFD800  }
0x43: {  	[spmem:s9] =	stream.linear.scatter [tilespmem:s29], [sflag:$0x2], $0x2800, $0x38;
	[tilespmem:$0x1F080] =	vst v63  }
0x44: {  	_ =	swait.ge [sflag:s25], $0x2800  }
0x45: {  	[sflag:s25] =	ssyncset.done $0x0  }
0x46: {  	[sflag:s25] =	ssyncadd.s32 $0xFFFFD800  }
0x47: {  	[spmem:s10] =	stream.linear.scatter [tilespmem:s29], [sflag:$0x2], $0x2800, $0x38;
	[tilespmem:$0x1F080] =	vst v63  }
0x48: {  	_ =	swait.ge [sflag:s25], $0x2800  }
0x49: {  	[sflag:s25] =	ssyncset.done $0x0  }
0x4a: {  	[sflag:s25] =	ssyncadd.s32 $0xFFFFD800  }
0x4b: {  	[spmem:s19] =	stream.linear.scatter [tilespmem:s29], [sflag:$0x2], $0x2800, $0x38;
	[tilespmem:$0x1F080] =	vst v63  }
0x4c: {  	_ =	swait.ge [sflag:s25], $0x2800  }
0x4d: {  	[sflag:s25] =	ssyncset.done $0x0  }
0x4e: {  	[sflag:s25] =	ssyncadd.s32 $0xFFFFD800  }
0x4f: {  	[spmem:s20] =	stream.linear.scatter [tilespmem:s29], [sflag:$0x2], $0x2800, $0x38;
	[tilespmem:$0x1F080] =	vst v63  }
0x50: {  	_ =	swait.ge [sflag:s25], $0x2800  }
0x51: {  	[sflag:s25] =	ssyncset.done $0x0  }
0x52: {  	s0 =	simm.s32 @!p2 $0x7800;
	[sflag:s25] =	ssyncadd.s32 $0xFFFFD800  }
0x53: {  	[spmem:s21] =	stream.linear.scatter @!p2 [tilespmem:s0], [sflag:$0x2], $0x2800, $0x38;
	[tilespmem:$0x1F080] =	vst v63  }
0x54: {  	s0 =	simm.s32 @!p2 $0x2  }
0x55: {  	_ =	swait.ge @!p2 [sflag:s0], $0x2800  }
0x56: {  	[sflag:s0] =	ssyncset.done @!p2 $0x0  }
0x57: {  	[sflag:s0] =	ssyncadd.s32 @!p2 $0xFFFFD800;
	s0 =	simm.s32 @!p0 $0x7800  }
0x58: {  	[spmem:s22] =	stream.linear.scatter @!p0 [tilespmem:s0], [sflag:$0x2], $0x2800, $0x38;
	[tilespmem:$0x1F080] =	vst v63  }
0x59: {  	s0 =	simm.s32 @!p0 $0x2  }
0x5a: {  	_ =	swait.ge @!p0 [sflag:s0], $0x2800  }
0x5b: {  	[sflag:s0] =	ssyncset.done @!p0 $0x0  }
0x5c: {  	[sflag:s0] =	ssyncadd.s32 @!p0 $0xFFFFD800;
	s0 =	simm.s32 @!p1 $0x7800  }
0x5d: {  	[spmem:s23] =	stream.linear.scatter @!p1 [tilespmem:s0], [sflag:$0x2], $0x2800, $0x38;
	[tilespmem:$0x1F080] =	vst v63  }
0x5e: {  	s0 =	simm.s32 @!p1 $0x2  }
0x5f: {  	_ =	swait.ge @!p1 [sflag:s0], $0x2800  }
0x60: {  	[sflag:s0] =	ssyncset.done @!p1 $0x0  }
0x61: {  	[sflag:s0] =	ssyncadd.s32 @!p1 $0xFFFFD800  }
0x62: {  	s0 =	simm.s32 $0x0;
	[bflag:$0x0] =	sbarrier.arrive $0xFFFF  }
.LBB2_4:
0x63: {  	s5 =	simm.s32 $0x0  }
0x64: {  	v8 =	vmov s5  }
0x65: {  	v8 =	vand.u32 $0x78, v8  }
0x66: {  	v8 =	vbroadcast v8, $0x0  }
0x67: {  	s26 =	sshll.u32 s0, $0x7  }
0x68: {  	[tilespmem:s29], [sflag:$0x1] =	stream.indirect.gather [hbm4b:s2+s30], $0x80, s26, s30, $0xb8;
	v9 =	vor.u32 v0, v8;
	[tilespmem:$0x1F080] =	vst v63  }
0x69: {  	_ =	swait.ge [sflag:s31], $0x4000  }
0x6a: {  	[sflag:s31] =	ssyncset.done $0x0  }
0x6b: {  	s6 =	simm.s32 $0x1;
	[sflag:s31] =	ssyncadd.s32 $0xFFFFC000  }
0x6c: {  	v10 =	vmov s6;
	v8 =	vld [tilespmem:s26+$0x5000]  }
0x6d: {  	v10 =	vand.u32 $0x79, v10;
	v11 =	vld.idx.msk [tilespmem:v9+s29+$0x0], $0xffff  }
0x6e: {  	v10 =	vbroadcast v10, $0x0;
	_ =	sdelay $0x1  }
0x6f: {  	v10 =	vor.u32 v0, v10;
	_ =	sdelay $0x1  }
0x70: {  	v11 =	vmul.f32 v11, v8  }
0x71: {  	s7 =	simm.s32 $0x2  }
0x72: {  	[tilespmem:v9+s29+$0x0] =	vst.idx.msk $0xffff, v11;
	v9 =	vmov s7  }
0x73: {  	v11 =	vld.idx.msk [tilespmem:v10+s29+$0x0], $0xffff;
	v9 =	vand.u32 $0x7A, v9  }
0x74: {  	v9 =	vbroadcast v9, $0x0;
	_ =	sdelay $0x1  }
0x75: {  	v9 =	vor.u32 v0, v9;
	_ =	sdelay $0x1  }
0x76: {  	v11 =	vmul.f32 v11, v8  }
0x77: {  	s6 =	simm.s32 $0x3  }
0x78: {  	[tilespmem:v10+s29+$0x0] =	vst.idx.msk $0xffff, v11;
	v10 =	vmov s6  }
0x79: {  	v11 =	vld.idx.msk [tilespmem:v9+s29+$0x0], $0xffff;
	v10 =	vand.u32 $0x7B, v10  }
0x7a: {  	v10 =	vbroadcast v10, $0x0;
	_ =	sdelay $0x1  }
0x7b: {  	v10 =	vor.u32 v0, v10;
	_ =	sdelay $0x1  }
0x7c: {  	v11 =	vmul.f32 v11, v8  }
0x7d: {  	s7 =	simm.s32 $0x4  }
0x7e: {  	[tilespmem:v9+s29+$0x0] =	vst.idx.msk $0xffff, v11;
	v9 =	vmov s7  }
0x7f: {  	v11 =	vld.idx.msk [tilespmem:v10+s29+$0x0], $0xffff;
	v9 =	vand.u32 $0x7C, v9  }
0x80: {  	v9 =	vbroadcast v9, $0x0;
	_ =	sdelay $0x1  }
0x81: {  	v9 =	vor.u32 v0, v9;
	_ =	sdelay $0x1  }
0x82: {  	v11 =	vmul.f32 v11, v8  }
0x83: {  	s6 =	simm.s32 $0x5  }
0x84: {  	[tilespmem:v10+s29+$0x0] =	vst.idx.msk $0xffff, v11;
	v10 =	vmov s6  }
0x85: {  	v11 =	vld.idx.msk [tilespmem:v9+s29+$0x0], $0xffff;
	v10 =	vand.u32 $0x7D, v10  }
0x86: {  	v10 =	vbroadcast v10, $0x0;
	_ =	sdelay $0x1  }
0x87: {  	v10 =	vor.u32 v0, v10;
	_ =	sdelay $0x1  }
0x88: {  	v11 =	vmul.f32 v11, v8  }
0x89: {  	s7 =	simm.s32 $0x6  }
0x8a: {  	[tilespmem:v9+s29+$0x0] =	vst.idx.msk $0xffff, v11;
	v9 =	vmov s7  }
0x8b: {  	v11 =	vld.idx.msk [tilespmem:v10+s29+$0x0], $0xffff;
	v9 =	vand.u32 $0x7E, v9  }
0x8c: {  	v9 =	vbroadcast v9, $0x0;
	_ =	sdelay $0x1  }
0x8d: {  	v12 =	vor.u32 v0, v9;
	_ =	sdelay $0x1  }
0x8e: {  	v9 =	vmul.f32 v11, v8  }
0x8f: {  	s6 =	simm.s32 $0x7  }
0x90: {  	[tilespmem:v10+s29+$0x0] =	vst.idx.msk $0xffff, v9;
	v9 =	vmov s6  }
0x91: {  	v10 =	vld.idx.msk [tilespmem:v12+s29+$0x0], $0xffff;
	v9 =	vand.u32 $0x7F, v9  }
0x92: {  	v9 =	vbroadcast v9, $0x0;
	_ =	sdelay $0x1  }
0x93: {  	v9 =	vor.u32 v0, v9;
	_ =	sdelay $0x1  }
0x94: {  	v10 =	vmul.f32 v10, v8  }
0x95: {  	s7 =	simm.s32 $0x8  }
0x96: {  	[tilespmem:v12+s29+$0x0] =	vst.idx.msk $0xffff, v10;
	v10 =	vmov s7  }
0x97: {  	v11 =	vld.idx.msk [tilespmem:v9+s29+$0x0], $0xffff;
	v10 =	vand.u32 $0x78, v10  }
0x98: {  	v10 =	vbroadcast v10, $0x0;
	_ =	sdelay $0x1  }
0x99: {  	v10 =	vor.u32 v0, v10;
	_ =	sdelay $0x1  }
0x9a: {  	s28 =	simm.s32 $0xF;
	s5 =	simm.s32 $0x17;
	v11 =	vmul.f32 v11, v8  }
.LBB2_5:
0x9b: {  	p3 =	sne.s32 s5, $0x7F  }
0x9c: {  	s7 =	sadd.s32 $0xFFFFFFFA, s28;
	s6 =	smov.u32 s5;
	s5 =	sadd.s32 $0x8, s5;
	[tilespmem:v9+s29+$0x0] =	vst.idx.msk $0xffff, v11  }
0x9d: {  	v11 =	vmov s7;
	v9 =	vld.idx.msk [tilespmem:v10+s29+$0x0], $0xffff  }
0x9e: {  	v11 =	vand.u32 $0x79, v11  }
0x9f: {  	v11 =	vbroadcast v11, $0x0;
	_ =	sdelay $0x1  }
0xa0: {  	v11 =	vor.u32 v0, v11;
	_ =	sdelay $0x1  }
0xa1: {  	v9 =	vmul.f32 v9, v8;
	_ =	sdelay $0x1  }
0xa2: {  	s7 =	sadd.s32 $0xFFFFFFFB, s28;
	[tilespmem:v10+s29+$0x0] =	vst.idx.msk $0xffff, v9  }
0xa3: {  	v10 =	vmov s7;
	v9 =	vld.idx.msk [tilespmem:v11+s29+$0x0], $0xffff  }
0xa4: {  	v10 =	vand.u32 $0x7A, v10  }
0xa5: {  	v10 =	vbroadcast v10, $0x0;
	_ =	sdelay $0x1  }
0xa6: {  	v10 =	vor.u32 v0, v10;
	_ =	sdelay $0x1  }
0xa7: {  	v9 =	vmul.f32 v9, v8;
	_ =	sdelay $0x1  }
0xa8: {  	s7 =	sadd.s32 $0xFFFFFFFC, s28;
	[tilespmem:v11+s29+$0x0] =	vst.idx.msk $0xffff, v9  }
0xa9: {  	v11 =	vmov s7;
	v9 =	vld.idx.msk [tilespmem:v10+s29+$0x0], $0xffff  }
0xaa: {  	v11 =	vand.u32 $0x7B, v11  }
0xab: {  	v11 =	vbroadcast v11, $0x0;
	_ =	sdelay $0x1  }
0xac: {  	v11 =	vor.u32 v0, v11;
	_ =	sdelay $0x1  }
0xad: {  	v9 =	vmul.f32 v9, v8;
	_ =	sdelay $0x1  }
0xae: {  	s7 =	sadd.s32 $0xFFFFFFFD, s28;
	[tilespmem:v10+s29+$0x0] =	vst.idx.msk $0xffff, v9  }
0xaf: {  	v10 =	vmov s7;
	v9 =	vld.idx.msk [tilespmem:v11+s29+$0x0], $0xffff  }
0xb0: {  	v10 =	vand.u32 $0x7C, v10  }
0xb1: {  	v10 =	vbroadcast v10, $0x0;
	_ =	sdelay $0x1  }
0xb2: {  	v10 =	vor.u32 v0, v10;
	_ =	sdelay $0x1  }
0xb3: {  	v9 =	vmul.f32 v9, v8;
	_ =	sdelay $0x1  }
0xb4: {  	s7 =	sadd.s32 $0xFFFFFFFE, s28;
	[tilespmem:v11+s29+$0x0] =	vst.idx.msk $0xffff, v9  }
0xb5: {  	v11 =	vmov s7;
	v9 =	vld.idx.msk [tilespmem:v10+s29+$0x0], $0xffff  }
0xb6: {  	v11 =	vand.u32 $0x7D, v11  }
0xb7: {  	v11 =	vbroadcast v11, $0x0;
	_ =	sdelay $0x1  }
0xb8: {  	v11 =	vor.u32 v0, v11;
	_ =	sdelay $0x1  }
0xb9: {  	v9 =	vmul.f32 v9, v8;
	_ =	sdelay $0x1  }
0xba: {  	s7 =	sadd.s32 $0xFFFFFFFF, s28;
	[tilespmem:v10+s29+$0x0] =	vst.idx.msk $0xffff, v9  }
0xbb: {  	v10 =	vmov s7;
	v9 =	vld.idx.msk [tilespmem:v11+s29+$0x0], $0xffff  }
0xbc: {  	v10 =	vand.u32 $0x7E, v10  }
0xbd: {  	v10 =	vbroadcast v10, $0x0;
	_ =	sdelay $0x1  }
0xbe: {  	v10 =	vor.u32 v0, v10;
	_ =	sdelay $0x1  }
0xbf: {  	v9 =	vmul.f32 v9, v8;
	_ =	sdelay $0x1  }
0xc0: {  	[tilespmem:v11+s29+$0x0] =	vst.idx.msk $0xffff, v9  }
0xc1: {  	v9 =	vmov s28;
	s28 =	smov.u32 s6;
	v11 =	vld.idx.msk [tilespmem:v10+s29+$0x0], $0xffff  }
0xc2: {  	v9 =	vand.u32 $0x7F, v9  }
0xc3: {  	v9 =	vbroadcast v9, $0x0;
	_ =	sdelay $0x1  }
0xc4: {  	v9 =	vor.u32 v0, v9;
	_ =	sdelay $0x1  }
0xc5: {  	v11 =	vmul.f32 v11, v8;
	_ =	sdelay $0x1  }
0xc6: {  	s6 =	sadd.s32 $0xFFFFFFF9, s28;
	[tilespmem:v10+s29+$0x0] =	vst.idx.msk $0xffff, v11  }
0xc7: {  	v10 =	vmov s6;
	v11 =	vld.idx.msk [tilespmem:v9+s29+$0x0], $0xffff  }
0xc8: {  	v10 =	vand.u32 $0x78, v10  }
.Ltmp1:
0xc9: {  	v10 =	vbroadcast v10, $0x0;
	(pc) =	sbr.rel @p3 .LBB2_5-.Ltmp1, $3  }
0xca: {  	_ = 	snop  }
0xcb: {  	v10 =	vor.u32 v0, v10;
	_ =	sdelay $0x1  }
0xcc: {  	v11 =	vmul.f32 v11, v8  }
0xcd: {  	_ =	sdelay $0x2  }
0xce: {  	s5 =	sadd.s32 $0xFFFFFFFA, s28  }
0xcf: {  	[tilespmem:v9+s29+$0x0] =	vst.idx.msk $0xffff, v11;
	v9 =	vmov s5  }
0xd0: {  	v11 =	vld.idx.msk [tilespmem:v10+s29+$0x0], $0xffff;
	v9 =	vand.u32 $0x79, v9  }
0xd1: {  	v9 =	vbroadcast v9, $0x0;
	_ =	sdelay $0x1  }
0xd2: {  	v9 =	vor.u32 v0, v9;
	_ =	sdelay $0x1  }
0xd3: {  	v11 =	vmul.f32 v11, v8  }
0xd4: {  	s6 =	sadd.s32 $0xFFFFFFFB, s28  }
0xd5: {  	[tilespmem:v10+s29+$0x0] =	vst.idx.msk $0xffff, v11;
	v10 =	vmov s6  }
0xd6: {  	v11 =	vld.idx.msk [tilespmem:v9+s29+$0x0], $0xffff;
	v10 =	vand.u32 $0x7A, v10  }
0xd7: {  	v10 =	vbroadcast v10, $0x0;
	_ =	sdelay $0x1  }
0xd8: {  	v10 =	vor.u32 v0, v10;
	_ =	sdelay $0x1  }
0xd9: {  	v11 =	vmul.f32 v11, v8  }
0xda: {  	s7 =	sadd.s32 $0xFFFFFFFC, s28  }
0xdb: {  	[tilespmem:v9+s29+$0x0] =	vst.idx.msk $0xffff, v11;
	v9 =	vmov s7  }
0xdc: {  	v11 =	vld.idx.msk [tilespmem:v10+s29+$0x0], $0xffff;
	v9 =	vand.u32 $0x7B, v9  }
0xdd: {  	v9 =	vbroadcast v9, $0x0;
	_ =	sdelay $0x1  }
0xde: {  	v9 =	vor.u32 v0, v9;
	_ =	sdelay $0x1  }
0xdf: {  	v11 =	vmul.f32 v11, v8  }
0xe0: {  	s6 =	sadd.s32 $0xFFFFFFFD, s28  }
0xe1: {  	[tilespmem:v10+s29+$0x0] =	vst.idx.msk $0xffff, v11;
	v10 =	vmov s6  }
0xe2: {  	v11 =	vld.idx.msk [tilespmem:v9+s29+$0x0], $0xffff;
	v10 =	vand.u32 $0x7C, v10  }
0xe3: {  	v10 =	vbroadcast v10, $0x0;
	_ =	sdelay $0x1  }
0xe4: {  	v10 =	vor.u32 v0, v10;
	_ =	sdelay $0x1  }
0xe5: {  	v11 =	vmul.f32 v11, v8  }
0xe6: {  	s7 =	sadd.s32 $0xFFFFFFFE, s28  }
0xe7: {  	[tilespmem:v9+s29+$0x0] =	vst.idx.msk $0xffff, v11;
	v9 =	vmov s7  }
0xe8: {  	v11 =	vld.idx.msk [tilespmem:v10+s29+$0x0], $0xffff;
	v9 =	vand.u32 $0x7D, v9  }
0xe9: {  	v9 =	vbroadcast v9, $0x0;
	_ =	sdelay $0x1  }
0xea: {  	v9 =	vor.u32 v0, v9;
	_ =	sdelay $0x1  }
0xeb: {  	v11 =	vmul.f32 v11, v8  }
0xec: {  	s6 =	sadd.s32 $0xFFFFFFFF, s28  }
0xed: {  	[tilespmem:v10+s29+$0x0] =	vst.idx.msk $0xffff, v11;
	v10 =	vmov s6  }
0xee: {  	v11 =	vld.idx.msk [tilespmem:v9+s29+$0x0], $0xffff;
	v10 =	vand.u32 $0x7E, v10  }
0xef: {  	v10 =	vbroadcast v10, $0x0;
	_ =	sdelay $0x1  }
0xf0: {  	v10 =	vor.u32 v0, v10;
	_ =	sdelay $0x1  }
0xf1: {  	v11 =	vmul.f32 v11, v8;
	_ =	sdelay $0x1  }
0xf2: {  	[tilespmem:v9+s29+$0x0] =	vst.idx.msk $0xffff, v11;
	v9 =	vmov s28  }
0xf3: {  	v11 =	vld.idx.msk [tilespmem:v10+s29+$0x0], $0xffff;
	v9 =	vand.u32 $0x7F, v9  }
0xf4: {  	v9 =	vbroadcast v9, $0x0;
	_ =	sdelay $0x1  }
0xf5: {  	v9 =	vor.u32 v0, v9;
	_ =	sdelay $0x1  }
0xf6: {  	v11 =	vmul.f32 v11, v8;
	_ =	sdelay $0x1  }
0xf7: {  	s7 =	simm.s32 $0x0;
	[tilespmem:v10+s29+$0x0] =	vst.idx.msk $0xffff, v11  }
0xf8: {  	v11 =	vmov s7;
	v10 =	vld.idx.msk [tilespmem:v9+s29+$0x0], $0xffff  }
0xf9: {  	v11 =	vand.u32 $0x78, v11  }
0xfa: {  	v11 =	vbroadcast v11, $0x0;
	_ =	sdelay $0x1  }
0xfb: {  	v11 =	vor.u32 v2, v11  }
0xfc: {  	v8 =	vmul.f32 v10, v8;
	_ =	sdelay $0x1  }
0xfd: {  	s6 =	simm.s32 $0x1;
	[tilespmem:v9+s29+$0x0] =	vst.idx.msk $0xffff, v8  }
0xfe: {  	v9 =	vmov s6;
	v8 =	vld [tilespmem:s26+$0x5010]  }
0xff: {  	v10 =	vld.idx.msk [tilespmem:v11+s29+$0x0], $0xffff;
	v9 =	vand.u32 $0x79, v9  }
0x100: {  	v9 =	vbroadcast v9, $0x0;
	_ =	sdelay $0x1  }
0x101: {  	v9 =	vor.u32 v2, v9;
	_ =	sdelay $0x1  }
0x102: {  	v10 =	vmul.f32 v10, v8  }
0x103: {  	s7 =	simm.s32 $0x2  }
0x104: {  	[tilespmem:v11+s29+$0x0] =	vst.idx.msk $0xffff, v10;
	v10 =	vmov s7  }
0x105: {  	v11 =	vld.idx.msk [tilespmem:v9+s29+$0x0], $0xffff;
	v10 =	vand.u32 $0x7A, v10  }
0x106: {  	v10 =	vbroadcast v10, $0x0;
	_ =	sdelay $0x1  }
0x107: {  	v10 =	vor.u32 v2, v10;
	_ =	sdelay $0x1  }
0x108: {  	v11 =	vmul.f32 v11, v8  }
0x109: {  	s6 =	simm.s32 $0x3  }
0x10a: {  	[tilespmem:v9+s29+$0x0] =	vst.idx.msk $0xffff, v11;
	v9 =	vmov s6  }
0x10b: {  	v11 =	vld.idx.msk [tilespmem:v10+s29+$0x0], $0xffff;
	v9 =	vand.u32 $0x7B, v9  }
0x10c: {  	v9 =	vbroadcast v9, $0x0;
	_ =	sdelay $0x1  }
0x10d: {  	v9 =	vor.u32 v2, v9;
	_ =	sdelay $0x1  }
0x10e: {  	v11 =	vmul.f32 v11, v8  }
0x10f: {  	s7 =	simm.s32 $0x4  }
0x110: {  	[tilespmem:v10+s29+$0x0] =	vst.idx.msk $0xffff, v11;
	v10 =	vmov s7  }
0x111: {  	v11 =	vld.idx.msk [tilespmem:v9+s29+$0x0], $0xffff;
	v10 =	vand.u32 $0x7C, v10  }
0x112: {  	v10 =	vbroadcast v10, $0x0;
	_ =	sdelay $0x1  }
0x113: {  	v10 =	vor.u32 v2, v10;
	_ =	sdelay $0x1  }
0x114: {  	v11 =	vmul.f32 v11, v8  }
0x115: {  	s6 =	simm.s32 $0x5  }
0x116: {  	[tilespmem:v9+s29+$0x0] =	vst.idx.msk $0xffff, v11;
	v9 =	vmov s6  }
0x117: {  	v11 =	vld.idx.msk [tilespmem:v10+s29+$0x0], $0xffff;
	v9 =	vand.u32 $0x7D, v9  }
0x118: {  	v9 =	vbroadcast v9, $0x0;
	_ =	sdelay $0x1  }
0x119: {  	v9 =	vor.u32 v2, v9;
	_ =	sdelay $0x1  }
0x11a: {  	v11 =	vmul.f32 v11, v8  }
0x11b: {  	s7 =	simm.s32 $0x6  }
0x11c: {  	[tilespmem:v10+s29+$0x0] =	vst.idx.msk $0xffff, v11;
	v10 =	vmov s7  }
0x11d: {  	v11 =	vld.idx.msk [tilespmem:v9+s29+$0x0], $0xffff;
	v10 =	vand.u32 $0x7E, v10  }
0x11e: {  	v10 =	vbroadcast v10, $0x0;
	_ =	sdelay $0x1  }
0x11f: {  	v10 =	vor.u32 v2, v10;
	_ =	sdelay $0x1  }
0x120: {  	v11 =	vmul.f32 v11, v8  }
0x121: {  	s6 =	simm.s32 $0x7  }
0x122: {  	[tilespmem:v9+s29+$0x0] =	vst.idx.msk $0xffff, v11;
	v9 =	vmov s6  }
0x123: {  	v11 =	vld.idx.msk [tilespmem:v10+s29+$0x0], $0xffff;
	v9 =	vand.u32 $0x7F, v9  }
0x124: {  	v9 =	vbroadcast v9, $0x0;
	_ =	sdelay $0x1  }
0x125: {  	v9 =	vor.u32 v2, v9;
	_ =	sdelay $0x1  }
0x126: {  	v11 =	vmul.f32 v11, v8  }
0x127: {  	s7 =	simm.s32 $0x8  }
0x128: {  	[tilespmem:v10+s29+$0x0] =	vst.idx.msk $0xffff, v11;
	v10 =	vmov s7  }
0x129: {  	v11 =	vld.idx.msk [tilespmem:v9+s29+$0x0], $0xffff;
	v10 =	vand.u32 $0x78, v10  }
0x12a: {  	v10 =	vbroadcast v10, $0x0;
	_ =	sdelay $0x1  }
0x12b: {  	v10 =	vor.u32 v2, v10;
	_ =	sdelay $0x1  }
0x12c: {  	s5 =	simm.s32 $0x17;
	s28 =	simm.s32 $0xF;
	v11 =	vmul.f32 v11, v8  }
.LBB2_7:
0x12d: {  	p3 =	sne.s32 s5, $0x7F  }
0x12e: {  	s7 =	sadd.s32 $0xFFFFFFFA, s28;
	s6 =	smov.u32 s5;
	s5 =	sadd.s32 $0x8, s5;
	[tilespmem:v9+s29+$0x0] =	vst.idx.msk $0xffff, v11  }
0x12f: {  	v11 =	vmov s7;
	v9 =	vld.idx.msk [tilespmem:v10+s29+$0x0], $0xffff  }
0x130: {  	v11 =	vand.u32 $0x79, v11  }
0x131: {  	v11 =	vbroadcast v11, $0x0;
	_ =	sdelay $0x1  }
0x132: {  	v11 =	vor.u32 v2, v11;
	_ =	sdelay $0x1  }
0x133: {  	v9 =	vmul.f32 v9, v8;
	_ =	sdelay $0x1  }
0x134: {  	s7 =	sadd.s32 $0xFFFFFFFB, s28;
	[tilespmem:v10+s29+$0x0] =	vst.idx.msk $0xffff, v9  }
0x135: {  	v10 =	vmov s7;
	v9 =	vld.idx.msk [tilespmem:v11+s29+$0x0], $0xffff  }
0x136: {  	v10 =	vand.u32 $0x7A, v10  }
0x137: {  	v10 =	vbroadcast v10, $0x0;
	_ =	sdelay $0x1  }
0x138: {  	v10 =	vor.u32 v2, v10;
	_ =	sdelay $0x1  }
0x139: {  	v9 =	vmul.f32 v9, v8;
	_ =	sdelay $0x1  }
0x13a: {  	s7 =	sadd.s32 $0xFFFFFFFC, s28;
	[tilespmem:v11+s29+$0x0] =	vst.idx.msk $0xffff, v9  }
0x13b: {  	v11 =	vmov s7;
	v9 =	vld.idx.msk [tilespmem:v10+s29+$0x0], $0xffff  }
0x13c: {  	v11 =	vand.u32 $0x7B, v11  }
0x13d: {  	v11 =	vbroadcast v11, $0x0;
	_ =	sdelay $0x1  }
0x13e: {  	v11 =	vor.u32 v2, v11;
	_ =	sdelay $0x1  }
0x13f: {  	v9 =	vmul.f32 v9, v8;
	_ =	sdelay $0x1  }
0x140: {  	s7 =	sadd.s32 $0xFFFFFFFD, s28;
	[tilespmem:v10+s29+$0x0] =	vst.idx.msk $0xffff, v9  }
0x141: {  	v10 =	vmov s7;
	v9 =	vld.idx.msk [tilespmem:v11+s29+$0x0], $0xffff  }
0x142: {  	v10 =	vand.u32 $0x7C, v10  }
0x143: {  	v10 =	vbroadcast v10, $0x0;
	_ =	sdelay $0x1  }
0x144: {  	v10 =	vor.u32 v2, v10;
	_ =	sdelay $0x1  }
0x145: {  	v9 =	vmul.f32 v9, v8;
	_ =	sdelay $0x1  }
0x146: {  	s7 =	sadd.s32 $0xFFFFFFFE, s28;
	[tilespmem:v11+s29+$0x0] =	vst.idx.msk $0xffff, v9  }
0x147: {  	v11 =	vmov s7;
	v9 =	vld.idx.msk [tilespmem:v10+s29+$0x0], $0xffff  }
0x148: {  	v11 =	vand.u32 $0x7D, v11  }
0x149: {  	v11 =	vbroadcast v11, $0x0;
	_ =	sdelay $0x1  }
0x14a: {  	v11 =	vor.u32 v2, v11;
	_ =	sdelay $0x1  }
0x14b: {  	v9 =	vmul.f32 v9, v8;
	_ =	sdelay $0x1  }
0x14c: {  	s7 =	sadd.s32 $0xFFFFFFFF, s28;
	[tilespmem:v10+s29+$0x0] =	vst.idx.msk $0xffff, v9  }
0x14d: {  	v10 =	vmov s7;
	v9 =	vld.idx.msk [tilespmem:v11+s29+$0x0], $0xffff  }
0x14e: {  	v10 =	vand.u32 $0x7E, v10  }
0x14f: {  	v10 =	vbroadcast v10, $0x0;
	_ =	sdelay $0x1  }
0x150: {  	v10 =	vor.u32 v2, v10;
	_ =	sdelay $0x1  }
0x151: {  	v9 =	vmul.f32 v9, v8;
	_ =	sdelay $0x1  }
0x152: {  	[tilespmem:v11+s29+$0x0] =	vst.idx.msk $0xffff, v9  }
0x153: {  	v9 =	vmov s28;
	s28 =	smov.u32 s6;
	v11 =	vld.idx.msk [tilespmem:v10+s29+$0x0], $0xffff  }
0x154: {  	v9 =	vand.u32 $0x7F, v9  }
0x155: {  	v9 =	vbroadcast v9, $0x0;
	_ =	sdelay $0x1  }
0x156: {  	v9 =	vor.u32 v2, v9;
	_ =	sdelay $0x1  }
0x157: {  	v11 =	vmul.f32 v11, v8;
	_ =	sdelay $0x1  }
0x158: {  	s6 =	sadd.s32 $0xFFFFFFF9, s28;
	[tilespmem:v10+s29+$0x0] =	vst.idx.msk $0xffff, v11  }
0x159: {  	v10 =	vmov s6;
	v11 =	vld.idx.msk [tilespmem:v9+s29+$0x0], $0xffff  }
0x15a: {  	v10 =	vand.u32 $0x78, v10  }
.Ltmp2:
0x15b: {  	v10 =	vbroadcast v10, $0x0;
	(pc) =	sbr.rel @p3 .LBB2_7-.Ltmp2, $3  }
0x15c: {  	_ = 	snop  }
0x15d: {  	v10 =	vor.u32 v2, v10;
	_ =	sdelay $0x1  }
0x15e: {  	v11 =	vmul.f32 v11, v8  }
0x15f: {  	_ =	sdelay $0x2  }
0x160: {  	s5 =	sadd.s32 $0xFFFFFFFA, s28  }
0x161: {  	[tilespmem:v9+s29+$0x0] =	vst.idx.msk $0xffff, v11;
	v9 =	vmov s5  }
0x162: {  	v11 =	vld.idx.msk [tilespmem:v10+s29+$0x0], $0xffff;
	v9 =	vand.u32 $0x79, v9  }
0x163: {  	v9 =	vbroadcast v9, $0x0;
	_ =	sdelay $0x1  }
0x164: {  	v9 =	vor.u32 v2, v9;
	_ =	sdelay $0x1  }
0x165: {  	v11 =	vmul.f32 v11, v8  }
0x166: {  	s6 =	sadd.s32 $0xFFFFFFFB, s28  }
0x167: {  	[tilespmem:v10+s29+$0x0] =	vst.idx.msk $0xffff, v11;
	v10 =	vmov s6  }
0x168: {  	v11 =	vld.idx.msk [tilespmem:v9+s29+$0x0], $0xffff;
	v10 =	vand.u32 $0x7A, v10  }
0x169: {  	v10 =	vbroadcast v10, $0x0;
	_ =	sdelay $0x1  }
0x16a: {  	v10 =	vor.u32 v2, v10;
	_ =	sdelay $0x1  }
0x16b: {  	v11 =	vmul.f32 v11, v8  }
0x16c: {  	s7 =	sadd.s32 $0xFFFFFFFC, s28  }
0x16d: {  	[tilespmem:v9+s29+$0x0] =	vst.idx.msk $0xffff, v11;
	v9 =	vmov s7  }
0x16e: {  	v11 =	vld.idx.msk [tilespmem:v10+s29+$0x0], $0xffff;
	v9 =	vand.u32 $0x7B, v9  }
0x16f: {  	v9 =	vbroadcast v9, $0x0;
	_ =	sdelay $0x1  }
0x170: {  	v9 =	vor.u32 v2, v9;
	_ =	sdelay $0x1  }
0x171: {  	v11 =	vmul.f32 v11, v8  }
0x172: {  	s6 =	sadd.s32 $0xFFFFFFFD, s28  }
0x173: {  	[tilespmem:v10+s29+$0x0] =	vst.idx.msk $0xffff, v11;
	v10 =	vmov s6  }
0x174: {  	v11 =	vld.idx.msk [tilespmem:v9+s29+$0x0], $0xffff;
	v10 =	vand.u32 $0x7C, v10  }
0x175: {  	v10 =	vbroadcast v10, $0x0;
	_ =	sdelay $0x1  }
0x176: {  	v10 =	vor.u32 v2, v10;
	_ =	sdelay $0x1  }
0x177: {  	v11 =	vmul.f32 v11, v8  }
0x178: {  	s7 =	sadd.s32 $0xFFFFFFFE, s28  }
0x179: {  	[tilespmem:v9+s29+$0x0] =	vst.idx.msk $0xffff, v11;
	v9 =	vmov s7  }
0x17a: {  	v11 =	vld.idx.msk [tilespmem:v10+s29+$0x0], $0xffff;
	v9 =	vand.u32 $0x7D, v9  }
0x17b: {  	v9 =	vbroadcast v9, $0x0;
	_ =	sdelay $0x1  }
0x17c: {  	v9 =	vor.u32 v2, v9;
	_ =	sdelay $0x1  }
0x17d: {  	v11 =	vmul.f32 v11, v8  }
0x17e: {  	s6 =	sadd.s32 $0xFFFFFFFF, s28  }
0x17f: {  	[tilespmem:v10+s29+$0x0] =	vst.idx.msk $0xffff, v11;
	v10 =	vmov s6  }
0x180: {  	v11 =	vld.idx.msk [tilespmem:v9+s29+$0x0], $0xffff;
	v10 =	vand.u32 $0x7E, v10  }
0x181: {  	v10 =	vbroadcast v10, $0x0;
	_ =	sdelay $0x1  }
0x182: {  	v10 =	vor.u32 v2, v10;
	_ =	sdelay $0x1  }
0x183: {  	v11 =	vmul.f32 v11, v8;
	_ =	sdelay $0x1  }
0x184: {  	[tilespmem:v9+s29+$0x0] =	vst.idx.msk $0xffff, v11;
	v9 =	vmov s28  }
0x185: {  	v11 =	vld.idx.msk [tilespmem:v10+s29+$0x0], $0xffff;
	v9 =	vand.u32 $0x7F, v9  }
0x186: {  	v9 =	vbroadcast v9, $0x0;
	_ =	sdelay $0x1  }
0x187: {  	v9 =	vor.u32 v2, v9;
	_ =	sdelay $0x1  }
0x188: {  	v11 =	vmul.f32 v11, v8;
	_ =	sdelay $0x1  }
0x189: {  	s7 =	simm.s32 $0x0;
	[tilespmem:v10+s29+$0x0] =	vst.idx.msk $0xffff, v11  }
0x18a: {  	v11 =	vmov s7;
	v10 =	vld.idx.msk [tilespmem:v9+s29+$0x0], $0xffff  }
0x18b: {  	v11 =	vand.u32 $0x78, v11  }
0x18c: {  	v11 =	vbroadcast v11, $0x0;
	_ =	sdelay $0x1  }
0x18d: {  	v11 =	vor.u32 v3, v11  }
0x18e: {  	v8 =	vmul.f32 v10, v8;
	_ =	sdelay $0x1  }
0x18f: {  	s6 =	simm.s32 $0x1;
	[tilespmem:v9+s29+$0x0] =	vst.idx.msk $0xffff, v8  }
0x190: {  	v9 =	vmov s6;
	v8 =	vld [tilespmem:s26+$0x5020]  }
0x191: {  	v10 =	vld.idx.msk [tilespmem:v11+s29+$0x0], $0xffff;
	v9 =	vand.u32 $0x79, v9  }
0x192: {  	v9 =	vbroadcast v9, $0x0;
	_ =	sdelay $0x1  }
0x193: {  	v9 =	vor.u32 v3, v9;
	_ =	sdelay $0x1  }
0x194: {  	v10 =	vmul.f32 v10, v8  }
0x195: {  	s7 =	simm.s32 $0x2  }
0x196: {  	[tilespmem:v11+s29+$0x0] =	vst.idx.msk $0xffff, v10;
	v10 =	vmov s7  }
0x197: {  	v11 =	vld.idx.msk [tilespmem:v9+s29+$0x0], $0xffff;
	v10 =	vand.u32 $0x7A, v10  }
0x198: {  	v10 =	vbroadcast v10, $0x0;
	_ =	sdelay $0x1  }
0x199: {  	v10 =	vor.u32 v3, v10;
	_ =	sdelay $0x1  }
0x19a: {  	v11 =	vmul.f32 v11, v8  }
0x19b: {  	s6 =	simm.s32 $0x3  }
0x19c: {  	[tilespmem:v9+s29+$0x0] =	vst.idx.msk $0xffff, v11;
	v9 =	vmov s6  }
0x19d: {  	v11 =	vld.idx.msk [tilespmem:v10+s29+$0x0], $0xffff;
	v9 =	vand.u32 $0x7B, v9  }
0x19e: {  	v9 =	vbroadcast v9, $0x0;
	_ =	sdelay $0x1  }
0x19f: {  	v9 =	vor.u32 v3, v9;
	_ =	sdelay $0x1  }
0x1a0: {  	v11 =	vmul.f32 v11, v8  }
0x1a1: {  	s7 =	simm.s32 $0x4  }
0x1a2: {  	[tilespmem:v10+s29+$0x0] =	vst.idx.msk $0xffff, v11;
	v10 =	vmov s7  }
0x1a3: {  	v11 =	vld.idx.msk [tilespmem:v9+s29+$0x0], $0xffff;
	v10 =	vand.u32 $0x7C, v10  }
0x1a4: {  	v10 =	vbroadcast v10, $0x0;
	_ =	sdelay $0x1  }
0x1a5: {  	v10 =	vor.u32 v3, v10;
	_ =	sdelay $0x1  }
0x1a6: {  	v11 =	vmul.f32 v11, v8  }
0x1a7: {  	s6 =	simm.s32 $0x5  }
0x1a8: {  	[tilespmem:v9+s29+$0x0] =	vst.idx.msk $0xffff, v11;
	v9 =	vmov s6  }
0x1a9: {  	v11 =	vld.idx.msk [tilespmem:v10+s29+$0x0], $0xffff;
	v9 =	vand.u32 $0x7D, v9  }
0x1aa: {  	v9 =	vbroadcast v9, $0x0;
	_ =	sdelay $0x1  }
0x1ab: {  	v9 =	vor.u32 v3, v9;
	_ =	sdelay $0x1  }
0x1ac: {  	v11 =	vmul.f32 v11, v8  }
0x1ad: {  	s7 =	simm.s32 $0x6  }
0x1ae: {  	[tilespmem:v10+s29+$0x0] =	vst.idx.msk $0xffff, v11;
	v10 =	vmov s7  }
0x1af: {  	v11 =	vld.idx.msk [tilespmem:v9+s29+$0x0], $0xffff;
	v10 =	vand.u32 $0x7E, v10  }
0x1b0: {  	v10 =	vbroadcast v10, $0x0;
	_ =	sdelay $0x1  }
0x1b1: {  	v10 =	vor.u32 v3, v10;
	_ =	sdelay $0x1  }
0x1b2: {  	v11 =	vmul.f32 v11, v8  }
0x1b3: {  	s6 =	simm.s32 $0x7  }
0x1b4: {  	[tilespmem:v9+s29+$0x0] =	vst.idx.msk $0xffff, v11;
	v9 =	vmov s6  }
0x1b5: {  	v11 =	vld.idx.msk [tilespmem:v10+s29+$0x0], $0xffff;
	v9 =	vand.u32 $0x7F, v9  }
0x1b6: {  	v9 =	vbroadcast v9, $0x0;
	_ =	sdelay $0x1  }
0x1b7: {  	v9 =	vor.u32 v3, v9;
	_ =	sdelay $0x1  }
0x1b8: {  	v11 =	vmul.f32 v11, v8  }
0x1b9: {  	s7 =	simm.s32 $0x8  }
0x1ba: {  	[tilespmem:v10+s29+$0x0] =	vst.idx.msk $0xffff, v11;
	v10 =	vmov s7  }
0x1bb: {  	v11 =	vld.idx.msk [tilespmem:v9+s29+$0x0], $0xffff;
	v10 =	vand.u32 $0x78, v10  }
0x1bc: {  	v10 =	vbroadcast v10, $0x0;
	_ =	sdelay $0x1  }
0x1bd: {  	v10 =	vor.u32 v3, v10;
	_ =	sdelay $0x1  }
0x1be: {  	s5 =	simm.s32 $0x17;
	s28 =	simm.s32 $0xF;
	v11 =	vmul.f32 v11, v8  }
.LBB2_9:
0x1bf: {  	p3 =	sne.s32 s5, $0x7F  }
0x1c0: {  	s7 =	sadd.s32 $0xFFFFFFFA, s28;
	s6 =	smov.u32 s5;
	s5 =	sadd.s32 $0x8, s5;
	[tilespmem:v9+s29+$0x0] =	vst.idx.msk $0xffff, v11  }
0x1c1: {  	v11 =	vmov s7;
	v9 =	vld.idx.msk [tilespmem:v10+s29+$0x0], $0xffff  }
0x1c2: {  	v11 =	vand.u32 $0x79, v11  }
0x1c3: {  	v11 =	vbroadcast v11, $0x0;
	_ =	sdelay $0x1  }
0x1c4: {  	v11 =	vor.u32 v3, v11;
	_ =	sdelay $0x1  }
0x1c5: {  	v9 =	vmul.f32 v9, v8;
	_ =	sdelay $0x1  }
0x1c6: {  	s7 =	sadd.s32 $0xFFFFFFFB, s28;
	[tilespmem:v10+s29+$0x0] =	vst.idx.msk $0xffff, v9  }
0x1c7: {  	v10 =	vmov s7;
	v9 =	vld.idx.msk [tilespmem:v11+s29+$0x0], $0xffff  }
0x1c8: {  	v10 =	vand.u32 $0x7A, v10  }
0x1c9: {  	v10 =	vbroadcast v10, $0x0;
	_ =	sdelay $0x1  }
0x1ca: {  	v10 =	vor.u32 v3, v10;
	_ =	sdelay $0x1  }
0x1cb: {  	v9 =	vmul.f32 v9, v8;
	_ =	sdelay $0x1  }
0x1cc: {  	s7 =	sadd.s32 $0xFFFFFFFC, s28;
	[tilespmem:v11+s29+$0x0] =	vst.idx.msk $0xffff, v9  }
0x1cd: {  	v11 =	vmov s7;
	v9 =	vld.idx.msk [tilespmem:v10+s29+$0x0], $0xffff  }
0x1ce: {  	v11 =	vand.u32 $0x7B, v11  }
0x1cf: {  	v11 =	vbroadcast v11, $0x0;
	_ =	sdelay $0x1  }
0x1d0: {  	v11 =	vor.u32 v3, v11;
	_ =	sdelay $0x1  }
0x1d1: {  	v9 =	vmul.f32 v9, v8;
	_ =	sdelay $0x1  }
0x1d2: {  	s7 =	sadd.s32 $0xFFFFFFFD, s28;
	[tilespmem:v10+s29+$0x0] =	vst.idx.msk $0xffff, v9  }
0x1d3: {  	v10 =	vmov s7;
	v9 =	vld.idx.msk [tilespmem:v11+s29+$0x0], $0xffff  }
0x1d4: {  	v10 =	vand.u32 $0x7C, v10  }
0x1d5: {  	v10 =	vbroadcast v10, $0x0;
	_ =	sdelay $0x1  }
0x1d6: {  	v10 =	vor.u32 v3, v10;
	_ =	sdelay $0x1  }
0x1d7: {  	v9 =	vmul.f32 v9, v8;
	_ =	sdelay $0x1  }
0x1d8: {  	s7 =	sadd.s32 $0xFFFFFFFE, s28;
	[tilespmem:v11+s29+$0x0] =	vst.idx.msk $0xffff, v9  }
0x1d9: {  	v11 =	vmov s7;
	v9 =	vld.idx.msk [tilespmem:v10+s29+$0x0], $0xffff  }
0x1da: {  	v11 =	vand.u32 $0x7D, v11  }
0x1db: {  	v11 =	vbroadcast v11, $0x0;
	_ =	sdelay $0x1  }
0x1dc: {  	v11 =	vor.u32 v3, v11;
	_ =	sdelay $0x1  }
0x1dd: {  	v9 =	vmul.f32 v9, v8;
	_ =	sdelay $0x1  }
0x1de: {  	s7 =	sadd.s32 $0xFFFFFFFF, s28;
	[tilespmem:v10+s29+$0x0] =	vst.idx.msk $0xffff, v9  }
0x1df: {  	v10 =	vmov s7;
	v9 =	vld.idx.msk [tilespmem:v11+s29+$0x0], $0xffff  }
0x1e0: {  	v10 =	vand.u32 $0x7E, v10  }
0x1e1: {  	v10 =	vbroadcast v10, $0x0;
	_ =	sdelay $0x1  }
0x1e2: {  	v10 =	vor.u32 v3, v10;
	_ =	sdelay $0x1  }
0x1e3: {  	v9 =	vmul.f32 v9, v8;
	_ =	sdelay $0x1  }
0x1e4: {  	[tilespmem:v11+s29+$0x0] =	vst.idx.msk $0xffff, v9  }
0x1e5: {  	v9 =	vmov s28;
	s28 =	smov.u32 s6;
	v11 =	vld.idx.msk [tilespmem:v10+s29+$0x0], $0xffff  }
0x1e6: {  	v9 =	vand.u32 $0x7F, v9  }
0x1e7: {  	v9 =	vbroadcast v9, $0x0;
	_ =	sdelay $0x1  }
0x1e8: {  	v9 =	vor.u32 v3, v9;
	_ =	sdelay $0x1  }
0x1e9: {  	v11 =	vmul.f32 v11, v8;
	_ =	sdelay $0x1  }
0x1ea: {  	s6 =	sadd.s32 $0xFFFFFFF9, s28;
	[tilespmem:v10+s29+$0x0] =	vst.idx.msk $0xffff, v11  }
0x1eb: {  	v10 =	vmov s6;
	v11 =	vld.idx.msk [tilespmem:v9+s29+$0x0], $0xffff  }
0x1ec: {  	v10 =	vand.u32 $0x78, v10  }
.Ltmp3:
0x1ed: {  	v10 =	vbroadcast v10, $0x0;
	(pc) =	sbr.rel @p3 .LBB2_9-.Ltmp3, $3  }
0x1ee: {  	_ = 	snop  }
0x1ef: {  	v10 =	vor.u32 v3, v10;
	_ =	sdelay $0x1  }
0x1f0: {  	v11 =	vmul.f32 v11, v8  }
0x1f1: {  	_ =	sdelay $0x2  }
0x1f2: {  	s5 =	sadd.s32 $0xFFFFFFFA, s28  }
0x1f3: {  	[tilespmem:v9+s29+$0x0] =	vst.idx.msk $0xffff, v11;
	v9 =	vmov s5  }
0x1f4: {  	v11 =	vld.idx.msk [tilespmem:v10+s29+$0x0], $0xffff;
	v9 =	vand.u32 $0x79, v9  }
0x1f5: {  	v9 =	vbroadcast v9, $0x0;
	_ =	sdelay $0x1  }
0x1f6: {  	v9 =	vor.u32 v3, v9;
	_ =	sdelay $0x1  }
0x1f7: {  	v11 =	vmul.f32 v11, v8  }
0x1f8: {  	s6 =	sadd.s32 $0xFFFFFFFB, s28  }
0x1f9: {  	[tilespmem:v10+s29+$0x0] =	vst.idx.msk $0xffff, v11;
	v10 =	vmov s6  }
0x1fa: {  	v11 =	vld.idx.msk [tilespmem:v9+s29+$0x0], $0xffff;
	v10 =	vand.u32 $0x7A, v10  }
0x1fb: {  	v10 =	vbroadcast v10, $0x0;
	_ =	sdelay $0x1  }
0x1fc: {  	v10 =	vor.u32 v3, v10;
	_ =	sdelay $0x1  }
0x1fd: {  	v11 =	vmul.f32 v11, v8  }
0x1fe: {  	s7 =	sadd.s32 $0xFFFFFFFC, s28  }
0x1ff: {  	[tilespmem:v9+s29+$0x0] =	vst.idx.msk $0xffff, v11;
	v9 =	vmov s7  }
0x200: {  	v11 =	vld.idx.msk [tilespmem:v10+s29+$0x0], $0xffff;
	v9 =	vand.u32 $0x7B, v9  }
0x201: {  	v9 =	vbroadcast v9, $0x0;
	_ =	sdelay $0x1  }
0x202: {  	v9 =	vor.u32 v3, v9;
	_ =	sdelay $0x1  }
0x203: {  	v11 =	vmul.f32 v11, v8  }
0x204: {  	s6 =	sadd.s32 $0xFFFFFFFD, s28  }
0x205: {  	[tilespmem:v10+s29+$0x0] =	vst.idx.msk $0xffff, v11;
	v10 =	vmov s6  }
0x206: {  	v11 =	vld.idx.msk [tilespmem:v9+s29+$0x0], $0xffff;
	v10 =	vand.u32 $0x7C, v10  }
0x207: {  	v10 =	vbroadcast v10, $0x0;
	_ =	sdelay $0x1  }
0x208: {  	v10 =	vor.u32 v3, v10;
	_ =	sdelay $0x1  }
0x209: {  	v11 =	vmul.f32 v11, v8  }
0x20a: {  	s7 =	sadd.s32 $0xFFFFFFFE, s28  }
0x20b: {  	[tilespmem:v9+s29+$0x0] =	vst.idx.msk $0xffff, v11;
	v9 =	vmov s7  }
0x20c: {  	v11 =	vld.idx.msk [tilespmem:v10+s29+$0x0], $0xffff;
	v9 =	vand.u32 $0x7D, v9  }
0x20d: {  	v9 =	vbroadcast v9, $0x0;
	_ =	sdelay $0x1  }
0x20e: {  	v9 =	vor.u32 v3, v9;
	_ =	sdelay $0x1  }
0x20f: {  	v11 =	vmul.f32 v11, v8  }
0x210: {  	s6 =	sadd.s32 $0xFFFFFFFF, s28  }
0x211: {  	[tilespmem:v10+s29+$0x0] =	vst.idx.msk $0xffff, v11;
	v10 =	vmov s6  }
0x212: {  	v11 =	vld.idx.msk [tilespmem:v9+s29+$0x0], $0xffff;
	v10 =	vand.u32 $0x7E, v10  }
0x213: {  	v10 =	vbroadcast v10, $0x0;
	_ =	sdelay $0x1  }
0x214: {  	v10 =	vor.u32 v3, v10;
	_ =	sdelay $0x1  }
0x215: {  	v11 =	vmul.f32 v11, v8;
	_ =	sdelay $0x1  }
0x216: {  	[tilespmem:v9+s29+$0x0] =	vst.idx.msk $0xffff, v11;
	v9 =	vmov s28  }
0x217: {  	v11 =	vld.idx.msk [tilespmem:v10+s29+$0x0], $0xffff;
	v9 =	vand.u32 $0x7F, v9  }
0x218: {  	v9 =	vbroadcast v9, $0x0;
	_ =	sdelay $0x1  }
0x219: {  	v9 =	vor.u32 v3, v9;
	_ =	sdelay $0x1  }
0x21a: {  	v11 =	vmul.f32 v11, v8;
	_ =	sdelay $0x1  }
0x21b: {  	s7 =	simm.s32 $0x0;
	[tilespmem:v10+s29+$0x0] =	vst.idx.msk $0xffff, v11  }
0x21c: {  	v11 =	vmov s7;
	v10 =	vld.idx.msk [tilespmem:v9+s29+$0x0], $0xffff  }
0x21d: {  	v11 =	vand.u32 $0x78, v11  }
0x21e: {  	v11 =	vbroadcast v11, $0x0;
	_ =	sdelay $0x1  }
0x21f: {  	v11 =	vor.u32 v4, v11  }
0x220: {  	v8 =	vmul.f32 v10, v8;
	_ =	sdelay $0x1  }
0x221: {  	s6 =	simm.s32 $0x1;
	[tilespmem:v9+s29+$0x0] =	vst.idx.msk $0xffff, v8  }
0x222: {  	v9 =	vmov s6;
	v8 =	vld [tilespmem:s26+$0x5030]  }
0x223: {  	v10 =	vld.idx.msk [tilespmem:v11+s29+$0x0], $0xffff;
	v9 =	vand.u32 $0x79, v9  }
0x224: {  	v9 =	vbroadcast v9, $0x0;
	_ =	sdelay $0x1  }
0x225: {  	v9 =	vor.u32 v4, v9;
	_ =	sdelay $0x1  }
0x226: {  	v10 =	vmul.f32 v10, v8  }
0x227: {  	s7 =	simm.s32 $0x2  }
0x228: {  	[tilespmem:v11+s29+$0x0] =	vst.idx.msk $0xffff, v10;
	v10 =	vmov s7  }
0x229: {  	v11 =	vld.idx.msk [tilespmem:v9+s29+$0x0], $0xffff;
	v10 =	vand.u32 $0x7A, v10  }
0x22a: {  	v10 =	vbroadcast v10, $0x0;
	_ =	sdelay $0x1  }
0x22b: {  	v10 =	vor.u32 v4, v10;
	_ =	sdelay $0x1  }
0x22c: {  	v11 =	vmul.f32 v11, v8  }
0x22d: {  	s6 =	simm.s32 $0x3  }
0x22e: {  	[tilespmem:v9+s29+$0x0] =	vst.idx.msk $0xffff, v11;
	v9 =	vmov s6  }
0x22f: {  	v11 =	vld.idx.msk [tilespmem:v10+s29+$0x0], $0xffff;
	v9 =	vand.u32 $0x7B, v9  }
0x230: {  	v9 =	vbroadcast v9, $0x0;
	_ =	sdelay $0x1  }
0x231: {  	v9 =	vor.u32 v4, v9;
	_ =	sdelay $0x1  }
0x232: {  	v11 =	vmul.f32 v11, v8  }
0x233: {  	s7 =	simm.s32 $0x4  }
0x234: {  	[tilespmem:v10+s29+$0x0] =	vst.idx.msk $0xffff, v11;
	v10 =	vmov s7  }
0x235: {  	v11 =	vld.idx.msk [tilespmem:v9+s29+$0x0], $0xffff;
	v10 =	vand.u32 $0x7C, v10  }
0x236: {  	v10 =	vbroadcast v10, $0x0;
	_ =	sdelay $0x1  }
0x237: {  	v10 =	vor.u32 v4, v10;
	_ =	sdelay $0x1  }
0x238: {  	v11 =	vmul.f32 v11, v8  }
0x239: {  	s6 =	simm.s32 $0x5  }
0x23a: {  	[tilespmem:v9+s29+$0x0] =	vst.idx.msk $0xffff, v11;
	v9 =	vmov s6  }
0x23b: {  	v11 =	vld.idx.msk [tilespmem:v10+s29+$0x0], $0xffff;
	v9 =	vand.u32 $0x7D, v9  }
0x23c: {  	v9 =	vbroadcast v9, $0x0;
	_ =	sdelay $0x1  }
0x23d: {  	v9 =	vor.u32 v4, v9;
	_ =	sdelay $0x1  }
0x23e: {  	v11 =	vmul.f32 v11, v8  }
0x23f: {  	s7 =	simm.s32 $0x6  }
0x240: {  	[tilespmem:v10+s29+$0x0] =	vst.idx.msk $0xffff, v11;
	v10 =	vmov s7  }
0x241: {  	v11 =	vld.idx.msk [tilespmem:v9+s29+$0x0], $0xffff;
	v10 =	vand.u32 $0x7E, v10  }
0x242: {  	v10 =	vbroadcast v10, $0x0;
	_ =	sdelay $0x1  }
0x243: {  	v10 =	vor.u32 v4, v10;
	_ =	sdelay $0x1  }
0x244: {  	v11 =	vmul.f32 v11, v8  }
0x245: {  	s6 =	simm.s32 $0x7  }
0x246: {  	[tilespmem:v9+s29+$0x0] =	vst.idx.msk $0xffff, v11;
	v9 =	vmov s6  }
0x247: {  	v11 =	vld.idx.msk [tilespmem:v10+s29+$0x0], $0xffff;
	v9 =	vand.u32 $0x7F, v9  }
0x248: {  	v9 =	vbroadcast v9, $0x0;
	_ =	sdelay $0x1  }
0x249: {  	v9 =	vor.u32 v4, v9;
	_ =	sdelay $0x1  }
0x24a: {  	v11 =	vmul.f32 v11, v8  }
0x24b: {  	s7 =	simm.s32 $0x8  }
0x24c: {  	[tilespmem:v10+s29+$0x0] =	vst.idx.msk $0xffff, v11;
	v10 =	vmov s7  }
0x24d: {  	v11 =	vld.idx.msk [tilespmem:v9+s29+$0x0], $0xffff;
	v10 =	vand.u32 $0x78, v10  }
0x24e: {  	v10 =	vbroadcast v10, $0x0;
	_ =	sdelay $0x1  }
0x24f: {  	v10 =	vor.u32 v4, v10;
	_ =	sdelay $0x1  }
0x250: {  	s5 =	simm.s32 $0x17;
	s28 =	simm.s32 $0xF;
	v11 =	vmul.f32 v11, v8  }
.LBB2_11:
0x251: {  	p3 =	sne.s32 s5, $0x7F  }
0x252: {  	s7 =	sadd.s32 $0xFFFFFFFA, s28;
	s6 =	smov.u32 s5;
	s5 =	sadd.s32 $0x8, s5;
	[tilespmem:v9+s29+$0x0] =	vst.idx.msk $0xffff, v11  }
0x253: {  	v11 =	vmov s7;
	v9 =	vld.idx.msk [tilespmem:v10+s29+$0x0], $0xffff  }
0x254: {  	v11 =	vand.u32 $0x79, v11  }
0x255: {  	v11 =	vbroadcast v11, $0x0;
	_ =	sdelay $0x1  }
0x256: {  	v11 =	vor.u32 v4, v11;
	_ =	sdelay $0x1  }
0x257: {  	v9 =	vmul.f32 v9, v8;
	_ =	sdelay $0x1  }
0x258: {  	s7 =	sadd.s32 $0xFFFFFFFB, s28;
	[tilespmem:v10+s29+$0x0] =	vst.idx.msk $0xffff, v9  }
0x259: {  	v10 =	vmov s7;
	v9 =	vld.idx.msk [tilespmem:v11+s29+$0x0], $0xffff  }
0x25a: {  	v10 =	vand.u32 $0x7A, v10  }
0x25b: {  	v10 =	vbroadcast v10, $0x0;
	_ =	sdelay $0x1  }
0x25c: {  	v10 =	vor.u32 v4, v10;
	_ =	sdelay $0x1  }
0x25d: {  	v9 =	vmul.f32 v9, v8;
	_ =	sdelay $0x1  }
0x25e: {  	s7 =	sadd.s32 $0xFFFFFFFC, s28;
	[tilespmem:v11+s29+$0x0] =	vst.idx.msk $0xffff, v9  }
0x25f: {  	v11 =	vmov s7;
	v9 =	vld.idx.msk [tilespmem:v10+s29+$0x0], $0xffff  }
0x260: {  	v11 =	vand.u32 $0x7B, v11  }
0x261: {  	v11 =	vbroadcast v11, $0x0;
	_ =	sdelay $0x1  }
0x262: {  	v11 =	vor.u32 v4, v11;
	_ =	sdelay $0x1  }
0x263: {  	v9 =	vmul.f32 v9, v8;
	_ =	sdelay $0x1  }
0x264: {  	s7 =	sadd.s32 $0xFFFFFFFD, s28;
	[tilespmem:v10+s29+$0x0] =	vst.idx.msk $0xffff, v9  }
0x265: {  	v10 =	vmov s7;
	v9 =	vld.idx.msk [tilespmem:v11+s29+$0x0], $0xffff  }
0x266: {  	v10 =	vand.u32 $0x7C, v10  }
0x267: {  	v10 =	vbroadcast v10, $0x0;
	_ =	sdelay $0x1  }
0x268: {  	v10 =	vor.u32 v4, v10;
	_ =	sdelay $0x1  }
0x269: {  	v9 =	vmul.f32 v9, v8;
	_ =	sdelay $0x1  }
0x26a: {  	s7 =	sadd.s32 $0xFFFFFFFE, s28;
	[tilespmem:v11+s29+$0x0] =	vst.idx.msk $0xffff, v9  }
0x26b: {  	v11 =	vmov s7;
	v9 =	vld.idx.msk [tilespmem:v10+s29+$0x0], $0xffff  }
0x26c: {  	v11 =	vand.u32 $0x7D, v11  }
0x26d: {  	v11 =	vbroadcast v11, $0x0;
	_ =	sdelay $0x1  }
0x26e: {  	v11 =	vor.u32 v4, v11;
	_ =	sdelay $0x1  }
0x26f: {  	v9 =	vmul.f32 v9, v8;
	_ =	sdelay $0x1  }
0x270: {  	s7 =	sadd.s32 $0xFFFFFFFF, s28;
	[tilespmem:v10+s29+$0x0] =	vst.idx.msk $0xffff, v9  }
0x271: {  	v10 =	vmov s7;
	v9 =	vld.idx.msk [tilespmem:v11+s29+$0x0], $0xffff  }
0x272: {  	v10 =	vand.u32 $0x7E, v10  }
0x273: {  	v10 =	vbroadcast v10, $0x0;
	_ =	sdelay $0x1  }
0x274: {  	v10 =	vor.u32 v4, v10;
	_ =	sdelay $0x1  }
0x275: {  	v9 =	vmul.f32 v9, v8;
	_ =	sdelay $0x1  }
0x276: {  	[tilespmem:v11+s29+$0x0] =	vst.idx.msk $0xffff, v9  }
0x277: {  	v9 =	vmov s28;
	s28 =	smov.u32 s6;
	v11 =	vld.idx.msk [tilespmem:v10+s29+$0x0], $0xffff  }
0x278: {  	v9 =	vand.u32 $0x7F, v9  }
0x279: {  	v9 =	vbroadcast v9, $0x0;
	_ =	sdelay $0x1  }
0x27a: {  	v9 =	vor.u32 v4, v9;
	_ =	sdelay $0x1  }
0x27b: {  	v11 =	vmul.f32 v11, v8;
	_ =	sdelay $0x1  }
0x27c: {  	s6 =	sadd.s32 $0xFFFFFFF9, s28;
	[tilespmem:v10+s29+$0x0] =	vst.idx.msk $0xffff, v11  }
0x27d: {  	v10 =	vmov s6;
	v11 =	vld.idx.msk [tilespmem:v9+s29+$0x0], $0xffff  }
0x27e: {  	v10 =	vand.u32 $0x78, v10  }
.Ltmp4:
0x27f: {  	v10 =	vbroadcast v10, $0x0;
	(pc) =	sbr.rel @p3 .LBB2_11-.Ltmp4, $3  }
0x280: {  	_ = 	snop  }
0x281: {  	v10 =	vor.u32 v4, v10;
	_ =	sdelay $0x1  }
0x282: {  	v11 =	vmul.f32 v11, v8  }
0x283: {  	_ =	sdelay $0x2  }
0x284: {  	s5 =	sadd.s32 $0xFFFFFFFA, s28  }
0x285: {  	[tilespmem:v9+s29+$0x0] =	vst.idx.msk $0xffff, v11;
	v9 =	vmov s5  }
0x286: {  	v11 =	vld.idx.msk [tilespmem:v10+s29+$0x0], $0xffff;
	v9 =	vand.u32 $0x79, v9  }
0x287: {  	v9 =	vbroadcast v9, $0x0;
	_ =	sdelay $0x1  }
0x288: {  	v9 =	vor.u32 v4, v9;
	_ =	sdelay $0x1  }
0x289: {  	v11 =	vmul.f32 v11, v8  }
0x28a: {  	s6 =	sadd.s32 $0xFFFFFFFB, s28  }
0x28b: {  	[tilespmem:v10+s29+$0x0] =	vst.idx.msk $0xffff, v11;
	v10 =	vmov s6  }
0x28c: {  	v11 =	vld.idx.msk [tilespmem:v9+s29+$0x0], $0xffff;
	v10 =	vand.u32 $0x7A, v10  }
0x28d: {  	v10 =	vbroadcast v10, $0x0;
	_ =	sdelay $0x1  }
0x28e: {  	v10 =	vor.u32 v4, v10;
	_ =	sdelay $0x1  }
0x28f: {  	v11 =	vmul.f32 v11, v8  }
0x290: {  	s7 =	sadd.s32 $0xFFFFFFFC, s28  }
0x291: {  	[tilespmem:v9+s29+$0x0] =	vst.idx.msk $0xffff, v11;
	v9 =	vmov s7  }
0x292: {  	v11 =	vld.idx.msk [tilespmem:v10+s29+$0x0], $0xffff;
	v9 =	vand.u32 $0x7B, v9  }
0x293: {  	v9 =	vbroadcast v9, $0x0;
	_ =	sdelay $0x1  }
0x294: {  	v9 =	vor.u32 v4, v9;
	_ =	sdelay $0x1  }
0x295: {  	v11 =	vmul.f32 v11, v8  }
0x296: {  	s6 =	sadd.s32 $0xFFFFFFFD, s28  }
0x297: {  	[tilespmem:v10+s29+$0x0] =	vst.idx.msk $0xffff, v11;
	v10 =	vmov s6  }
0x298: {  	v11 =	vld.idx.msk [tilespmem:v9+s29+$0x0], $0xffff;
	v10 =	vand.u32 $0x7C, v10  }
0x299: {  	v10 =	vbroadcast v10, $0x0;
	_ =	sdelay $0x1  }
0x29a: {  	v10 =	vor.u32 v4, v10;
	_ =	sdelay $0x1  }
0x29b: {  	v11 =	vmul.f32 v11, v8  }
0x29c: {  	s7 =	sadd.s32 $0xFFFFFFFE, s28  }
0x29d: {  	[tilespmem:v9+s29+$0x0] =	vst.idx.msk $0xffff, v11;
	v9 =	vmov s7  }
0x29e: {  	v11 =	vld.idx.msk [tilespmem:v10+s29+$0x0], $0xffff;
	v9 =	vand.u32 $0x7D, v9  }
0x29f: {  	v9 =	vbroadcast v9, $0x0;
	_ =	sdelay $0x1  }
0x2a0: {  	v9 =	vor.u32 v4, v9;
	_ =	sdelay $0x1  }
0x2a1: {  	v11 =	vmul.f32 v11, v8  }
0x2a2: {  	s6 =	sadd.s32 $0xFFFFFFFF, s28  }
0x2a3: {  	[tilespmem:v10+s29+$0x0] =	vst.idx.msk $0xffff, v11;
	v10 =	vmov s6  }
0x2a4: {  	v11 =	vld.idx.msk [tilespmem:v9+s29+$0x0], $0xffff;
	v10 =	vand.u32 $0x7E, v10  }
0x2a5: {  	v10 =	vbroadcast v10, $0x0;
	_ =	sdelay $0x1  }
0x2a6: {  	v10 =	vor.u32 v4, v10;
	_ =	sdelay $0x1  }
0x2a7: {  	v11 =	vmul.f32 v11, v8;
	_ =	sdelay $0x1  }
0x2a8: {  	[tilespmem:v9+s29+$0x0] =	vst.idx.msk $0xffff, v11;
	v9 =	vmov s28  }
0x2a9: {  	v11 =	vld.idx.msk [tilespmem:v10+s29+$0x0], $0xffff;
	v9 =	vand.u32 $0x7F, v9  }
0x2aa: {  	v9 =	vbroadcast v9, $0x0;
	_ =	sdelay $0x1  }
0x2ab: {  	v9 =	vor.u32 v4, v9;
	_ =	sdelay $0x1  }
0x2ac: {  	v11 =	vmul.f32 v11, v8;
	_ =	sdelay $0x1  }
0x2ad: {  	s7 =	simm.s32 $0x0;
	[tilespmem:v10+s29+$0x0] =	vst.idx.msk $0xffff, v11  }
0x2ae: {  	v11 =	vmov s7;
	v10 =	vld.idx.msk [tilespmem:v9+s29+$0x0], $0xffff  }
0x2af: {  	v11 =	vand.u32 $0x78, v11  }
0x2b0: {  	v11 =	vbroadcast v11, $0x0;
	_ =	sdelay $0x1  }
0x2b1: {  	v11 =	vor.u32 v5, v11  }
0x2b2: {  	v8 =	vmul.f32 v10, v8;
	_ =	sdelay $0x1  }
0x2b3: {  	s6 =	simm.s32 $0x1;
	[tilespmem:v9+s29+$0x0] =	vst.idx.msk $0xffff, v8  }
0x2b4: {  	v9 =	vmov s6;
	v8 =	vld [tilespmem:s26+$0x5040]  }
0x2b5: {  	v10 =	vld.idx.msk [tilespmem:v11+s29+$0x0], $0xffff;
	v9 =	vand.u32 $0x79, v9  }
0x2b6: {  	v9 =	vbroadcast v9, $0x0;
	_ =	sdelay $0x1  }
0x2b7: {  	v9 =	vor.u32 v5, v9;
	_ =	sdelay $0x1  }
0x2b8: {  	v10 =	vmul.f32 v10, v8  }
0x2b9: {  	s7 =	simm.s32 $0x2  }
0x2ba: {  	[tilespmem:v11+s29+$0x0] =	vst.idx.msk $0xffff, v10;
	v10 =	vmov s7  }
0x2bb: {  	v11 =	vld.idx.msk [tilespmem:v9+s29+$0x0], $0xffff;
	v10 =	vand.u32 $0x7A, v10  }
0x2bc: {  	v10 =	vbroadcast v10, $0x0;
	_ =	sdelay $0x1  }
0x2bd: {  	v10 =	vor.u32 v5, v10;
	_ =	sdelay $0x1  }
0x2be: {  	v11 =	vmul.f32 v11, v8  }
0x2bf: {  	s6 =	simm.s32 $0x3  }
0x2c0: {  	[tilespmem:v9+s29+$0x0] =	vst.idx.msk $0xffff, v11;
	v9 =	vmov s6  }
0x2c1: {  	v11 =	vld.idx.msk [tilespmem:v10+s29+$0x0], $0xffff;
	v9 =	vand.u32 $0x7B, v9  }
0x2c2: {  	v9 =	vbroadcast v9, $0x0;
	_ =	sdelay $0x1  }
0x2c3: {  	v9 =	vor.u32 v5, v9;
	_ =	sdelay $0x1  }
0x2c4: {  	v11 =	vmul.f32 v11, v8  }
0x2c5: {  	s7 =	simm.s32 $0x4  }
0x2c6: {  	[tilespmem:v10+s29+$0x0] =	vst.idx.msk $0xffff, v11;
	v10 =	vmov s7  }
0x2c7: {  	v11 =	vld.idx.msk [tilespmem:v9+s29+$0x0], $0xffff;
	v10 =	vand.u32 $0x7C, v10  }
0x2c8: {  	v10 =	vbroadcast v10, $0x0;
	_ =	sdelay $0x1  }
0x2c9: {  	v10 =	vor.u32 v5, v10;
	_ =	sdelay $0x1  }
0x2ca: {  	v11 =	vmul.f32 v11, v8  }
0x2cb: {  	s6 =	simm.s32 $0x5  }
0x2cc: {  	[tilespmem:v9+s29+$0x0] =	vst.idx.msk $0xffff, v11;
	v9 =	vmov s6  }
0x2cd: {  	v11 =	vld.idx.msk [tilespmem:v10+s29+$0x0], $0xffff;
	v9 =	vand.u32 $0x7D, v9  }
0x2ce: {  	v9 =	vbroadcast v9, $0x0;
	_ =	sdelay $0x1  }
0x2cf: {  	v9 =	vor.u32 v5, v9;
	_ =	sdelay $0x1  }
0x2d0: {  	v11 =	vmul.f32 v11, v8  }
0x2d1: {  	s7 =	simm.s32 $0x6  }
0x2d2: {  	[tilespmem:v10+s29+$0x0] =	vst.idx.msk $0xffff, v11;
	v10 =	vmov s7  }
0x2d3: {  	v11 =	vld.idx.msk [tilespmem:v9+s29+$0x0], $0xffff;
	v10 =	vand.u32 $0x7E, v10  }
0x2d4: {  	v10 =	vbroadcast v10, $0x0;
	_ =	sdelay $0x1  }
0x2d5: {  	v10 =	vor.u32 v5, v10;
	_ =	sdelay $0x1  }
0x2d6: {  	v11 =	vmul.f32 v11, v8  }
0x2d7: {  	s6 =	simm.s32 $0x7  }
0x2d8: {  	[tilespmem:v9+s29+$0x0] =	vst.idx.msk $0xffff, v11;
	v9 =	vmov s6  }
0x2d9: {  	v11 =	vld.idx.msk [tilespmem:v10+s29+$0x0], $0xffff;
	v9 =	vand.u32 $0x7F, v9  }
0x2da: {  	v9 =	vbroadcast v9, $0x0;
	_ =	sdelay $0x1  }
0x2db: {  	v9 =	vor.u32 v5, v9;
	_ =	sdelay $0x1  }
0x2dc: {  	v11 =	vmul.f32 v11, v8  }
0x2dd: {  	s7 =	simm.s32 $0x8  }
0x2de: {  	[tilespmem:v10+s29+$0x0] =	vst.idx.msk $0xffff, v11;
	v10 =	vmov s7  }
0x2df: {  	v11 =	vld.idx.msk [tilespmem:v9+s29+$0x0], $0xffff;
	v10 =	vand.u32 $0x78, v10  }
0x2e0: {  	v10 =	vbroadcast v10, $0x0;
	_ =	sdelay $0x1  }
0x2e1: {  	v10 =	vor.u32 v5, v10;
	_ =	sdelay $0x1  }
0x2e2: {  	s5 =	simm.s32 $0x17;
	s28 =	simm.s32 $0xF;
	v11 =	vmul.f32 v11, v8  }
.LBB2_13:
0x2e3: {  	p3 =	sne.s32 s5, $0x7F  }
0x2e4: {  	s7 =	sadd.s32 $0xFFFFFFFA, s28;
	s6 =	smov.u32 s5;
	s5 =	sadd.s32 $0x8, s5;
	[tilespmem:v9+s29+$0x0] =	vst.idx.msk $0xffff, v11  }
0x2e5: {  	v11 =	vmov s7;
	v9 =	vld.idx.msk [tilespmem:v10+s29+$0x0], $0xffff  }
0x2e6: {  	v11 =	vand.u32 $0x79, v11  }
0x2e7: {  	v11 =	vbroadcast v11, $0x0;
	_ =	sdelay $0x1  }
0x2e8: {  	v11 =	vor.u32 v5, v11;
	_ =	sdelay $0x1  }
0x2e9: {  	v9 =	vmul.f32 v9, v8;
	_ =	sdelay $0x1  }
0x2ea: {  	s7 =	sadd.s32 $0xFFFFFFFB, s28;
	[tilespmem:v10+s29+$0x0] =	vst.idx.msk $0xffff, v9  }
0x2eb: {  	v10 =	vmov s7;
	v9 =	vld.idx.msk [tilespmem:v11+s29+$0x0], $0xffff  }
0x2ec: {  	v10 =	vand.u32 $0x7A, v10  }
0x2ed: {  	v10 =	vbroadcast v10, $0x0;
	_ =	sdelay $0x1  }
0x2ee: {  	v10 =	vor.u32 v5, v10;
	_ =	sdelay $0x1  }
0x2ef: {  	v9 =	vmul.f32 v9, v8;
	_ =	sdelay $0x1  }
0x2f0: {  	s7 =	sadd.s32 $0xFFFFFFFC, s28;
	[tilespmem:v11+s29+$0x0] =	vst.idx.msk $0xffff, v9  }
0x2f1: {  	v11 =	vmov s7;
	v9 =	vld.idx.msk [tilespmem:v10+s29+$0x0], $0xffff  }
0x2f2: {  	v11 =	vand.u32 $0x7B, v11  }
0x2f3: {  	v11 =	vbroadcast v11, $0x0;
	_ =	sdelay $0x1  }
0x2f4: {  	v11 =	vor.u32 v5, v11;
	_ =	sdelay $0x1  }
0x2f5: {  	v9 =	vmul.f32 v9, v8;
	_ =	sdelay $0x1  }
0x2f6: {  	s7 =	sadd.s32 $0xFFFFFFFD, s28;
	[tilespmem:v10+s29+$0x0] =	vst.idx.msk $0xffff, v9  }
0x2f7: {  	v10 =	vmov s7;
	v9 =	vld.idx.msk [tilespmem:v11+s29+$0x0], $0xffff  }
0x2f8: {  	v10 =	vand.u32 $0x7C, v10  }
0x2f9: {  	v10 =	vbroadcast v10, $0x0;
	_ =	sdelay $0x1  }
0x2fa: {  	v10 =	vor.u32 v5, v10;
	_ =	sdelay $0x1  }
0x2fb: {  	v9 =	vmul.f32 v9, v8;
	_ =	sdelay $0x1  }
0x2fc: {  	s7 =	sadd.s32 $0xFFFFFFFE, s28;
	[tilespmem:v11+s29+$0x0] =	vst.idx.msk $0xffff, v9  }
0x2fd: {  	v11 =	vmov s7;
	v9 =	vld.idx.msk [tilespmem:v10+s29+$0x0], $0xffff  }
0x2fe: {  	v11 =	vand.u32 $0x7D, v11  }
0x2ff: {  	v11 =	vbroadcast v11, $0x0;
	_ =	sdelay $0x1  }
0x300: {  	v11 =	vor.u32 v5, v11;
	_ =	sdelay $0x1  }
0x301: {  	v9 =	vmul.f32 v9, v8;
	_ =	sdelay $0x1  }
0x302: {  	s7 =	sadd.s32 $0xFFFFFFFF, s28;
	[tilespmem:v10+s29+$0x0] =	vst.idx.msk $0xffff, v9  }
0x303: {  	v10 =	vmov s7;
	v9 =	vld.idx.msk [tilespmem:v11+s29+$0x0], $0xffff  }
0x304: {  	v10 =	vand.u32 $0x7E, v10  }
0x305: {  	v10 =	vbroadcast v10, $0x0;
	_ =	sdelay $0x1  }
0x306: {  	v10 =	vor.u32 v5, v10;
	_ =	sdelay $0x1  }
0x307: {  	v9 =	vmul.f32 v9, v8;
	_ =	sdelay $0x1  }
0x308: {  	[tilespmem:v11+s29+$0x0] =	vst.idx.msk $0xffff, v9  }
0x309: {  	v9 =	vmov s28;
	s28 =	smov.u32 s6;
	v11 =	vld.idx.msk [tilespmem:v10+s29+$0x0], $0xffff  }
0x30a: {  	v9 =	vand.u32 $0x7F, v9  }
0x30b: {  	v9 =	vbroadcast v9, $0x0;
	_ =	sdelay $0x1  }
0x30c: {  	v9 =	vor.u32 v5, v9;
	_ =	sdelay $0x1  }
0x30d: {  	v11 =	vmul.f32 v11, v8;
	_ =	sdelay $0x1  }
0x30e: {  	s6 =	sadd.s32 $0xFFFFFFF9, s28;
	[tilespmem:v10+s29+$0x0] =	vst.idx.msk $0xffff, v11  }
0x30f: {  	v10 =	vmov s6;
	v11 =	vld.idx.msk [tilespmem:v9+s29+$0x0], $0xffff  }
0x310: {  	v10 =	vand.u32 $0x78, v10  }
.Ltmp5:
0x311: {  	v10 =	vbroadcast v10, $0x0;
	(pc) =	sbr.rel @p3 .LBB2_13-.Ltmp5, $3  }
0x312: {  	_ = 	snop  }
0x313: {  	v10 =	vor.u32 v5, v10;
	_ =	sdelay $0x1  }
0x314: {  	v11 =	vmul.f32 v11, v8  }
0x315: {  	_ =	sdelay $0x2  }
0x316: {  	s5 =	sadd.s32 $0xFFFFFFFA, s28  }
0x317: {  	[tilespmem:v9+s29+$0x0] =	vst.idx.msk $0xffff, v11;
	v9 =	vmov s5  }
0x318: {  	v11 =	vld.idx.msk [tilespmem:v10+s29+$0x0], $0xffff;
	v9 =	vand.u32 $0x79, v9  }
0x319: {  	v9 =	vbroadcast v9, $0x0;
	_ =	sdelay $0x1  }
0x31a: {  	v9 =	vor.u32 v5, v9;
	_ =	sdelay $0x1  }
0x31b: {  	v11 =	vmul.f32 v11, v8  }
0x31c: {  	s6 =	sadd.s32 $0xFFFFFFFB, s28  }
0x31d: {  	[tilespmem:v10+s29+$0x0] =	vst.idx.msk $0xffff, v11;
	v10 =	vmov s6  }
0x31e: {  	v11 =	vld.idx.msk [tilespmem:v9+s29+$0x0], $0xffff;
	v10 =	vand.u32 $0x7A, v10  }
0x31f: {  	v10 =	vbroadcast v10, $0x0;
	_ =	sdelay $0x1  }
0x320: {  	v10 =	vor.u32 v5, v10;
	_ =	sdelay $0x1  }
0x321: {  	v11 =	vmul.f32 v11, v8  }
0x322: {  	s7 =	sadd.s32 $0xFFFFFFFC, s28  }
0x323: {  	[tilespmem:v9+s29+$0x0] =	vst.idx.msk $0xffff, v11;
	v9 =	vmov s7  }
0x324: {  	v11 =	vld.idx.msk [tilespmem:v10+s29+$0x0], $0xffff;
	v9 =	vand.u32 $0x7B, v9  }
0x325: {  	v9 =	vbroadcast v9, $0x0;
	_ =	sdelay $0x1  }
0x326: {  	v9 =	vor.u32 v5, v9;
	_ =	sdelay $0x1  }
0x327: {  	v11 =	vmul.f32 v11, v8  }
0x328: {  	s6 =	sadd.s32 $0xFFFFFFFD, s28  }
0x329: {  	[tilespmem:v10+s29+$0x0] =	vst.idx.msk $0xffff, v11;
	v10 =	vmov s6  }
0x32a: {  	v11 =	vld.idx.msk [tilespmem:v9+s29+$0x0], $0xffff;
	v10 =	vand.u32 $0x7C, v10  }
0x32b: {  	v10 =	vbroadcast v10, $0x0;
	_ =	sdelay $0x1  }
0x32c: {  	v10 =	vor.u32 v5, v10;
	_ =	sdelay $0x1  }
0x32d: {  	v11 =	vmul.f32 v11, v8  }
0x32e: {  	s7 =	sadd.s32 $0xFFFFFFFE, s28  }
0x32f: {  	[tilespmem:v9+s29+$0x0] =	vst.idx.msk $0xffff, v11;
	v9 =	vmov s7  }
0x330: {  	v11 =	vld.idx.msk [tilespmem:v10+s29+$0x0], $0xffff;
	v9 =	vand.u32 $0x7D, v9  }
0x331: {  	v9 =	vbroadcast v9, $0x0;
	_ =	sdelay $0x1  }
0x332: {  	v9 =	vor.u32 v5, v9;
	_ =	sdelay $0x1  }
0x333: {  	v11 =	vmul.f32 v11, v8  }
0x334: {  	s6 =	sadd.s32 $0xFFFFFFFF, s28  }
0x335: {  	[tilespmem:v10+s29+$0x0] =	vst.idx.msk $0xffff, v11;
	v10 =	vmov s6  }
0x336: {  	v11 =	vld.idx.msk [tilespmem:v9+s29+$0x0], $0xffff;
	v10 =	vand.u32 $0x7E, v10  }
0x337: {  	v10 =	vbroadcast v10, $0x0;
	_ =	sdelay $0x1  }
0x338: {  	v10 =	vor.u32 v5, v10;
	_ =	sdelay $0x1  }
0x339: {  	v11 =	vmul.f32 v11, v8;
	_ =	sdelay $0x1  }
0x33a: {  	[tilespmem:v9+s29+$0x0] =	vst.idx.msk $0xffff, v11;
	v9 =	vmov s28  }
0x33b: {  	v11 =	vld.idx.msk [tilespmem:v10+s29+$0x0], $0xffff;
	v9 =	vand.u32 $0x7F, v9  }
0x33c: {  	v9 =	vbroadcast v9, $0x0;
	_ =	sdelay $0x1  }
0x33d: {  	v9 =	vor.u32 v5, v9;
	_ =	sdelay $0x1  }
0x33e: {  	v11 =	vmul.f32 v11, v8;
	_ =	sdelay $0x1  }
0x33f: {  	s7 =	simm.s32 $0x0;
	[tilespmem:v10+s29+$0x0] =	vst.idx.msk $0xffff, v11  }
0x340: {  	v11 =	vmov s7;
	v10 =	vld.idx.msk [tilespmem:v9+s29+$0x0], $0xffff  }
0x341: {  	v11 =	vand.u32 $0x78, v11  }
0x342: {  	v11 =	vbroadcast v11, $0x0;
	_ =	sdelay $0x1  }
0x343: {  	v11 =	vor.u32 v6, v11  }
0x344: {  	v8 =	vmul.f32 v10, v8;
	_ =	sdelay $0x1  }
0x345: {  	s6 =	simm.s32 $0x1;
	[tilespmem:v9+s29+$0x0] =	vst.idx.msk $0xffff, v8  }
0x346: {  	v9 =	vmov s6;
	v8 =	vld [tilespmem:s26+$0x5050]  }
0x347: {  	v10 =	vld.idx.msk [tilespmem:v11+s29+$0x0], $0xffff;
	v9 =	vand.u32 $0x79, v9  }
0x348: {  	v9 =	vbroadcast v9, $0x0;
	_ =	sdelay $0x1  }
0x349: {  	v9 =	vor.u32 v6, v9;
	_ =	sdelay $0x1  }
0x34a: {  	v10 =	vmul.f32 v10, v8  }
0x34b: {  	s7 =	simm.s32 $0x2  }
0x34c: {  	[tilespmem:v11+s29+$0x0] =	vst.idx.msk $0xffff, v10;
	v10 =	vmov s7  }
0x34d: {  	v11 =	vld.idx.msk [tilespmem:v9+s29+$0x0], $0xffff;
	v10 =	vand.u32 $0x7A, v10  }
0x34e: {  	v10 =	vbroadcast v10, $0x0;
	_ =	sdelay $0x1  }
0x34f: {  	v10 =	vor.u32 v6, v10;
	_ =	sdelay $0x1  }
0x350: {  	v11 =	vmul.f32 v11, v8  }
0x351: {  	s6 =	simm.s32 $0x3  }
0x352: {  	[tilespmem:v9+s29+$0x0] =	vst.idx.msk $0xffff, v11;
	v9 =	vmov s6  }
0x353: {  	v11 =	vld.idx.msk [tilespmem:v10+s29+$0x0], $0xffff;
	v9 =	vand.u32 $0x7B, v9  }
0x354: {  	v9 =	vbroadcast v9, $0x0;
	_ =	sdelay $0x1  }
0x355: {  	v9 =	vor.u32 v6, v9;
	_ =	sdelay $0x1  }
0x356: {  	v11 =	vmul.f32 v11, v8  }
0x357: {  	s7 =	simm.s32 $0x4  }
0x358: {  	[tilespmem:v10+s29+$0x0] =	vst.idx.msk $0xffff, v11;
	v10 =	vmov s7  }
0x359: {  	v11 =	vld.idx.msk [tilespmem:v9+s29+$0x0], $0xffff;
	v10 =	vand.u32 $0x7C, v10  }
0x35a: {  	v10 =	vbroadcast v10, $0x0;
	_ =	sdelay $0x1  }
0x35b: {  	v10 =	vor.u32 v6, v10;
	_ =	sdelay $0x1  }
0x35c: {  	v11 =	vmul.f32 v11, v8  }
0x35d: {  	s6 =	simm.s32 $0x5  }
0x35e: {  	[tilespmem:v9+s29+$0x0] =	vst.idx.msk $0xffff, v11;
	v9 =	vmov s6  }
0x35f: {  	v11 =	vld.idx.msk [tilespmem:v10+s29+$0x0], $0xffff;
	v9 =	vand.u32 $0x7D, v9  }
0x360: {  	v9 =	vbroadcast v9, $0x0;
	_ =	sdelay $0x1  }
0x361: {  	v9 =	vor.u32 v6, v9;
	_ =	sdelay $0x1  }
0x362: {  	v11 =	vmul.f32 v11, v8  }
0x363: {  	s7 =	simm.s32 $0x6  }
0x364: {  	[tilespmem:v10+s29+$0x0] =	vst.idx.msk $0xffff, v11;
	v10 =	vmov s7  }
0x365: {  	v11 =	vld.idx.msk [tilespmem:v9+s29+$0x0], $0xffff;
	v10 =	vand.u32 $0x7E, v10  }
0x366: {  	v10 =	vbroadcast v10, $0x0;
	_ =	sdelay $0x1  }
0x367: {  	v10 =	vor.u32 v6, v10;
	_ =	sdelay $0x1  }
0x368: {  	v11 =	vmul.f32 v11, v8  }
0x369: {  	s6 =	simm.s32 $0x7  }
0x36a: {  	[tilespmem:v9+s29+$0x0] =	vst.idx.msk $0xffff, v11;
	v9 =	vmov s6  }
0x36b: {  	v11 =	vld.idx.msk [tilespmem:v10+s29+$0x0], $0xffff;
	v9 =	vand.u32 $0x7F, v9  }
0x36c: {  	v9 =	vbroadcast v9, $0x0;
	_ =	sdelay $0x1  }
0x36d: {  	v9 =	vor.u32 v6, v9;
	_ =	sdelay $0x1  }
0x36e: {  	v11 =	vmul.f32 v11, v8  }
0x36f: {  	s7 =	simm.s32 $0x8  }
0x370: {  	[tilespmem:v10+s29+$0x0] =	vst.idx.msk $0xffff, v11;
	v10 =	vmov s7  }
0x371: {  	v11 =	vld.idx.msk [tilespmem:v9+s29+$0x0], $0xffff;
	v10 =	vand.u32 $0x78, v10  }
0x372: {  	v10 =	vbroadcast v10, $0x0;
	_ =	sdelay $0x1  }
0x373: {  	v10 =	vor.u32 v6, v10;
	_ =	sdelay $0x1  }
0x374: {  	s5 =	simm.s32 $0x17;
	s28 =	simm.s32 $0xF;
	v11 =	vmul.f32 v11, v8  }
.LBB2_15:
0x375: {  	p3 =	sne.s32 s5, $0x7F  }
0x376: {  	s7 =	sadd.s32 $0xFFFFFFFA, s28;
	s6 =	smov.u32 s5;
	s5 =	sadd.s32 $0x8, s5;
	[tilespmem:v9+s29+$0x0] =	vst.idx.msk $0xffff, v11  }
0x377: {  	v11 =	vmov s7;
	v9 =	vld.idx.msk [tilespmem:v10+s29+$0x0], $0xffff  }
0x378: {  	v11 =	vand.u32 $0x79, v11  }
0x379: {  	v11 =	vbroadcast v11, $0x0;
	_ =	sdelay $0x1  }
0x37a: {  	v11 =	vor.u32 v6, v11;
	_ =	sdelay $0x1  }
0x37b: {  	v9 =	vmul.f32 v9, v8;
	_ =	sdelay $0x1  }
0x37c: {  	s7 =	sadd.s32 $0xFFFFFFFB, s28;
	[tilespmem:v10+s29+$0x0] =	vst.idx.msk $0xffff, v9  }
0x37d: {  	v10 =	vmov s7;
	v9 =	vld.idx.msk [tilespmem:v11+s29+$0x0], $0xffff  }
0x37e: {  	v10 =	vand.u32 $0x7A, v10  }
0x37f: {  	v10 =	vbroadcast v10, $0x0;
	_ =	sdelay $0x1  }
0x380: {  	v10 =	vor.u32 v6, v10;
	_ =	sdelay $0x1  }
0x381: {  	v9 =	vmul.f32 v9, v8;
	_ =	sdelay $0x1  }
0x382: {  	s7 =	sadd.s32 $0xFFFFFFFC, s28;
	[tilespmem:v11+s29+$0x0] =	vst.idx.msk $0xffff, v9  }
0x383: {  	v11 =	vmov s7;
	v9 =	vld.idx.msk [tilespmem:v10+s29+$0x0], $0xffff  }
0x384: {  	v11 =	vand.u32 $0x7B, v11  }
0x385: {  	v11 =	vbroadcast v11, $0x0;
	_ =	sdelay $0x1  }
0x386: {  	v11 =	vor.u32 v6, v11;
	_ =	sdelay $0x1  }
0x387: {  	v9 =	vmul.f32 v9, v8;
	_ =	sdelay $0x1  }
0x388: {  	s7 =	sadd.s32 $0xFFFFFFFD, s28;
	[tilespmem:v10+s29+$0x0] =	vst.idx.msk $0xffff, v9  }
0x389: {  	v10 =	vmov s7;
	v9 =	vld.idx.msk [tilespmem:v11+s29+$0x0], $0xffff  }
0x38a: {  	v10 =	vand.u32 $0x7C, v10  }
0x38b: {  	v10 =	vbroadcast v10, $0x0;
	_ =	sdelay $0x1  }
0x38c: {  	v10 =	vor.u32 v6, v10;
	_ =	sdelay $0x1  }
0x38d: {  	v9 =	vmul.f32 v9, v8;
	_ =	sdelay $0x1  }
0x38e: {  	s7 =	sadd.s32 $0xFFFFFFFE, s28;
	[tilespmem:v11+s29+$0x0] =	vst.idx.msk $0xffff, v9  }
0x38f: {  	v11 =	vmov s7;
	v9 =	vld.idx.msk [tilespmem:v10+s29+$0x0], $0xffff  }
0x390: {  	v11 =	vand.u32 $0x7D, v11  }
0x391: {  	v11 =	vbroadcast v11, $0x0;
	_ =	sdelay $0x1  }
0x392: {  	v11 =	vor.u32 v6, v11;
	_ =	sdelay $0x1  }
0x393: {  	v9 =	vmul.f32 v9, v8;
	_ =	sdelay $0x1  }
0x394: {  	s7 =	sadd.s32 $0xFFFFFFFF, s28;
	[tilespmem:v10+s29+$0x0] =	vst.idx.msk $0xffff, v9  }
0x395: {  	v10 =	vmov s7;
	v9 =	vld.idx.msk [tilespmem:v11+s29+$0x0], $0xffff  }
0x396: {  	v10 =	vand.u32 $0x7E, v10  }
0x397: {  	v10 =	vbroadcast v10, $0x0;
	_ =	sdelay $0x1  }
0x398: {  	v10 =	vor.u32 v6, v10;
	_ =	sdelay $0x1  }
0x399: {  	v9 =	vmul.f32 v9, v8;
	_ =	sdelay $0x1  }
0x39a: {  	[tilespmem:v11+s29+$0x0] =	vst.idx.msk $0xffff, v9  }
0x39b: {  	v9 =	vmov s28;
	s28 =	smov.u32 s6;
	v11 =	vld.idx.msk [tilespmem:v10+s29+$0x0], $0xffff  }
0x39c: {  	v9 =	vand.u32 $0x7F, v9  }
0x39d: {  	v9 =	vbroadcast v9, $0x0;
	_ =	sdelay $0x1  }
0x39e: {  	v9 =	vor.u32 v6, v9;
	_ =	sdelay $0x1  }
0x39f: {  	v11 =	vmul.f32 v11, v8;
	_ =	sdelay $0x1  }
0x3a0: {  	s6 =	sadd.s32 $0xFFFFFFF9, s28;
	[tilespmem:v10+s29+$0x0] =	vst.idx.msk $0xffff, v11  }
0x3a1: {  	v10 =	vmov s6;
	v11 =	vld.idx.msk [tilespmem:v9+s29+$0x0], $0xffff  }
0x3a2: {  	v10 =	vand.u32 $0x78, v10  }
.Ltmp6:
0x3a3: {  	v10 =	vbroadcast v10, $0x0;
	(pc) =	sbr.rel @p3 .LBB2_15-.Ltmp6, $3  }
0x3a4: {  	_ = 	snop  }
0x3a5: {  	v10 =	vor.u32 v6, v10;
	_ =	sdelay $0x1  }
0x3a6: {  	v11 =	vmul.f32 v11, v8  }
0x3a7: {  	_ =	sdelay $0x2  }
0x3a8: {  	s5 =	sadd.s32 $0xFFFFFFFA, s28  }
0x3a9: {  	[tilespmem:v9+s29+$0x0] =	vst.idx.msk $0xffff, v11;
	v9 =	vmov s5  }
0x3aa: {  	v11 =	vld.idx.msk [tilespmem:v10+s29+$0x0], $0xffff;
	v9 =	vand.u32 $0x79, v9  }
0x3ab: {  	v9 =	vbroadcast v9, $0x0;
	_ =	sdelay $0x1  }
0x3ac: {  	v9 =	vor.u32 v6, v9;
	_ =	sdelay $0x1  }
0x3ad: {  	v11 =	vmul.f32 v11, v8  }
0x3ae: {  	s6 =	sadd.s32 $0xFFFFFFFB, s28  }
0x3af: {  	[tilespmem:v10+s29+$0x0] =	vst.idx.msk $0xffff, v11;
	v10 =	vmov s6  }
0x3b0: {  	v11 =	vld.idx.msk [tilespmem:v9+s29+$0x0], $0xffff;
	v10 =	vand.u32 $0x7A, v10  }
0x3b1: {  	v10 =	vbroadcast v10, $0x0;
	_ =	sdelay $0x1  }
0x3b2: {  	v10 =	vor.u32 v6, v10;
	_ =	sdelay $0x1  }
0x3b3: {  	v11 =	vmul.f32 v11, v8  }
0x3b4: {  	s7 =	sadd.s32 $0xFFFFFFFC, s28  }
0x3b5: {  	[tilespmem:v9+s29+$0x0] =	vst.idx.msk $0xffff, v11;
	v9 =	vmov s7  }
0x3b6: {  	v11 =	vld.idx.msk [tilespmem:v10+s29+$0x0], $0xffff;
	v9 =	vand.u32 $0x7B, v9  }
0x3b7: {  	v9 =	vbroadcast v9, $0x0;
	_ =	sdelay $0x1  }
0x3b8: {  	v9 =	vor.u32 v6, v9;
	_ =	sdelay $0x1  }
0x3b9: {  	v11 =	vmul.f32 v11, v8  }
0x3ba: {  	s6 =	sadd.s32 $0xFFFFFFFD, s28  }
0x3bb: {  	[tilespmem:v10+s29+$0x0] =	vst.idx.msk $0xffff, v11;
	v10 =	vmov s6  }
0x3bc: {  	v11 =	vld.idx.msk [tilespmem:v9+s29+$0x0], $0xffff;
	v10 =	vand.u32 $0x7C, v10  }
0x3bd: {  	v10 =	vbroadcast v10, $0x0;
	_ =	sdelay $0x1  }
0x3be: {  	v10 =	vor.u32 v6, v10;
	_ =	sdelay $0x1  }
0x3bf: {  	v11 =	vmul.f32 v11, v8  }
0x3c0: {  	s7 =	sadd.s32 $0xFFFFFFFE, s28  }
0x3c1: {  	[tilespmem:v9+s29+$0x0] =	vst.idx.msk $0xffff, v11;
	v9 =	vmov s7  }
0x3c2: {  	v11 =	vld.idx.msk [tilespmem:v10+s29+$0x0], $0xffff;
	v9 =	vand.u32 $0x7D, v9  }
0x3c3: {  	v9 =	vbroadcast v9, $0x0;
	_ =	sdelay $0x1  }
0x3c4: {  	v9 =	vor.u32 v6, v9;
	_ =	sdelay $0x1  }
0x3c5: {  	v11 =	vmul.f32 v11, v8  }
0x3c6: {  	s6 =	sadd.s32 $0xFFFFFFFF, s28  }
0x3c7: {  	[tilespmem:v10+s29+$0x0] =	vst.idx.msk $0xffff, v11;
	v10 =	vmov s6  }
0x3c8: {  	v11 =	vld.idx.msk [tilespmem:v9+s29+$0x0], $0xffff;
	v10 =	vand.u32 $0x7E, v10  }
0x3c9: {  	v10 =	vbroadcast v10, $0x0;
	_ =	sdelay $0x1  }
0x3ca: {  	v10 =	vor.u32 v6, v10;
	_ =	sdelay $0x1  }
0x3cb: {  	v11 =	vmul.f32 v11, v8;
	_ =	sdelay $0x1  }
0x3cc: {  	[tilespmem:v9+s29+$0x0] =	vst.idx.msk $0xffff, v11;
	v9 =	vmov s28  }
0x3cd: {  	v11 =	vld.idx.msk [tilespmem:v10+s29+$0x0], $0xffff;
	v9 =	vand.u32 $0x7F, v9  }
0x3ce: {  	v9 =	vbroadcast v9, $0x0;
	_ =	sdelay $0x1  }
0x3cf: {  	v9 =	vor.u32 v6, v9;
	_ =	sdelay $0x1  }
0x3d0: {  	v11 =	vmul.f32 v11, v8;
	_ =	sdelay $0x1  }
0x3d1: {  	s7 =	simm.s32 $0x0;
	[tilespmem:v10+s29+$0x0] =	vst.idx.msk $0xffff, v11  }
0x3d2: {  	v11 =	vmov s7;
	v10 =	vld.idx.msk [tilespmem:v9+s29+$0x0], $0xffff  }
0x3d3: {  	v11 =	vand.u32 $0x78, v11  }
0x3d4: {  	v11 =	vbroadcast v11, $0x0;
	_ =	sdelay $0x1  }
0x3d5: {  	v11 =	vor.u32 v7, v11  }
0x3d6: {  	v8 =	vmul.f32 v10, v8;
	_ =	sdelay $0x1  }
0x3d7: {  	s6 =	simm.s32 $0x1;
	[tilespmem:v9+s29+$0x0] =	vst.idx.msk $0xffff, v8  }
0x3d8: {  	v9 =	vmov s6;
	v8 =	vld [tilespmem:s26+$0x5060]  }
0x3d9: {  	v10 =	vld.idx.msk [tilespmem:v11+s29+$0x0], $0xffff;
	v9 =	vand.u32 $0x79, v9  }
0x3da: {  	v9 =	vbroadcast v9, $0x0;
	_ =	sdelay $0x1  }
0x3db: {  	v9 =	vor.u32 v7, v9;
	_ =	sdelay $0x1  }
0x3dc: {  	v10 =	vmul.f32 v10, v8  }
0x3dd: {  	s7 =	simm.s32 $0x2  }
0x3de: {  	[tilespmem:v11+s29+$0x0] =	vst.idx.msk $0xffff, v10;
	v10 =	vmov s7  }
0x3df: {  	v11 =	vld.idx.msk [tilespmem:v9+s29+$0x0], $0xffff;
	v10 =	vand.u32 $0x7A, v10  }
0x3e0: {  	v10 =	vbroadcast v10, $0x0;
	_ =	sdelay $0x1  }
0x3e1: {  	v10 =	vor.u32 v7, v10;
	_ =	sdelay $0x1  }
0x3e2: {  	v11 =	vmul.f32 v11, v8  }
0x3e3: {  	s6 =	simm.s32 $0x3  }
0x3e4: {  	[tilespmem:v9+s29+$0x0] =	vst.idx.msk $0xffff, v11;
	v9 =	vmov s6  }
0x3e5: {  	v11 =	vld.idx.msk [tilespmem:v10+s29+$0x0], $0xffff;
	v9 =	vand.u32 $0x7B, v9  }
0x3e6: {  	v9 =	vbroadcast v9, $0x0;
	_ =	sdelay $0x1  }
0x3e7: {  	v9 =	vor.u32 v7, v9;
	_ =	sdelay $0x1  }
0x3e8: {  	v11 =	vmul.f32 v11, v8  }
0x3e9: {  	s7 =	simm.s32 $0x4  }
0x3ea: {  	[tilespmem:v10+s29+$0x0] =	vst.idx.msk $0xffff, v11;
	v10 =	vmov s7  }
0x3eb: {  	v11 =	vld.idx.msk [tilespmem:v9+s29+$0x0], $0xffff;
	v10 =	vand.u32 $0x7C, v10  }
0x3ec: {  	v10 =	vbroadcast v10, $0x0;
	_ =	sdelay $0x1  }
0x3ed: {  	v10 =	vor.u32 v7, v10;
	_ =	sdelay $0x1  }
0x3ee: {  	v11 =	vmul.f32 v11, v8  }
0x3ef: {  	s6 =	simm.s32 $0x5  }
0x3f0: {  	[tilespmem:v9+s29+$0x0] =	vst.idx.msk $0xffff, v11;
	v9 =	vmov s6  }
0x3f1: {  	v11 =	vld.idx.msk [tilespmem:v10+s29+$0x0], $0xffff;
	v9 =	vand.u32 $0x7D, v9  }
0x3f2: {  	v9 =	vbroadcast v9, $0x0;
	_ =	sdelay $0x1  }
0x3f3: {  	v9 =	vor.u32 v7, v9;
	_ =	sdelay $0x1  }
0x3f4: {  	v11 =	vmul.f32 v11, v8  }
0x3f5: {  	s7 =	simm.s32 $0x6  }
0x3f6: {  	[tilespmem:v10+s29+$0x0] =	vst.idx.msk $0xffff, v11;
	v10 =	vmov s7  }
0x3f7: {  	v11 =	vld.idx.msk [tilespmem:v9+s29+$0x0], $0xffff;
	v10 =	vand.u32 $0x7E, v10  }
0x3f8: {  	v10 =	vbroadcast v10, $0x0;
	_ =	sdelay $0x1  }
0x3f9: {  	v10 =	vor.u32 v7, v10;
	_ =	sdelay $0x1  }
0x3fa: {  	v11 =	vmul.f32 v11, v8  }
0x3fb: {  	s6 =	simm.s32 $0x7  }
0x3fc: {  	[tilespmem:v9+s29+$0x0] =	vst.idx.msk $0xffff, v11;
	v9 =	vmov s6  }
0x3fd: {  	v11 =	vld.idx.msk [tilespmem:v10+s29+$0x0], $0xffff;
	v9 =	vand.u32 $0x7F, v9  }
0x3fe: {  	v9 =	vbroadcast v9, $0x0;
	_ =	sdelay $0x1  }
0x3ff: {  	v9 =	vor.u32 v7, v9;
	_ =	sdelay $0x1  }
0x400: {  	v11 =	vmul.f32 v11, v8  }
0x401: {  	s7 =	simm.s32 $0x8  }
0x402: {  	[tilespmem:v10+s29+$0x0] =	vst.idx.msk $0xffff, v11;
	v10 =	vmov s7  }
0x403: {  	v11 =	vld.idx.msk [tilespmem:v9+s29+$0x0], $0xffff;
	v10 =	vand.u32 $0x78, v10  }
0x404: {  	v10 =	vbroadcast v10, $0x0;
	_ =	sdelay $0x1  }
0x405: {  	v10 =	vor.u32 v7, v10;
	_ =	sdelay $0x1  }
0x406: {  	s5 =	simm.s32 $0x17;
	s28 =	simm.s32 $0xF;
	v11 =	vmul.f32 v11, v8  }
.LBB2_17:
0x407: {  	p3 =	sne.s32 s5, $0x7F  }
0x408: {  	s7 =	sadd.s32 $0xFFFFFFFA, s28;
	s6 =	smov.u32 s5;
	s5 =	sadd.s32 $0x8, s5;
	[tilespmem:v9+s29+$0x0] =	vst.idx.msk $0xffff, v11  }
0x409: {  	v11 =	vmov s7;
	v9 =	vld.idx.msk [tilespmem:v10+s29+$0x0], $0xffff  }
0x40a: {  	v11 =	vand.u32 $0x79, v11  }
0x40b: {  	v11 =	vbroadcast v11, $0x0;
	_ =	sdelay $0x1  }
0x40c: {  	v11 =	vor.u32 v7, v11;
	_ =	sdelay $0x1  }
0x40d: {  	v9 =	vmul.f32 v9, v8;
	_ =	sdelay $0x1  }
0x40e: {  	s7 =	sadd.s32 $0xFFFFFFFB, s28;
	[tilespmem:v10+s29+$0x0] =	vst.idx.msk $0xffff, v9  }
0x40f: {  	v10 =	vmov s7;
	v9 =	vld.idx.msk [tilespmem:v11+s29+$0x0], $0xffff  }
0x410: {  	v10 =	vand.u32 $0x7A, v10  }
0x411: {  	v10 =	vbroadcast v10, $0x0;
	_ =	sdelay $0x1  }
0x412: {  	v10 =	vor.u32 v7, v10;
	_ =	sdelay $0x1  }
0x413: {  	v9 =	vmul.f32 v9, v8;
	_ =	sdelay $0x1  }
0x414: {  	s7 =	sadd.s32 $0xFFFFFFFC, s28;
	[tilespmem:v11+s29+$0x0] =	vst.idx.msk $0xffff, v9  }
0x415: {  	v11 =	vmov s7;
	v9 =	vld.idx.msk [tilespmem:v10+s29+$0x0], $0xffff  }
0x416: {  	v11 =	vand.u32 $0x7B, v11  }
0x417: {  	v11 =	vbroadcast v11, $0x0;
	_ =	sdelay $0x1  }
0x418: {  	v11 =	vor.u32 v7, v11;
	_ =	sdelay $0x1  }
0x419: {  	v9 =	vmul.f32 v9, v8;
	_ =	sdelay $0x1  }
0x41a: {  	s7 =	sadd.s32 $0xFFFFFFFD, s28;
	[tilespmem:v10+s29+$0x0] =	vst.idx.msk $0xffff, v9  }
0x41b: {  	v10 =	vmov s7;
	v9 =	vld.idx.msk [tilespmem:v11+s29+$0x0], $0xffff  }
0x41c: {  	v10 =	vand.u32 $0x7C, v10  }
0x41d: {  	v10 =	vbroadcast v10, $0x0;
	_ =	sdelay $0x1  }
0x41e: {  	v10 =	vor.u32 v7, v10;
	_ =	sdelay $0x1  }
0x41f: {  	v9 =	vmul.f32 v9, v8;
	_ =	sdelay $0x1  }
0x420: {  	s7 =	sadd.s32 $0xFFFFFFFE, s28;
	[tilespmem:v11+s29+$0x0] =	vst.idx.msk $0xffff, v9  }
0x421: {  	v11 =	vmov s7;
	v9 =	vld.idx.msk [tilespmem:v10+s29+$0x0], $0xffff  }
0x422: {  	v11 =	vand.u32 $0x7D, v11  }
0x423: {  	v11 =	vbroadcast v11, $0x0;
	_ =	sdelay $0x1  }
0x424: {  	v11 =	vor.u32 v7, v11;
	_ =	sdelay $0x1  }
0x425: {  	v9 =	vmul.f32 v9, v8;
	_ =	sdelay $0x1  }
0x426: {  	s7 =	sadd.s32 $0xFFFFFFFF, s28;
	[tilespmem:v10+s29+$0x0] =	vst.idx.msk $0xffff, v9  }
0x427: {  	v10 =	vmov s7;
	v9 =	vld.idx.msk [tilespmem:v11+s29+$0x0], $0xffff  }
0x428: {  	v10 =	vand.u32 $0x7E, v10  }
0x429: {  	v10 =	vbroadcast v10, $0x0;
	_ =	sdelay $0x1  }
0x42a: {  	v10 =	vor.u32 v7, v10;
	_ =	sdelay $0x1  }
0x42b: {  	v9 =	vmul.f32 v9, v8;
	_ =	sdelay $0x1  }
0x42c: {  	[tilespmem:v11+s29+$0x0] =	vst.idx.msk $0xffff, v9  }
0x42d: {  	v9 =	vmov s28;
	s28 =	smov.u32 s6;
	v11 =	vld.idx.msk [tilespmem:v10+s29+$0x0], $0xffff  }
0x42e: {  	v9 =	vand.u32 $0x7F, v9  }
0x42f: {  	v9 =	vbroadcast v9, $0x0;
	_ =	sdelay $0x1  }
0x430: {  	v9 =	vor.u32 v7, v9;
	_ =	sdelay $0x1  }
0x431: {  	v11 =	vmul.f32 v11, v8;
	_ =	sdelay $0x1  }
0x432: {  	s6 =	sadd.s32 $0xFFFFFFF9, s28;
	[tilespmem:v10+s29+$0x0] =	vst.idx.msk $0xffff, v11  }
0x433: {  	v10 =	vmov s6;
	v11 =	vld.idx.msk [tilespmem:v9+s29+$0x0], $0xffff  }
0x434: {  	v10 =	vand.u32 $0x78, v10  }
.Ltmp7:
0x435: {  	v10 =	vbroadcast v10, $0x0;
	(pc) =	sbr.rel @p3 .LBB2_17-.Ltmp7, $3  }
0x436: {  	_ = 	snop  }
0x437: {  	v10 =	vor.u32 v7, v10;
	_ =	sdelay $0x1  }
0x438: {  	v11 =	vmul.f32 v11, v8  }
0x439: {  	_ =	sdelay $0x2  }
0x43a: {  	s5 =	sadd.s32 $0xFFFFFFFA, s28  }
0x43b: {  	[tilespmem:v9+s29+$0x0] =	vst.idx.msk $0xffff, v11;
	v9 =	vmov s5  }
0x43c: {  	v11 =	vld.idx.msk [tilespmem:v10+s29+$0x0], $0xffff;
	v9 =	vand.u32 $0x79, v9  }
0x43d: {  	v9 =	vbroadcast v9, $0x0;
	_ =	sdelay $0x1  }
0x43e: {  	v9 =	vor.u32 v7, v9;
	_ =	sdelay $0x1  }
0x43f: {  	v11 =	vmul.f32 v11, v8  }
0x440: {  	s6 =	sadd.s32 $0xFFFFFFFB, s28  }
0x441: {  	[tilespmem:v10+s29+$0x0] =	vst.idx.msk $0xffff, v11;
	v10 =	vmov s6  }
0x442: {  	v11 =	vld.idx.msk [tilespmem:v9+s29+$0x0], $0xffff;
	v10 =	vand.u32 $0x7A, v10  }
0x443: {  	v10 =	vbroadcast v10, $0x0;
	_ =	sdelay $0x1  }
0x444: {  	v10 =	vor.u32 v7, v10;
	_ =	sdelay $0x1  }
0x445: {  	v11 =	vmul.f32 v11, v8  }
0x446: {  	s7 =	sadd.s32 $0xFFFFFFFC, s28  }
0x447: {  	[tilespmem:v9+s29+$0x0] =	vst.idx.msk $0xffff, v11;
	v9 =	vmov s7  }
0x448: {  	v11 =	vld.idx.msk [tilespmem:v10+s29+$0x0], $0xffff;
	v9 =	vand.u32 $0x7B, v9  }
0x449: {  	v9 =	vbroadcast v9, $0x0;
	_ =	sdelay $0x1  }
0x44a: {  	v9 =	vor.u32 v7, v9;
	_ =	sdelay $0x1  }
0x44b: {  	v11 =	vmul.f32 v11, v8  }
0x44c: {  	s6 =	sadd.s32 $0xFFFFFFFD, s28  }
0x44d: {  	[tilespmem:v10+s29+$0x0] =	vst.idx.msk $0xffff, v11;
	v10 =	vmov s6  }
0x44e: {  	v11 =	vld.idx.msk [tilespmem:v9+s29+$0x0], $0xffff;
	v10 =	vand.u32 $0x7C, v10  }
0x44f: {  	v10 =	vbroadcast v10, $0x0;
	_ =	sdelay $0x1  }
0x450: {  	v10 =	vor.u32 v7, v10;
	_ =	sdelay $0x1  }
0x451: {  	v11 =	vmul.f32 v11, v8  }
0x452: {  	s7 =	sadd.s32 $0xFFFFFFFE, s28  }
0x453: {  	[tilespmem:v9+s29+$0x0] =	vst.idx.msk $0xffff, v11;
	v9 =	vmov s7  }
0x454: {  	v11 =	vld.idx.msk [tilespmem:v10+s29+$0x0], $0xffff;
	v9 =	vand.u32 $0x7D, v9  }
0x455: {  	v9 =	vbroadcast v9, $0x0;
	_ =	sdelay $0x1  }
0x456: {  	v9 =	vor.u32 v7, v9;
	_ =	sdelay $0x1  }
0x457: {  	v11 =	vmul.f32 v11, v8  }
0x458: {  	s6 =	sadd.s32 $0xFFFFFFFF, s28  }
0x459: {  	[tilespmem:v10+s29+$0x0] =	vst.idx.msk $0xffff, v11;
	v10 =	vmov s6  }
0x45a: {  	v11 =	vld.idx.msk [tilespmem:v9+s29+$0x0], $0xffff;
	v10 =	vand.u32 $0x7E, v10  }
0x45b: {  	v10 =	vbroadcast v10, $0x0;
	_ =	sdelay $0x1  }
0x45c: {  	v10 =	vor.u32 v7, v10;
	_ =	sdelay $0x1  }
0x45d: {  	v11 =	vmul.f32 v11, v8;
	_ =	sdelay $0x1  }
0x45e: {  	[tilespmem:v9+s29+$0x0] =	vst.idx.msk $0xffff, v11;
	v9 =	vmov s28  }
0x45f: {  	v11 =	vld.idx.msk [tilespmem:v10+s29+$0x0], $0xffff;
	v9 =	vand.u32 $0x7F, v9  }
0x460: {  	v9 =	vbroadcast v9, $0x0;
	_ =	sdelay $0x1  }
0x461: {  	v12 =	vor.u32 v7, v9;
	_ =	sdelay $0x1  }
0x462: {  	v9 =	vmul.f32 v11, v8;
	_ =	sdelay $0x1  }
0x463: {  	s7 =	simm.s32 $0x0;
	[tilespmem:v10+s29+$0x0] =	vst.idx.msk $0xffff, v9  }
0x464: {  	v9 =	vmov s7;
	v10 =	vld.idx.msk [tilespmem:v12+s29+$0x0], $0xffff  }
0x465: {  	v9 =	vand.u32 $0x78, v9  }
0x466: {  	v11 =	vbroadcast v9, $0x0  }
0x467: {  	v9 =	vor.u32 $0x3800, v0  }
0x468: {  	v11 =	vor.u32 v9, v11  }
0x469: {  	v8 =	vmul.f32 v10, v8;
	_ =	sdelay $0x1  }
0x46a: {  	s6 =	simm.s32 $0x1;
	[tilespmem:v12+s29+$0x0] =	vst.idx.msk $0xffff, v8  }
0x46b: {  	v10 =	vmov s6;
	v8 =	vld [tilespmem:s26+$0x5070]  }
0x46c: {  	v10 =	vand.u32 $0x79, v10;
	v12 =	vld.idx.msk [tilespmem:v11+s29+$0x0], $0xffff  }
0x46d: {  	v10 =	vbroadcast v10, $0x0;
	_ =	sdelay $0x1  }
0x46e: {  	v10 =	vor.u32 v9, v10;
	_ =	sdelay $0x1  }
0x46f: {  	v12 =	vmul.f32 v12, v8  }
0x470: {  	s7 =	simm.s32 $0x2  }
0x471: {  	[tilespmem:v11+s29+$0x0] =	vst.idx.msk $0xffff, v12;
	v11 =	vmov s7  }
0x472: {  	v12 =	vld.idx.msk [tilespmem:v10+s29+$0x0], $0xffff;
	v11 =	vand.u32 $0x7A, v11  }
0x473: {  	v11 =	vbroadcast v11, $0x0;
	_ =	sdelay $0x1  }
0x474: {  	v11 =	vor.u32 v9, v11;
	_ =	sdelay $0x1  }
0x475: {  	v12 =	vmul.f32 v12, v8  }
0x476: {  	s6 =	simm.s32 $0x3  }
0x477: {  	[tilespmem:v10+s29+$0x0] =	vst.idx.msk $0xffff, v12;
	v10 =	vmov s6  }
0x478: {  	v12 =	vld.idx.msk [tilespmem:v11+s29+$0x0], $0xffff;
	v10 =	vand.u32 $0x7B, v10  }
0x479: {  	v10 =	vbroadcast v10, $0x0;
	_ =	sdelay $0x1  }
0x47a: {  	v10 =	vor.u32 v9, v10;
	_ =	sdelay $0x1  }
0x47b: {  	v12 =	vmul.f32 v12, v8  }
0x47c: {  	s7 =	simm.s32 $0x4  }
0x47d: {  	[tilespmem:v11+s29+$0x0] =	vst.idx.msk $0xffff, v12;
	v11 =	vmov s7  }
0x47e: {  	v12 =	vld.idx.msk [tilespmem:v10+s29+$0x0], $0xffff;
	v11 =	vand.u32 $0x7C, v11  }
0x47f: {  	v11 =	vbroadcast v11, $0x0;
	_ =	sdelay $0x1  }
0x480: {  	v11 =	vor.u32 v9, v11;
	_ =	sdelay $0x1  }
0x481: {  	v12 =	vmul.f32 v12, v8  }
0x482: {  	s6 =	simm.s32 $0x5  }
0x483: {  	[tilespmem:v10+s29+$0x0] =	vst.idx.msk $0xffff, v12;
	v10 =	vmov s6  }
0x484: {  	v12 =	vld.idx.msk [tilespmem:v11+s29+$0x0], $0xffff;
	v10 =	vand.u32 $0x7D, v10  }
0x485: {  	v10 =	vbroadcast v10, $0x0;
	_ =	sdelay $0x1  }
0x486: {  	v10 =	vor.u32 v9, v10;
	_ =	sdelay $0x1  }
0x487: {  	v12 =	vmul.f32 v12, v8  }
0x488: {  	s7 =	simm.s32 $0x6  }
0x489: {  	[tilespmem:v11+s29+$0x0] =	vst.idx.msk $0xffff, v12;
	v11 =	vmov s7  }
0x48a: {  	v12 =	vld.idx.msk [tilespmem:v10+s29+$0x0], $0xffff;
	v11 =	vand.u32 $0x7E, v11  }
0x48b: {  	v11 =	vbroadcast v11, $0x0;
	_ =	sdelay $0x1  }
0x48c: {  	v11 =	vor.u32 v9, v11;
	_ =	sdelay $0x1  }
0x48d: {  	v12 =	vmul.f32 v12, v8  }
0x48e: {  	s6 =	simm.s32 $0x7  }
0x48f: {  	[tilespmem:v10+s29+$0x0] =	vst.idx.msk $0xffff, v12;
	v10 =	vmov s6  }
0x490: {  	v12 =	vld.idx.msk [tilespmem:v11+s29+$0x0], $0xffff;
	v10 =	vand.u32 $0x7F, v10  }
0x491: {  	v10 =	vbroadcast v10, $0x0;
	_ =	sdelay $0x1  }
0x492: {  	v10 =	vor.u32 v9, v10;
	_ =	sdelay $0x1  }
0x493: {  	v12 =	vmul.f32 v12, v8  }
0x494: {  	s7 =	simm.s32 $0x8  }
0x495: {  	[tilespmem:v11+s29+$0x0] =	vst.idx.msk $0xffff, v12;
	v11 =	vmov s7  }
0x496: {  	v12 =	vld.idx.msk [tilespmem:v10+s29+$0x0], $0xffff;
	v11 =	vand.u32 $0x78, v11  }
0x497: {  	v11 =	vbroadcast v11, $0x0;
	_ =	sdelay $0x1  }
0x498: {  	v11 =	vor.u32 v9, v11;
	_ =	sdelay $0x1  }
0x499: {  	s5 =	simm.s32 $0x17;
	s28 =	simm.s32 $0xF;
	v12 =	vmul.f32 v12, v8  }
.LBB2_19:
0x49a: {  	p3 =	sne.s32 s5, $0x7F  }
0x49b: {  	s7 =	sadd.s32 $0xFFFFFFFA, s28;
	s6 =	smov.u32 s5;
	s5 =	sadd.s32 $0x8, s5;
	[tilespmem:v10+s29+$0x0] =	vst.idx.msk $0xffff, v12  }
0x49c: {  	v12 =	vmov s7;
	v10 =	vld.idx.msk [tilespmem:v11+s29+$0x0], $0xffff  }
0x49d: {  	v12 =	vand.u32 $0x79, v12  }
0x49e: {  	v12 =	vbroadcast v12, $0x0;
	_ =	sdelay $0x1  }
0x49f: {  	v12 =	vor.u32 v9, v12;
	_ =	sdelay $0x1  }
0x4a0: {  	v10 =	vmul.f32 v10, v8;
	_ =	sdelay $0x1  }
0x4a1: {  	s7 =	sadd.s32 $0xFFFFFFFB, s28;
	[tilespmem:v11+s29+$0x0] =	vst.idx.msk $0xffff, v10  }
0x4a2: {  	v11 =	vmov s7;
	v10 =	vld.idx.msk [tilespmem:v12+s29+$0x0], $0xffff  }
0x4a3: {  	v11 =	vand.u32 $0x7A, v11  }
0x4a4: {  	v11 =	vbroadcast v11, $0x0;
	_ =	sdelay $0x1  }
0x4a5: {  	v11 =	vor.u32 v9, v11;
	_ =	sdelay $0x1  }
0x4a6: {  	v10 =	vmul.f32 v10, v8;
	_ =	sdelay $0x1  }
0x4a7: {  	s7 =	sadd.s32 $0xFFFFFFFC, s28;
	[tilespmem:v12+s29+$0x0] =	vst.idx.msk $0xffff, v10  }
0x4a8: {  	v12 =	vmov s7;
	v10 =	vld.idx.msk [tilespmem:v11+s29+$0x0], $0xffff  }
0x4a9: {  	v12 =	vand.u32 $0x7B, v12  }
0x4aa: {  	v12 =	vbroadcast v12, $0x0;
	_ =	sdelay $0x1  }
0x4ab: {  	v12 =	vor.u32 v9, v12;
	_ =	sdelay $0x1  }
0x4ac: {  	v10 =	vmul.f32 v10, v8;
	_ =	sdelay $0x1  }
0x4ad: {  	s7 =	sadd.s32 $0xFFFFFFFD, s28;
	[tilespmem:v11+s29+$0x0] =	vst.idx.msk $0xffff, v10  }
0x4ae: {  	v11 =	vmov s7;
	v10 =	vld.idx.msk [tilespmem:v12+s29+$0x0], $0xffff  }
0x4af: {  	v11 =	vand.u32 $0x7C, v11  }
0x4b0: {  	v11 =	vbroadcast v11, $0x0;
	_ =	sdelay $0x1  }
0x4b1: {  	v11 =	vor.u32 v9, v11;
	_ =	sdelay $0x1  }
0x4b2: {  	v10 =	vmul.f32 v10, v8;
	_ =	sdelay $0x1  }
0x4b3: {  	s7 =	sadd.s32 $0xFFFFFFFE, s28;
	[tilespmem:v12+s29+$0x0] =	vst.idx.msk $0xffff, v10  }
0x4b4: {  	v12 =	vmov s7;
	v10 =	vld.idx.msk [tilespmem:v11+s29+$0x0], $0xffff  }
0x4b5: {  	v12 =	vand.u32 $0x7D, v12  }
0x4b6: {  	v12 =	vbroadcast v12, $0x0;
	_ =	sdelay $0x1  }
0x4b7: {  	v12 =	vor.u32 v9, v12;
	_ =	sdelay $0x1  }
0x4b8: {  	v10 =	vmul.f32 v10, v8;
	_ =	sdelay $0x1  }
0x4b9: {  	s7 =	sadd.s32 $0xFFFFFFFF, s28;
	[tilespmem:v11+s29+$0x0] =	vst.idx.msk $0xffff, v10  }
0x4ba: {  	v11 =	vmov s7;
	v10 =	vld.idx.msk [tilespmem:v12+s29+$0x0], $0xffff  }
0x4bb: {  	v11 =	vand.u32 $0x7E, v11  }
0x4bc: {  	v11 =	vbroadcast v11, $0x0;
	_ =	sdelay $0x1  }
0x4bd: {  	v11 =	vor.u32 v9, v11;
	_ =	sdelay $0x1  }
0x4be: {  	v10 =	vmul.f32 v10, v8;
	_ =	sdelay $0x1  }
0x4bf: {  	[tilespmem:v12+s29+$0x0] =	vst.idx.msk $0xffff, v10  }
0x4c0: {  	v10 =	vmov s28;
	s28 =	smov.u32 s6;
	v12 =	vld.idx.msk [tilespmem:v11+s29+$0x0], $0xffff  }
0x4c1: {  	v10 =	vand.u32 $0x7F, v10  }
0x4c2: {  	v10 =	vbroadcast v10, $0x0;
	_ =	sdelay $0x1  }
0x4c3: {  	v10 =	vor.u32 v9, v10;
	_ =	sdelay $0x1  }
0x4c4: {  	v12 =	vmul.f32 v12, v8;
	_ =	sdelay $0x1  }
0x4c5: {  	s6 =	sadd.s32 $0xFFFFFFF9, s28;
	[tilespmem:v11+s29+$0x0] =	vst.idx.msk $0xffff, v12  }
0x4c6: {  	v11 =	vmov s6;
	v12 =	vld.idx.msk [tilespmem:v10+s29+$0x0], $0xffff  }
0x4c7: {  	v11 =	vand.u32 $0x78, v11  }
.Ltmp8:
0x4c8: {  	v11 =	vbroadcast v11, $0x0;
	(pc) =	sbr.rel @p3 .LBB2_19-.Ltmp8, $3  }
0x4c9: {  	_ = 	snop  }
0x4ca: {  	v11 =	vor.u32 v9, v11;
	_ =	sdelay $0x1  }
0x4cb: {  	v12 =	vmul.f32 v12, v8  }
0x4cc: {  	_ =	sdelay $0x2  }
0x4cd: {  	s5 =	sadd.s32 $0xFFFFFFFA, s28  }
0x4ce: {  	[tilespmem:v10+s29+$0x0] =	vst.idx.msk $0xffff, v12;
	v55 =	vmov s5  }
0x4cf: {  	v12 =	vld.idx.msk [tilespmem:v11+s29+$0x0], $0xffff;
	v10 =	vand.u32 $0x79, v55  }
0x4d0: {  	v10 =	vbroadcast v10, $0x0;
	_ =	sdelay $0x1  }
0x4d1: {  	v10 =	vor.u32 v9, v10;
	_ =	sdelay $0x1  }
0x4d2: {  	v12 =	vmul.f32 v12, v8  }
0x4d3: {  	s7 =	sadd.s32 $0xFFFFFFFB, s28  }
0x4d4: {  	v56 =	vmov s7;
	[tilespmem:v11+s29+$0x0] =	vst.idx.msk $0xffff, v12  }
0x4d5: {  	v11 =	vand.u32 $0x7A, v56;
	v12 =	vld.idx.msk [tilespmem:v10+s29+$0x0], $0xffff  }
0x4d6: {  	v11 =	vbroadcast v11, $0x0;
	_ =	sdelay $0x1  }
0x4d7: {  	v11 =	vor.u32 v9, v11;
	_ =	sdelay $0x1  }
0x4d8: {  	v12 =	vmul.f32 v12, v8  }
0x4d9: {  	s6 =	sadd.s32 $0xFFFFFFFC, s28  }
0x4da: {  	v57 =	vmov s6;
	[tilespmem:v10+s29+$0x0] =	vst.idx.msk $0xffff, v12  }
0x4db: {  	v10 =	vand.u32 $0x7B, v57;
	v12 =	vld.idx.msk [tilespmem:v11+s29+$0x0], $0xffff  }
0x4dc: {  	v10 =	vbroadcast v10, $0x0;
	_ =	sdelay $0x1  }
0x4dd: {  	v10 =	vor.u32 v9, v10;
	_ =	sdelay $0x1  }
0x4de: {  	v12 =	vmul.f32 v12, v8  }
0x4df: {  	s7 =	sadd.s32 $0xFFFFFFFD, s28  }
0x4e0: {  	v58 =	vmov s7;
	[tilespmem:v11+s29+$0x0] =	vst.idx.msk $0xffff, v12  }
0x4e1: {  	v11 =	vand.u32 $0x7C, v58;
	v12 =	vld.idx.msk [tilespmem:v10+s29+$0x0], $0xffff  }
0x4e2: {  	v11 =	vbroadcast v11, $0x0;
	_ =	sdelay $0x1  }
0x4e3: {  	v11 =	vor.u32 v9, v11;
	_ =	sdelay $0x1  }
0x4e4: {  	v12 =	vmul.f32 v12, v8  }
0x4e5: {  	s6 =	sadd.s32 $0xFFFFFFFE, s28  }
0x4e6: {  	v59 =	vmov s6;
	[tilespmem:v10+s29+$0x0] =	vst.idx.msk $0xffff, v12  }
0x4e7: {  	v10 =	vand.u32 $0x7D, v59;
	v12 =	vld.idx.msk [tilespmem:v11+s29+$0x0], $0xffff  }
0x4e8: {  	v10 =	vbroadcast v10, $0x0;
	_ =	sdelay $0x1  }
0x4e9: {  	v10 =	vor.u32 v9, v10;
	_ =	sdelay $0x1  }
0x4ea: {  	v12 =	vmul.f32 v12, v8  }
0x4eb: {  	s7 =	sadd.s32 $0xFFFFFFFF, s28  }
0x4ec: {  	v60 =	vmov s7;
	[tilespmem:v11+s29+$0x0] =	vst.idx.msk $0xffff, v12  }
0x4ed: {  	v11 =	vand.u32 $0x7E, v60;
	v12 =	vld.idx.msk [tilespmem:v10+s29+$0x0], $0xffff  }
0x4ee: {  	v11 =	vbroadcast v11, $0x0;
	_ =	sdelay $0x1  }
0x4ef: {  	v11 =	vor.u32 v9, v11;
	_ =	sdelay $0x1  }
0x4f0: {  	v12 =	vmul.f32 v12, v8;
	_ =	sdelay $0x1  }
0x4f1: {  	v61 =	vmov s28;
	[tilespmem:v10+s29+$0x0] =	vst.idx.msk $0xffff, v12  }
0x4f2: {  	v10 =	vand.u32 $0x7F, v61;
	v12 =	vld.idx.msk [tilespmem:v11+s29+$0x0], $0xffff  }
0x4f3: {  	v10 =	vbroadcast v10, $0x0;
	_ =	sdelay $0x1  }
0x4f4: {  	v62 =	vor.u32 v9, v10;
	_ =	sdelay $0x1  }
0x4f5: {  	v63 =	vmul.f32 v12, v8;
	_ =	sdelay $0x1  }
0x4f6: {  	[tilespmem:v11+s29+$0x0] =	vst.idx.msk $0xffff, v63  }
0x4f7: {  	v10 =	vld.idx.msk [tilespmem:v62+s29+$0x0], $0xffff;
	_ =	sdelay $0x4  }
0x4f8: {  	s0 =	sadd.s32 $0x1, s0;
	v8 =	vmul.f32 v10, v8  }
0x4f9: {  	p3 =	sne.s32 s0, $0x4F  }
.Ltmp9:
0x4fa: {  	s28 =	sadd.s32 $0x2800, s26;
	[tilespmem:v62+s29+$0x0] =	vst.idx.msk $0xffff, v8;
	(pc) =	sbr.rel @p3 .LBB2_4-.Ltmp9, $4  }
0x4fb: {  	[spmem:s3] =	stream.indirect.scatter.add.f32 [tilespmem:s29], [sflag:$0x2], $0x80, s28, s30, $0xb8;
	[tilespmem:$0x1F080] =	vst v63  }
0x4fc: {  	_ =	swait.ge [sflag:s25], $0x4000  }
0x4fd: {  	[sflag:s25] =	ssyncset.done $0x0  }
0x4fe: {  	[sflag:s25] =	ssyncadd.s32 $0xFFFFC000  }
0x4ff: {  	[bflag:$0x0] =	sbarrier.arrive $0xFFFF  }
0x500: {  	[tilespmem:s29], [sflag:$0x2] =	stream.linear.gather [spmem:s8], $0x2800, $0x38;
	[tilespmem:$0x1F080] =	vst v63  }
0x501: {  	_ =	swait.ge [sflag:s25], $0x2800  }
0x502: {  	[sflag:s25] =	ssyncset.done $0x0  }
0x503: {  	[sflag:s25] =	ssyncadd.s32 $0xFFFFD800  }
0x504: {  	[hbm4b:s11+s4] =	stream.linear.scatter [tilespmem:s29], [sflag:$0x2], $0x2800, $0x38;
	[tilespmem:$0x1F080] =	vst v63  }
0x505: {  	_ =	swait.ge [sflag:s25], $0x2800  }
0x506: {  	[sflag:s25] =	ssyncset.done $0x0  }
0x507: {  	[sflag:s25] =	ssyncadd.s32 $0xFFFFD800  }
0x508: {  	[tilespmem:s29], [sflag:$0x2] =	stream.linear.gather [spmem:s9], $0x2800, $0x38;
	[tilespmem:$0x1F080] =	vst v63  }
0x509: {  	_ =	swait.ge [sflag:s25], $0x2800  }
0x50a: {  	[sflag:s25] =	ssyncset.done $0x0  }
0x50b: {  	[sflag:s25] =	ssyncadd.s32 $0xFFFFD800  }
0x50c: {  	[hbm4b:s12+s4] =	stream.linear.scatter [tilespmem:s29], [sflag:$0x2], $0x2800, $0x38;
	[tilespmem:$0x1F080] =	vst v63  }
0x50d: {  	_ =	swait.ge [sflag:s25], $0x2800  }
0x50e: {  	[sflag:s25] =	ssyncset.done $0x0  }
0x50f: {  	[sflag:s25] =	ssyncadd.s32 $0xFFFFD800  }
0x510: {  	[tilespmem:s29], [sflag:$0x2] =	stream.linear.gather [spmem:s10], $0x2800, $0x38;
	[tilespmem:$0x1F080] =	vst v63  }
0x511: {  	_ =	swait.ge [sflag:s25], $0x2800  }
0x512: {  	[sflag:s25] =	ssyncset.done $0x0  }
0x513: {  	[sflag:s25] =	ssyncadd.s32 $0xFFFFD800  }
0x514: {  	[hbm4b:s13+s4] =	stream.linear.scatter [tilespmem:s29], [sflag:$0x2], $0x2800, $0x38;
	[tilespmem:$0x1F080] =	vst v63  }
0x515: {  	_ =	swait.ge [sflag:s25], $0x2800  }
0x516: {  	[sflag:s25] =	ssyncset.done $0x0  }
0x517: {  	[sflag:s25] =	ssyncadd.s32 $0xFFFFD800  }
0x518: {  	[tilespmem:s29], [sflag:$0x2] =	stream.linear.gather [spmem:s19], $0x2800, $0x38;
	[tilespmem:$0x1F080] =	vst v63  }
0x519: {  	_ =	swait.ge [sflag:s25], $0x2800  }
0x51a: {  	[sflag:s25] =	ssyncset.done $0x0  }
0x51b: {  	[sflag:s25] =	ssyncadd.s32 $0xFFFFD800  }
0x51c: {  	[hbm4b:s14+s4] =	stream.linear.scatter [tilespmem:s29], [sflag:$0x2], $0x2800, $0x38;
	[tilespmem:$0x1F080] =	vst v63  }
0x51d: {  	_ =	swait.ge [sflag:s25], $0x2800  }
0x51e: {  	[sflag:s25] =	ssyncset.done $0x0  }
0x51f: {  	[sflag:s25] =	ssyncadd.s32 $0xFFFFD800  }
0x520: {  	[tilespmem:s29], [sflag:$0x2] =	stream.linear.gather [spmem:s20], $0x2800, $0x38;
	[tilespmem:$0x1F080] =	vst v63  }
0x521: {  	_ =	swait.ge [sflag:s25], $0x2800  }
0x522: {  	[sflag:s25] =	ssyncset.done $0x0  }
0x523: {  	[sflag:s25] =	ssyncadd.s32 $0xFFFFD800  }
0x524: {  	[hbm4b:s15+s4] =	stream.linear.scatter [tilespmem:s29], [sflag:$0x2], $0x2800, $0x38;
	[tilespmem:$0x1F080] =	vst v63  }
0x525: {  	_ =	swait.ge [sflag:s25], $0x2800  }
0x526: {  	[sflag:s25] =	ssyncset.done $0x0  }
0x527: {  	s0 =	simm.s32 @!p2 $0x7800;
	s5 =	simm.s32 @!p2 $0x2;
	[sflag:s25] =	ssyncadd.s32 $0xFFFFD800  }
0x528: {  	[tilespmem:s0], [sflag:$0x2] =	stream.linear.gather @!p2 [spmem:s21], $0x2800, $0x38;
	[tilespmem:$0x1F080] =	vst v63  }
0x529: {  	_ =	swait.ge @!p2 [sflag:s5], $0x2800  }
0x52a: {  	[sflag:s5] =	ssyncset.done @!p2 $0x0  }
0x52b: {  	s6 =	simm.s32 @!p2 $0x0;
	[sflag:s5] =	ssyncadd.s32 @!p2 $0xFFFFD800  }
0x52c: {  	[hbm4b:s16+s6] =	stream.linear.scatter @!p2 [tilespmem:s0], [sflag:$0x2], $0x2800, $0x38;
	[tilespmem:$0x1F080] =	vst v63  }
0x52d: {  	_ =	swait.ge @!p2 [sflag:s5], $0x2800  }
0x52e: {  	[sflag:s5] =	ssyncset.done @!p2 $0x0  }
0x52f: {  	s0 =	simm.s32 @!p0 $0x7800;
	[sflag:s5] =	ssyncadd.s32 @!p2 $0xFFFFD800;
	s5 =	simm.s32 @!p0 $0x2  }
0x530: {  	[tilespmem:s0], [sflag:$0x2] =	stream.linear.gather @!p0 [spmem:s22], $0x2800, $0x38;
	[tilespmem:$0x1F080] =	vst v63  }
0x531: {  	_ =	swait.ge @!p0 [sflag:s5], $0x2800  }
0x532: {  	[sflag:s5] =	ssyncset.done @!p0 $0x0  }
0x533: {  	s6 =	simm.s32 @!p0 $0x0;
	[sflag:s5] =	ssyncadd.s32 @!p0 $0xFFFFD800  }
0x534: {  	[hbm4b:s17+s6] =	stream.linear.scatter @!p0 [tilespmem:s0], [sflag:$0x2], $0x2800, $0x38;
	[tilespmem:$0x1F080] =	vst v63  }
0x535: {  	_ =	swait.ge @!p0 [sflag:s5], $0x2800  }
0x536: {  	[sflag:s5] =	ssyncset.done @!p0 $0x0  }
0x537: {  	s0 =	simm.s32 @!p1 $0x7800;
	[sflag:s5] =	ssyncadd.s32 @!p0 $0xFFFFD800;
	s5 =	simm.s32 @!p1 $0x2  }
0x538: {  	[tilespmem:s0], [sflag:$0x2] =	stream.linear.gather @!p1 [spmem:s23], $0x2800, $0x38;
	[tilespmem:$0x1F080] =	vst v63  }
0x539: {  	s1 =	sadd.s32 $0x1, s1;
	_ =	swait.ge @!p1 [sflag:s5], $0x2800  }
0x53a: {  	p3 =	sne.s32 s1, s24;
	[sflag:s5] =	ssyncset.done @!p1 $0x0  }
.Ltmp10:
0x53b: {  	s6 =	simm.s32 @!p1 $0x0;
	[sflag:s5] =	ssyncadd.s32 @!p1 $0xFFFFD800;
	(pc) =	sbr.rel @p3 .LBB2_1-.Ltmp10, $4  }
0x53c: {  	[hbm4b:s18+s6] =	stream.linear.scatter @!p1 [tilespmem:s0], [sflag:$0x2], $0x2800, $0x38;
	[tilespmem:$0x1F080] =	vst v63  }
0x53d: {  	_ =	swait.ge @!p1 [sflag:s5], $0x2800  }
0x53e: {  	[sflag:s5] =	ssyncset.done @!p1 $0x0  }
0x53f: {  	[sflag:s5] =	ssyncadd.s32 @!p1 $0xFFFFD800  }
0x540: {  	_ =	sfence.sel $0x180000  }
0x541: {  	[bflag:$0x0] =	sbarrier.arrive $0xFFFF  }
0x542: {  	_ =	strace $0x90000047  }
0x543: {  	s0 =	stileid.u32;
	[bflag:$0x2] =	sbarrier.arrive $0xFFFF  }
0x544: {  	p0 =	sne.s32 s0, $0x0;
	s0 =	rddreg [dreg:$0x3]  }
0x545: {  	s0 =	sadd.s32 @!p0 $0x100000, s0  }
0x546: {  	[sflag:s0] =	ssyncadd.tile.s32 @!p0 $0x1;
	_ =	shalt  }
.Lfunc_end2:
_tile_overlayer_lowered:
.L_overlay_start_2:
0x547: {  	(tag) =	ssettag $0x2  }
0x548: {  	s0 =	rddreg [dreg:$0x0];
	s2 =	stileid.u32  }
0x549: {  	s1 =	rddreg [dreg:$0x1];
	p0 =	sne.s32 s2, $0x0  }
0x54a: {  	s3 =	rddreg [dreg:$0x2];
	[bflag:$0x3] =	sbarrier.arrive $0xFFFF;
	s2 =	simm.s32 @!p0 $0x1C02  }
0x54b: {  	[timem:s3], [sflag:s2] =	dma.local @!p0 [hbm:s0], s1  }
0x54c: {  	s0 =	simm.s32 @!p0 $0x2  }
0x54d: {  	_ =	swait.ge @!p0 [sflag:s0], s1  }
0x54e: {  	s1 =	ssub.s32 @!p0 $0x0, s1;
	[sflag:s0] =	ssyncset.done @!p0 $0x0  }
0x54f: {  	[sflag:s0] =	ssyncadd.s32 @!p0 s1  }
0x550: {  	[bflag:$0x3] =	sbarrier.arrive $0xFFFF  }
0x551: {  	_ =	shalt  }

</sc_bundles>
